<compile_context>
chip_gen: v7x
topology: tpu7x:2x2x1
jax: 0.10.2.dev20260603
libtpu: 0.0.44.dev20260713+nightly
codegen_flags: <defaults>
</compile_context>

<pallas_src>
import dataclasses
import functools

import jax
import jax.numpy as jnp
from jax import lax
from jax.experimental import pallas as pl
from jax.experimental.pallas import tpu as pltpu
from jax.experimental.pallas import tpu_sc as plsc

NC = 2
NS = 16
L = 16
W = 128
NT = NC * NS


@functools.lru_cache(maxsize=None)
def _sc_mesh():
    return plsc.VectorSubcoreMesh(core_axis_name="c", subcore_axis_name="s",
                                  num_cores=NC, num_subcores=NS)


_SC_PARAMS = pltpu.CompilerParams()
if "needs_layout_passes" in pltpu.CompilerParams.__dataclass_fields__:
    _SC_PARAMS = dataclasses.replace(_SC_PARAMS, needs_layout_passes=False)


def _pad_up(v, m):
    return (v + m - 1) // m * m


def _zero_rows(buf):
    @pl.loop(0, W)
    def _(e):
        for g in range(128 // L):
            buf[e, pl.ds(g * L, L)] = jnp.zeros((L,), jnp.float32)


def _zero_acc(buf, acc, s):
    rpt = acc.shape[0] // NS

    @pl.loop(0, rpt, step=W)
    def _(j):
        pltpu.sync_copy(buf, acc.at[pl.ds(s * rpt + j, W)])


def _sc_deg_body(dst_hbm, ew_hbm, deg_hbm, didx, ewb, stage, acc):
    c = lax.axis_index("c")
    s = lax.axis_index("s")
    ep = dst_hbm.shape[0]
    wpt = ep // (NT * W)
    np_ = acc.shape[0]
    rpt = np_ // NS
    wid = s * NC + c

    _zero_rows(stage)
    _zero_acc(stage, acc, s)
    plsc.subcore_barrier()

    @pl.loop(0, wpt)
    def _(w):
        base = (wid * wpt + w) * W
        pltpu.sync_copy(dst_hbm.at[pl.ds(base, W)], didx)
        pltpu.sync_copy(ew_hbm.at[pl.ds(base, W)], ewb)

        @pl.loop(0, W, step=4)
        def _(e):
            for k in range(4):
                ev = jnp.full((L,), e + k, jnp.int32)
                wv = plsc.load_gather(ewb, [ev])
                for g in range(128 // L):
                    stage[e + k, pl.ds(g * L, L)] = wv

        pltpu.sync_copy(stage, acc.at[didx], add=True)

    plsc.subcore_barrier()
    pltpu.sync_copy(acc.at[pl.ds(s * rpt, rpt)], deg_hbm.at[c, pl.ds(s * rpt, rpt)])


def _sc_deg(dst, ew, np_):
    out = jax.ShapeDtypeStruct((NC, np_, 128), jnp.float32)
    k = pl.kernel(
        _sc_deg_body,
        out_type=out,
        mesh=_sc_mesh(),
        scratch_types=[
            pltpu.VMEM((W,), jnp.int32),
            pltpu.VMEM((W,), jnp.float32),
            pltpu.VMEM((W, 128), jnp.float32),
            pltpu.VMEM_SHARED((np_, 128), jnp.float32),
        ],
        compiler_params=_SC_PARAMS,
    )
    return k(dst, ew)


def _sc_msg_body(hp_hbm, src_hbm, dst_hbm, ew_hbm, out_hbm,
                 sidx0, sidx1, didx0, didx1, ewb, rows, acc, semg0, semg1):
    c = lax.axis_index("c")
    s = lax.axis_index("s")
    ep = src_hbm.shape[0]
    wpt = ep // (NT * W)
    np_ = acc.shape[0]
    rpt = np_ // NS
    wid = s * NC + c

    _zero_rows(rows.at[0])
    _zero_acc(rows.at[0], acc, s)
    plsc.subcore_barrier()

    sidx = (sidx0, sidx1)
    didx = (didx0, didx1)
    semg = (semg0, semg1)

    def idx_load(w, b):
        base = (wid * wpt + w) * W
        pltpu.sync_copy(src_hbm.at[pl.ds(base, W)], sidx[b])
        pltpu.sync_copy(dst_hbm.at[pl.ds(base, W)], didx[b])
        pltpu.sync_copy(ew_hbm.at[pl.ds(base, W)], ewb.at[pl.ds(b * W, W)])

    def gather(b):
        pltpu.sync_copy(hp_hbm.at[sidx[b]], rows.at[b])

    def gather_wait(b):
        pass

    def scale(b):
        @pl.loop(0, W, step=4)
        def _(e):
            for k in range(4):
                ev = jnp.full((L,), b * W + e + k, jnp.int32)
                wv = plsc.load_gather(ewb, [ev])
                for g in range(128 // L):
                    sl = (b, e + k, pl.ds(g * L, L))
                    rows[sl] = rows[sl] * wv

    def consume(b):
        gather_wait(b)
        scale(b)
        pltpu.sync_copy(rows.at[b], acc.at[didx[b]], add=True)

    @pl.loop(0, wpt)
    def _(w):
        idx_load(w, 0)
        gather(0)
        consume(0)

    plsc.subcore_barrier()
    pltpu.sync_copy(acc.at[pl.ds(s * rpt, rpt)], out_hbm.at[c, pl.ds(s * rpt, rpt)])


def _sc_msg(hp, src, dst, ew, np_):
    out = jax.ShapeDtypeStruct((NC, np_, 128), jnp.float32)
    k = pl.kernel(
        _sc_msg_body,
        out_type=out,
        mesh=_sc_mesh(),
        scratch_types=[
            pltpu.VMEM((W,), jnp.int32),
            pltpu.VMEM((W,), jnp.int32),
            pltpu.VMEM((W,), jnp.int32),
            pltpu.VMEM((W,), jnp.int32),
            pltpu.VMEM((2 * W,), jnp.float32),
            pltpu.VMEM((2, W, 128), jnp.float32),
            pltpu.VMEM_SHARED((np_, 128), jnp.float32),
            pltpu.SemaphoreType.DMA,
            pltpu.SemaphoreType.DMA,
        ],
        compiler_params=_SC_PARAMS,
    )
    return k(hp, src, dst, ew)


def _dis_from_deg(deg_ref):
    d = deg_ref[0, :, 0] + deg_ref[1, :, 0]
    return lax.rsqrt(1.0 + d)


def _mm1_body(x_ref, w_ref, deg_ref, h_ref, hp_ref):
    h = jnp.dot(x_ref[...], w_ref[...], preferred_element_type=jnp.float32)
    h_ref[...] = h
    hp_ref[...] = _dis_from_deg(deg_ref)[:, None] * h


def _tc_mm1(x, w, deg2):
    n, d = x.shape
    b = 512
    return pl.pallas_call(
        _mm1_body,
        grid=(pl.cdiv(n, b),),
        in_specs=[pl.BlockSpec((b, d), lambda i: (i, 0)),
                  pl.BlockSpec((d, w.shape[1]), lambda i: (0, 0)),
                  pl.BlockSpec((NC, b, 128), lambda i: (0, i, 0))],
        out_specs=[pl.BlockSpec((b, d), lambda i: (i, 0)),
                   pl.BlockSpec((b, d), lambda i: (i, 0))],
        out_shape=[jax.ShapeDtypeStruct((n, d), jnp.float32),
                   jax.ShapeDtypeStruct((n, d), jnp.float32)],
    )(x, w, deg2)


def _mid_body(acc_ref, h_ref, deg_ref, b_ref, w_ref, h2_ref, hp2_ref):
    dis = _dis_from_deg(deg_ref)[:, None]
    s = acc_ref[0] + acc_ref[1]
    out1 = dis * s + (dis * dis) * h_ref[...] + b_ref[...]
    g = jnp.maximum(out1, 0.0)
    h2 = jnp.dot(g, w_ref[...], preferred_element_type=jnp.float32)
    h2_ref[...] = h2
    hp2_ref[...] = dis * h2


def _tc_mid(acc2, h1, deg2, b1, w2):
    n, d = h1.shape
    b = 512
    return pl.pallas_call(
        _mid_body,
        grid=(pl.cdiv(n, b),),
        in_specs=[pl.BlockSpec((NC, b, d), lambda i: (0, i, 0)),
                  pl.BlockSpec((b, d), lambda i: (i, 0)),
                  pl.BlockSpec((NC, b, 128), lambda i: (0, i, 0)),
                  pl.BlockSpec((1, d), lambda i: (0, 0)),
                  pl.BlockSpec((d, d), lambda i: (0, 0))],
        out_specs=[pl.BlockSpec((b, d), lambda i: (i, 0)),
                   pl.BlockSpec((b, d), lambda i: (i, 0))],
        out_shape=[jax.ShapeDtypeStruct((n, d), jnp.float32),
                   jax.ShapeDtypeStruct((n, d), jnp.float32)],
    )(acc2, h1, deg2, b1, w2)


def _final_body(acc_ref, h_ref, deg_ref, b_ref, o_ref):
    dis = _dis_from_deg(deg_ref)[:, None]
    s = acc_ref[0] + acc_ref[1]
    o_ref[...] = dis * s + (dis * dis) * h_ref[...] + b_ref[...]


def _tc_final(acc2, h2, deg2, b2):
    n, d = h2.shape
    b = 512
    return pl.pallas_call(
        _final_body,
        grid=(pl.cdiv(n, b),),
        in_specs=[pl.BlockSpec((NC, b, d), lambda i: (0, i, 0)),
                  pl.BlockSpec((b, d), lambda i: (i, 0)),
                  pl.BlockSpec((NC, b, 128), lambda i: (0, i, 0)),
                  pl.BlockSpec((1, d), lambda i: (0, 0))],
        out_specs=pl.BlockSpec((b, d), lambda i: (i, 0)),
        out_shape=jax.ShapeDtypeStruct((n, d), jnp.float32),
    )(acc2, h2, deg2, b2)


def kernel(x, edge_index, edge_weight, W1, b1, W2, b2):
    n = x.shape[0]
    e = edge_weight.shape[0]
    ep = _pad_up(e, NT * W)
    np_ = _pad_up(n, NS * W)
    pad = ep - e
    wpt = ep // (NT * W)

    src = jnp.concatenate([edge_index[0], jnp.zeros((pad,), jnp.int32)])
    dst = jnp.concatenate([edge_index[1], jnp.zeros((pad,), jnp.int32)])
    ew = jnp.concatenate([edge_weight, jnp.zeros((pad,), jnp.float32)])
    b1r = b1.reshape(1, -1)
    b2r = b2.reshape(1, -1)

    deg2 = _sc_deg(dst, ew, np_)
    h1, hp1 = _tc_mm1(x, W1, deg2)
    acc1 = _sc_msg(hp1, src, dst, ew, np_)[:, :n]
    h2, hp2 = _tc_mid(acc1, h1, deg2, b1r, W2)
    acc2 = _sc_msg(hp2, src, dst, ew, np_)[:, :n]
    return _tc_final(acc2, h2, deg2, b2r)

# --- scband reference (transcript-rebuilt; emitter-appended) ---
"""Pipeline reference for scband-gcnn-29738353558039 (READ-ONLY COPY).

The authoritative reference and input builder live on the scoring server;
editing this copy changes nothing except your own understanding.
"""

import jax, jax.numpy as jnp
import numpy as np

N = 10000
E = 320000
D_IN = 128
D_HID = 128
D_OUT = 128


def setup_inputs(seed: int = 0) -> dict:
    key = jax.random.key(seed)
    k1, k2, k3, k4, k5, k6, k7 = jax.random.split(key, 7)
    x = jax.random.normal(k1, (N, D_IN), dtype=jnp.float32)
    edge_index = jax.random.randint(k2, (2, E), 0, N, dtype=jnp.int32)
    edge_weight = jax.random.uniform(k3, (E,), dtype=jnp.float32)
    W1 = jax.random.normal(k4, (D_IN, D_HID), dtype=jnp.float32) * (1.0 / np.sqrt(D_IN))
    b1 = jnp.zeros((D_HID,), dtype=jnp.float32)
    W2 = jax.random.normal(k5, (D_HID, D_OUT), dtype=jnp.float32) * (1.0 / np.sqrt(D_HID))
    b2 = jnp.zeros((D_OUT,), dtype=jnp.float32)
    return {"x": x, "edge_index": edge_index, "edge_weight": edge_weight,
            "W1": W1, "b1": b1, "W2": W2, "b2": b2}


def gcn_conv(x, edge_index, edge_weight, W, b):
    # PyG GCNConv: add self-loops (fill 1.0), symmetric normalization, linear, scatter-add, bias
    num_nodes = x.shape[0]
    src = edge_index[0]
    dst = edge_index[1]
    loop = jnp.arange(num_nodes, dtype=src.dtype)
    src_sl = jnp.concatenate([src, loop])
    dst_sl = jnp.concatenate([dst, loop])
    ew_sl = jnp.concatenate([edge_weight, jnp.ones((num_nodes,), dtype=edge_weight.dtype)])
    deg = jax.ops.segment_sum(ew_sl, dst_sl, num_segments=num_nodes)
    deg_inv_sqrt = jnp.where(deg > 0, jax.lax.rsqrt(jnp.where(deg > 0, deg, 1.0)), 0.0)
    norm = deg_inv_sqrt[src_sl] * ew_sl * deg_inv_sqrt[dst_sl]
    h = x @ W
    msgs = norm[:, None] * h[src_sl]
    out = jax.ops.segment_sum(msgs, dst_sl, num_segments=num_nodes)
    return out + b


def reference(x, edge_index, edge_weight, W1, b1, W2, b2):
    # dropout p=0.0 -> identity
    h = gcn_conv(x, edge_index, edge_weight, W1, b1)
    h = jax.nn.relu(h)
    out = gcn_conv(h, edge_index, edge_weight, W2, b2)
    return out

if __name__ == "__main__":
    import jax
    _d = setup_inputs()
    print(jax.jit(kernel)(*tuple(_d.values())))

</pallas_src>

<mosaic_0001>
#map = affine_map<(d0, d1) -> (0)>
#map1 = affine_map<(d0, d1) -> (0, 0, 0)>
module attributes {stable_mosaic.version = 14 : i64} {
  func.func @_sc_deg_body(%arg0: i32, %arg1: i32, %arg2: memref<323584xi32, #tpu.memory_space<hbm>>, %arg3: memref<323584xf32, #tpu.memory_space<hbm>>, %arg4: memref<2x10240x128xf32, #tpu.memory_space<hbm>>, %arg5: memref<128xi32, #tpu.memory_space<vmem>>, %arg6: memref<128xf32, #tpu.memory_space<vmem>>, %arg7: memref<128x128xf32, #tpu.memory_space<vmem>>, %arg8: memref<10240x128xf32, #tpu.memory_space<vmem_shared>>) attributes {dimension_semantics = [#tpu.dimension_semantics<core_parallel>, #tpu.dimension_semantics<subcore_parallel>], iteration_bounds = array<i64: 2, 16>, scalar_prefetch = 0 : i64, scratch_operands = 4 : i64, tpu.core_type = #tpu.core_type<sc_vector_subcore>, window_params = [{transform_indices = #map}, {transform_indices = #map}, {transform_indices = #map1}]} {
    %mul3A = arith.constant 2 : i32
    %mul3A_0 = arith.muli %arg1, %mul3A : i32
    %add3A = arith.addi %mul3A_0, %arg0 : i32
    %scan3A = arith.constant 0 : i32
    %scan3A_1 = arith.constant 128 : i32
    %scan3A_2 = arith.addi %scan3A, %scan3A_1 : i32
    %scan3A_3 = arith.constant 1 : i32
    scf.for %scan3A_20 = %scan3A to %scan3A_2 step %scan3A_3  : i32 {
      %mul3A_21 = arith.constant 1 : i32
      %mul3A_22 = arith.muli %scan3A_20, %mul3A_21 : i32
      %add3A_23 = arith.constant 0 : i32
      %add3A_24 = arith.addi %add3A_23, %mul3A_22 : i32
      %broadcast_in_dim3A = arith.constant 0.000000e+00 : f32
      %broadcast_in_dim3A_25 = vector.broadcast %broadcast_in_dim3A : f32 to vector<16xf32>
      %swap3A = arith.index_cast %add3A_24 : i32 to index
      %swap3A_26 = arith.constant 0 : index
      %swap3A_27 = tpu.vector_load %arg7[%swap3A, %swap3A_26] {strides = array<i32>} : memref<128x128xf32, #tpu.memory_space<vmem>>, vector<16xf32>,
      tpu.vector_store %arg7[%swap3A, %swap3A_26], %broadcast_in_dim3A_25 {strides = array<i32>} : memref<128x128xf32, #tpu.memory_space<vmem>>, vector<16xf32>,
      %broadcast_in_dim3A_28 = arith.constant 0.000000e+00 : f32
      %broadcast_in_dim3A_29 = vector.broadcast %broadcast_in_dim3A_28 : f32 to vector<16xf32>
      %swap3A_30 = arith.index_cast %add3A_24 : i32 to index
      %swap3A_31 = arith.constant 16 : index
      %swap3A_32 = tpu.vector_load %arg7[%swap3A_30, %swap3A_31] {strides = array<i32>} : memref<128x128xf32, #tpu.memory_space<vmem>>, vector<16xf32>,
      tpu.vector_store %arg7[%swap3A_30, %swap3A_31], %broadcast_in_dim3A_29 {strides = array<i32>} : memref<128x128xf32, #tpu.memory_space<vmem>>, vector<16xf32>,
      %broadcast_in_dim3A_33 = arith.constant 0.000000e+00 : f32
      %broadcast_in_dim3A_34 = vector.broadcast %broadcast_in_dim3A_33 : f32 to vector<16xf32>
      %swap3A_35 = arith.index_cast %add3A_24 : i32 to index
      %swap3A_36 = arith.constant 32 : index
      %swap3A_37 = tpu.vector_load %arg7[%swap3A_35, %swap3A_36] {strides = array<i32>} : memref<128x128xf32, #tpu.memory_space<vmem>>, vector<16xf32>,
      tpu.vector_store %arg7[%swap3A_35, %swap3A_36], %broadcast_in_dim3A_34 {strides = array<i32>} : memref<128x128xf32, #tpu.memory_space<vmem>>, vector<16xf32>,
      %broadcast_in_dim3A_38 = arith.constant 0.000000e+00 : f32
      %broadcast_in_dim3A_39 = vector.broadcast %broadcast_in_dim3A_38 : f32 to vector<16xf32>
      %swap3A_40 = arith.index_cast %add3A_24 : i32 to index
      %swap3A_41 = arith.constant 48 : index
      %swap3A_42 = tpu.vector_load %arg7[%swap3A_40, %swap3A_41] {strides = array<i32>} : memref<128x128xf32, #tpu.memory_space<vmem>>, vector<16xf32>,
      tpu.vector_store %arg7[%swap3A_40, %swap3A_41], %broadcast_in_dim3A_39 {strides = array<i32>} : memref<128x128xf32, #tpu.memory_space<vmem>>, vector<16xf32>,
      %broadcast_in_dim3A_43 = arith.constant 0.000000e+00 : f32
      %broadcast_in_dim3A_44 = vector.broadcast %broadcast_in_dim3A_43 : f32 to vector<16xf32>
      %swap3A_45 = arith.index_cast %add3A_24 : i32 to index
      %swap3A_46 = arith.constant 64 : index
      %swap3A_47 = tpu.vector_load %arg7[%swap3A_45, %swap3A_46] {strides = array<i32>} : memref<128x128xf32, #tpu.memory_space<vmem>>, vector<16xf32>,
      tpu.vector_store %arg7[%swap3A_45, %swap3A_46], %broadcast_in_dim3A_44 {strides = array<i32>} : memref<128x128xf32, #tpu.memory_space<vmem>>, vector<16xf32>,
      %broadcast_in_dim3A_48 = arith.constant 0.000000e+00 : f32
      %broadcast_in_dim3A_49 = vector.broadcast %broadcast_in_dim3A_48 : f32 to vector<16xf32>
      %swap3A_50 = arith.index_cast %add3A_24 : i32 to index
      %swap3A_51 = arith.constant 80 : index
      %swap3A_52 = tpu.vector_load %arg7[%swap3A_50, %swap3A_51] {strides = array<i32>} : memref<128x128xf32, #tpu.memory_space<vmem>>, vector<16xf32>,
      tpu.vector_store %arg7[%swap3A_50, %swap3A_51], %broadcast_in_dim3A_49 {strides = array<i32>} : memref<128x128xf32, #tpu.memory_space<vmem>>, vector<16xf32>,
      %broadcast_in_dim3A_53 = arith.constant 0.000000e+00 : f32
      %broadcast_in_dim3A_54 = vector.broadcast %broadcast_in_dim3A_53 : f32 to vector<16xf32>
      %swap3A_55 = arith.index_cast %add3A_24 : i32 to index
      %swap3A_56 = arith.constant 96 : index
      %swap3A_57 = tpu.vector_load %arg7[%swap3A_55, %swap3A_56] {strides = array<i32>} : memref<128x128xf32, #tpu.memory_space<vmem>>, vector<16xf32>,
      tpu.vector_store %arg7[%swap3A_55, %swap3A_56], %broadcast_in_dim3A_54 {strides = array<i32>} : memref<128x128xf32, #tpu.memory_space<vmem>>, vector<16xf32>,
      %broadcast_in_dim3A_58 = arith.constant 0.000000e+00 : f32
      %broadcast_in_dim3A_59 = vector.broadcast %broadcast_in_dim3A_58 : f32 to vector<16xf32>
      %swap3A_60 = arith.index_cast %add3A_24 : i32 to index
      %swap3A_61 = arith.constant 112 : index
      %swap3A_62 = tpu.vector_load %arg7[%swap3A_60, %swap3A_61] {strides = array<i32>} : memref<128x128xf32, #tpu.memory_space<vmem>>, vector<16xf32>,
      tpu.vector_store %arg7[%swap3A_60, %swap3A_61], %broadcast_in_dim3A_59 {strides = array<i32>} : memref<128x128xf32, #tpu.memory_space<vmem>>, vector<16xf32>,
    }
    %scan3A_4 = arith.constant 128 : i32
    %scan3A_5 = arith.constant 0 : i32
    %scan3A_6 = arith.constant 5 : i32
    %scan3A_7 = arith.addi %scan3A_5, %scan3A_6 : i32
    %scan3A_8 = arith.constant 1 : i32
    scf.for %scan3A_20 = %scan3A_5 to %scan3A_7 step %scan3A_8  : i32 {
      %mul3A_21 = arith.constant 128 : i32
      %mul3A_22 = arith.muli %scan3A_20, %mul3A_21 : i32
      %add3A_23 = arith.constant 0 : i32
      %add3A_24 = arith.addi %add3A_23, %mul3A_22 : i32
      %mul3A_25 = arith.constant 640 : i32
      %mul3A_26 = arith.muli %arg1, %mul3A_25 : i32
      %add3A_27 = arith.addi %mul3A_26, %add3A_24 : i32
      "tpu.region"() ({
        %run_scoped3A = tpu.sem_alloc : memref<!tpu.dma_semaphore, #tpu.memory_space<semaphore_mem>>
        %dma_start3A = arith.constant 0 : i32
        %dma_start3A_28 = tpu.memref_slice %arg8[%add3A_27, %dma_start3A] : memref<10240x128xf32, #tpu.memory_space<vmem_shared>> -> memref<128x128xf32, #tpu.memory_space<vmem_shared>>
        %dma_start3A_29 = arith.constant 0 : i32
        %dma_start3A_30 = tpu.memref_slice %arg8[%add3A_27, %dma_start3A_29] : memref<10240x128xf32, #tpu.memory_space<vmem_shared>> -> memref<128x128xf32, #tpu.memory_space<vmem_shared>>
        tpu.enqueue_dma source(%arg7 : memref<128x128xf32, #tpu.memory_space<vmem>>) target(%dma_start3A_30 : memref<128x128xf32, #tpu.memory_space<vmem_shared>>) target_semaphore(%run_scoped3A : memref<!tpu.dma_semaphore, #tpu.memory_space<semaphore_mem>>)
        %dma_wait3A = arith.constant 0 : i32
        %dma_wait3A_31 = tpu.memref_slice %arg8[%add3A_27, %dma_wait3A] : memref<10240x128xf32, #tpu.memory_space<vmem_shared>> -> memref<128x128xf32, #tpu.memory_space<vmem_shared>>
        %dma_wait3A_32 = arith.constant 0 : i32
        %dma_wait3A_33 = tpu.memref_slice %arg8[%add3A_27, %dma_wait3A_32] : memref<10240x128xf32, #tpu.memory_space<vmem_shared>> -> memref<128x128xf32, #tpu.memory_space<vmem_shared>>
        tpu.wait_dma2 semaphore(%run_scoped3A : memref<!tpu.dma_semaphore, #tpu.memory_space<semaphore_mem>>) src(%arg7 : memref<128x128xf32, #tpu.memory_space<vmem>>) dst(%dma_wait3A_33 : memref<128x128xf32, #tpu.memory_space<vmem_shared>>)
        tpu.yield
      }) : () -> ()
    }
    %scan3A_9 = arith.constant 5 : i32
    %barrier3A = arith.constant 0 : index
    tpu.barrier barrier_id(%barrier3A)
    %scan3A_10 = arith.constant 0 : i32
    %scan3A_11 = arith.constant 79 : i32
    %scan3A_12 = arith.addi %scan3A_10, %scan3A_11 : i32
    %scan3A_13 = arith.constant 1 : i32
    scf.for %scan3A_20 = %scan3A_10 to %scan3A_12 step %scan3A_13  : i32 {
      %mul3A_21 = arith.constant 1 : i32
      %mul3A_22 = arith.muli %scan3A_20, %mul3A_21 : i32
      %add3A_23 = arith.constant 0 : i32
      %add3A_24 = arith.addi %add3A_23, %mul3A_22 : i32
      %mul3A_25 = arith.constant 79 : i32
      %mul3A_26 = arith.muli %add3A, %mul3A_25 : i32
      %add3A_27 = arith.addi %mul3A_26, %add3A_24 : i32
      %mul3A_28 = arith.constant 128 : i32
      %mul3A_29 = arith.muli %add3A_27, %mul3A_28 : i32
      "tpu.region"() ({
        %run_scoped3A = tpu.sem_alloc : memref<!tpu.dma_semaphore, #tpu.memory_space<semaphore_mem>>
        %dma_start3A = tpu.memref_slice %arg2[%mul3A_29] : memref<323584xi32, #tpu.memory_space<hbm>> -> memref<128xi32, #tpu.memory_space<hbm>>
        %dma_start3A_35 = tpu.memref_slice %arg2[%mul3A_29] : memref<323584xi32, #tpu.memory_space<hbm>> -> memref<128xi32, #tpu.memory_space<hbm>>
        tpu.enqueue_dma source(%dma_start3A_35 : memref<128xi32, #tpu.memory_space<hbm>>) target(%arg5 : memref<128xi32, #tpu.memory_space<vmem>>) target_semaphore(%run_scoped3A : memref<!tpu.dma_semaphore, #tpu.memory_space<semaphore_mem>>)
        %dma_wait3A = tpu.memref_slice %arg2[%mul3A_29] : memref<323584xi32, #tpu.memory_space<hbm>> -> memref<128xi32, #tpu.memory_space<hbm>>
        %dma_wait3A_36 = tpu.memref_slice %arg2[%mul3A_29] : memref<323584xi32, #tpu.memory_space<hbm>> -> memref<128xi32, #tpu.memory_space<hbm>>
        tpu.wait_dma2 semaphore(%run_scoped3A : memref<!tpu.dma_semaphore, #tpu.memory_space<semaphore_mem>>) src(%dma_wait3A_36 : memref<128xi32, #tpu.memory_space<hbm>>) dst(%arg5 : memref<128xi32, #tpu.memory_space<vmem>>)
        tpu.yield
      }) : () -> ()
      "tpu.region"() ({
        %run_scoped3A = tpu.sem_alloc : memref<!tpu.dma_semaphore, #tpu.memory_space<semaphore_mem>>
        %dma_start3A = tpu.memref_slice %arg3[%mul3A_29] : memref<323584xf32, #tpu.memory_space<hbm>> -> memref<128xf32, #tpu.memory_space<hbm>>
        %dma_start3A_35 = tpu.memref_slice %arg3[%mul3A_29] : memref<323584xf32, #tpu.memory_space<hbm>> -> memref<128xf32, #tpu.memory_space<hbm>>
        tpu.enqueue_dma source(%dma_start3A_35 : memref<128xf32, #tpu.memory_space<hbm>>) target(%arg6 : memref<128xf32, #tpu.memory_space<vmem>>) target_semaphore(%run_scoped3A : memref<!tpu.dma_semaphore, #tpu.memory_space<semaphore_mem>>)
        %dma_wait3A = tpu.memref_slice %arg3[%mul3A_29] : memref<323584xf32, #tpu.memory_space<hbm>> -> memref<128xf32, #tpu.memory_space<hbm>>
        %dma_wait3A_36 = tpu.memref_slice %arg3[%mul3A_29] : memref<323584xf32, #tpu.memory_space<hbm>> -> memref<128xf32, #tpu.memory_space<hbm>>
        tpu.wait_dma2 semaphore(%run_scoped3A : memref<!tpu.dma_semaphore, #tpu.memory_space<semaphore_mem>>) src(%dma_wait3A_36 : memref<128xf32, #tpu.memory_space<hbm>>) dst(%arg6 : memref<128xf32, #tpu.memory_space<vmem>>)
        tpu.yield
      }) : () -> ()
      %scan3A_30 = arith.constant 0 : i32
      %scan3A_31 = arith.constant 32 : i32
      %scan3A_32 = arith.addi %scan3A_30, %scan3A_31 : i32
      %scan3A_33 = arith.constant 1 : i32
      scf.for %scan3A_35 = %scan3A_30 to %scan3A_32 step %scan3A_33  : i32 {
        %mul3A_36 = arith.constant 4 : i32
        %mul3A_37 = arith.muli %scan3A_35, %mul3A_36 : i32
        %add3A_38 = arith.constant 0 : i32
        %add3A_39 = arith.addi %add3A_38, %mul3A_37 : i32
        %add3A_40 = arith.constant 0 : i32
        %add3A_41 = arith.addi %add3A_39, %add3A_40 : i32
        %broadcast_in_dim3A = vector.broadcast %add3A_41 : i32 to vector<16xi32>
        %gather3A = tpu.vector_load_idx %arg6[%broadcast_in_dim3A] : memref<128xf32, #tpu.memory_space<vmem>>[vector<16xi32>], vector<16xf32>,
        %add3A_42 = arith.constant 0 : i32
        %add3A_43 = arith.addi %add3A_39, %add3A_42 : i32
        %swap3A = arith.index_cast %add3A_43 : i32 to index
        %swap3A_44 = arith.constant 0 : index
        %swap3A_45 = tpu.vector_load %arg7[%swap3A, %swap3A_44] {strides = array<i32>} : memref<128x128xf32, #tpu.memory_space<vmem>>, vector<16xf32>,
        tpu.vector_store %arg7[%swap3A, %swap3A_44], %gather3A {strides = array<i32>} : memref<128x128xf32, #tpu.memory_space<vmem>>, vector<16xf32>,
        %add3A_46 = arith.constant 0 : i32
        %add3A_47 = arith.addi %add3A_39, %add3A_46 : i32
        %swap3A_48 = arith.index_cast %add3A_47 : i32 to index
        %swap3A_49 = arith.constant 16 : index
        %swap3A_50 = tpu.vector_load %arg7[%swap3A_48, %swap3A_49] {strides = array<i32>} : memref<128x128xf32, #tpu.memory_space<vmem>>, vector<16xf32>,
        tpu.vector_store %arg7[%swap3A_48, %swap3A_49], %gather3A {strides = array<i32>} : memref<128x128xf32, #tpu.memory_space<vmem>>, vector<16xf32>,
        %add3A_51 = arith.constant 0 : i32
        %add3A_52 = arith.addi %add3A_39, %add3A_51 : i32
        %swap3A_53 = arith.index_cast %add3A_52 : i32 to index
        %swap3A_54 = arith.constant 32 : index
        %swap3A_55 = tpu.vector_load %arg7[%swap3A_53, %swap3A_54] {strides = array<i32>} : memref<128x128xf32, #tpu.memory_space<vmem>>, vector<16xf32>,
        tpu.vector_store %arg7[%swap3A_53, %swap3A_54], %gather3A {strides = array<i32>} : memref<128x128xf32, #tpu.memory_space<vmem>>, vector<16xf32>,
        %add3A_56 = arith.constant 0 : i32
        %add3A_57 = arith.addi %add3A_39, %add3A_56 : i32
        %swap3A_58 = arith.index_cast %add3A_57 : i32 to index
        %swap3A_59 = arith.constant 48 : index
        %swap3A_60 = tpu.vector_load %arg7[%swap3A_58, %swap3A_59] {strides = array<i32>} : memref<128x128xf32, #tpu.memory_space<vmem>>, vector<16xf32>,
        tpu.vector_store %arg7[%swap3A_58, %swap3A_59], %gather3A {strides = array<i32>} : memref<128x128xf32, #tpu.memory_space<vmem>>, vector<16xf32>,
        %add3A_61 = arith.constant 0 : i32
        %add3A_62 = arith.addi %add3A_39, %add3A_61 : i32
        %swap3A_63 = arith.index_cast %add3A_62 : i32 to index
        %swap3A_64 = arith.constant 64 : index
        %swap3A_65 = tpu.vector_load %arg7[%swap3A_63, %swap3A_64] {strides = array<i32>} : memref<128x128xf32, #tpu.memory_space<vmem>>, vector<16xf32>,
        tpu.vector_store %arg7[%swap3A_63, %swap3A_64], %gather3A {strides = array<i32>} : memref<128x128xf32, #tpu.memory_space<vmem>>, vector<16xf32>,
        %add3A_66 = arith.constant 0 : i32
        %add3A_67 = arith.addi %add3A_39, %add3A_66 : i32
        %swap3A_68 = arith.index_cast %add3A_67 : i32 to index
        %swap3A_69 = arith.constant 80 : index
        %swap3A_70 = tpu.vector_load %arg7[%swap3A_68, %swap3A_69] {strides = array<i32>} : memref<128x128xf32, #tpu.memory_space<vmem>>, vector<16xf32>,
        tpu.vector_store %arg7[%swap3A_68, %swap3A_69], %gather3A {strides = array<i32>} : memref<128x128xf32, #tpu.memory_space<vmem>>, vector<16xf32>,
        %add3A_71 = arith.constant 0 : i32
        %add3A_72 = arith.addi %add3A_39, %add3A_71 : i32
        %swap3A_73 = arith.index_cast %add3A_72 : i32 to index
        %swap3A_74 = arith.constant 96 : index
        %swap3A_75 = tpu.vector_load %arg7[%swap3A_73, %swap3A_74] {strides = array<i32>} : memref<128x128xf32, #tpu.memory_space<vmem>>, vector<16xf32>,
        tpu.vector_store %arg7[%swap3A_73, %swap3A_74], %gather3A {strides = array<i32>} : memref<128x128xf32, #tpu.memory_space<vmem>>, vector<16xf32>,
        %add3A_76 = arith.constant 0 : i32
        %add3A_77 = arith.addi %add3A_39, %add3A_76 : i32
        %swap3A_78 = arith.index_cast %add3A_77 : i32 to index
        %swap3A_79 = arith.constant 112 : index
        %swap3A_80 = tpu.vector_load %arg7[%swap3A_78, %swap3A_79] {strides = array<i32>} : memref<128x128xf32, #tpu.memory_space<vmem>>, vector<16xf32>,
        tpu.vector_store %arg7[%swap3A_78, %swap3A_79], %gather3A {strides = array<i32>} : memref<128x128xf32, #tpu.memory_space<vmem>>, vector<16xf32>,
        %add3A_81 = arith.constant 1 : i32
        %add3A_82 = arith.addi %add3A_39, %add3A_81 : i32
        %broadcast_in_dim3A_83 = vector.broadcast %add3A_82 : i32 to vector<16xi32>
        %gather3A_84 = tpu.vector_load_idx %arg6[%broadcast_in_dim3A_83] : memref<128xf32, #tpu.memory_space<vmem>>[vector<16xi32>], vector<16xf32>,
        %add3A_85 = arith.constant 1 : i32
        %add3A_86 = arith.addi %add3A_39, %add3A_85 : i32
        %swap3A_87 = arith.index_cast %add3A_86 : i32 to index
        %swap3A_88 = arith.constant 0 : index
        %swap3A_89 = tpu.vector_load %arg7[%swap3A_87, %swap3A_88] {strides = array<i32>} : memref<128x128xf32, #tpu.memory_space<vmem>>, vector<16xf32>,
        tpu.vector_store %arg7[%swap3A_87, %swap3A_88], %gather3A_84 {strides = array<i32>} : memref<128x128xf32, #tpu.memory_space<vmem>>, vector<16xf32>,
        %add3A_90 = arith.constant 1 : i32
        %add3A_91 = arith.addi %add3A_39, %add3A_90 : i32
        %swap3A_92 = arith.index_cast %add3A_91 : i32 to index
        %swap3A_93 = arith.constant 16 : index
        %swap3A_94 = tpu.vector_load %arg7[%swap3A_92, %swap3A_93] {strides = array<i32>} : memref<128x128xf32, #tpu.memory_space<vmem>>, vector<16xf32>,
        tpu.vector_store %arg7[%swap3A_92, %swap3A_93], %gather3A_84 {strides = array<i32>} : memref<128x128xf32, #tpu.memory_space<vmem>>, vector<16xf32>,
        %add3A_95 = arith.constant 1 : i32
        %add3A_96 = arith.addi %add3A_39, %add3A_95 : i32
        %swap3A_97 = arith.index_cast %add3A_96 : i32 to index
        %swap3A_98 = arith.constant 32 : index
        %swap3A_99 = tpu.vector_load %arg7[%swap3A_97, %swap3A_98] {strides = array<i32>} : memref<128x128xf32, #tpu.memory_space<vmem>>, vector<16xf32>,
        tpu.vector_store %arg7[%swap3A_97, %swap3A_98], %gather3A_84 {strides = array<i32>} : memref<128x128xf32, #tpu.memory_space<vmem>>, vector<16xf32>,
        %add3A_100 = arith.constant 1 : i32
        %add3A_101 = arith.addi %add3A_39, %add3A_100 : i32
        %swap3A_102 = arith.index_cast %add3A_101 : i32 to index
        %swap3A_103 = arith.constant 48 : index
        %swap3A_104 = tpu.vector_load %arg7[%swap3A_102, %swap3A_103] {strides = array<i32>} : memref<128x128xf32, #tpu.memory_space<vmem>>, vector<16xf32>,
        tpu.vector_store %arg7[%swap3A_102, %swap3A_103], %gather3A_84 {strides = array<i32>} : memref<128x128xf32, #tpu.memory_space<vmem>>, vector<16xf32>,
        %add3A_105 = arith.constant 1 : i32
        %add3A_106 = arith.addi %add3A_39, %add3A_105 : i32
        %swap3A_107 = arith.index_cast %add3A_106 : i32 to index
        %swap3A_108 = arith.constant 64 : index
        %swap3A_109 = tpu.vector_load %arg7[%swap3A_107, %swap3A_108] {strides = array<i32>} : memref<128x128xf32, #tpu.memory_space<vmem>>, vector<16xf32>,
        tpu.vector_store %arg7[%swap3A_107, %swap3A_108], %gather3A_84 {strides = array<i32>} : memref<128x128xf32, #tpu.memory_space<vmem>>, vector<16xf32>,
        %add3A_110 = arith.constant 1 : i32
        %add3A_111 = arith.addi %add3A_39, %add3A_110 : i32
        %swap3A_112 = arith.index_cast %add3A_111 : i32 to index
        %swap3A_113 = arith.constant 80 : index
        %swap3A_114 = tpu.vector_load %arg7[%swap3A_112, %swap3A_113] {strides = array<i32>} : memref<128x128xf32, #tpu.memory_space<vmem>>, vector<16xf32>,
        tpu.vector_store %arg7[%swap3A_112, %swap3A_113], %gather3A_84 {strides = array<i32>} : memref<128x128xf32, #tpu.memory_space<vmem>>, vector<16xf32>,
        %add3A_115 = arith.constant 1 : i32
        %add3A_116 = arith.addi %add3A_39, %add3A_115 : i32
        %swap3A_117 = arith.index_cast %add3A_116 : i32 to index
        %swap3A_118 = arith.constant 96 : index
        %swap3A_119 = tpu.vector_load %arg7[%swap3A_117, %swap3A_118] {strides = array<i32>} : memref<128x128xf32, #tpu.memory_space<vmem>>, vector<16xf32>,
        tpu.vector_store %arg7[%swap3A_117, %swap3A_118], %gather3A_84 {strides = array<i32>} : memref<128x128xf32, #tpu.memory_space<vmem>>, vector<16xf32>,
        %add3A_120 = arith.constant 1 : i32
        %add3A_121 = arith.addi %add3A_39, %add3A_120 : i32
        %swap3A_122 = arith.index_cast %add3A_121 : i32 to index
        %swap3A_123 = arith.constant 112 : index
        %swap3A_124 = tpu.vector_load %arg7[%swap3A_122, %swap3A_123] {strides = array<i32>} : memref<128x128xf32, #tpu.memory_space<vmem>>, vector<16xf32>,
        tpu.vector_store %arg7[%swap3A_122, %swap3A_123], %gather3A_84 {strides = array<i32>} : memref<128x128xf32, #tpu.memory_space<vmem>>, vector<16xf32>,
        %add3A_125 = arith.constant 2 : i32
        %add3A_126 = arith.addi %add3A_39, %add3A_125 : i32
        %broadcast_in_dim3A_127 = vector.broadcast %add3A_126 : i32 to vector<16xi32>
        %gather3A_128 = tpu.vector_load_idx %arg6[%broadcast_in_dim3A_127] : memref<128xf32, #tpu.memory_space<vmem>>[vector<16xi32>], vector<16xf32>,
        %add3A_129 = arith.constant 2 : i32
        %add3A_130 = arith.addi %add3A_39, %add3A_129 : i32
        %swap3A_131 = arith.index_cast %add3A_130 : i32 to index
        %swap3A_132 = arith.constant 0 : index
        %swap3A_133 = tpu.vector_load %arg7[%swap3A_131, %swap3A_132] {strides = array<i32>} : memref<128x128xf32, #tpu.memory_space<vmem>>, vector<16xf32>,
        tpu.vector_store %arg7[%swap3A_131, %swap3A_132], %gather3A_128 {strides = array<i32>} : memref<128x128xf32, #tpu.memory_space<vmem>>, vector<16xf32>,
        %add3A_134 = arith.constant 2 : i32
        %add3A_135 = arith.addi %add3A_39, %add3A_134 : i32
        %swap3A_136 = arith.index_cast %add3A_135 : i32 to index
        %swap3A_137 = arith.constant 16 : index
        %swap3A_138 = tpu.vector_load %arg7[%swap3A_136, %swap3A_137] {strides = array<i32>} : memref<128x128xf32, #tpu.memory_space<vmem>>, vector<16xf32>,
        tpu.vector_store %arg7[%swap3A_136, %swap3A_137], %gather3A_128 {strides = array<i32>} : memref<128x128xf32, #tpu.memory_space<vmem>>, vector<16xf32>,
        %add3A_139 = arith.constant 2 : i32
        %add3A_140 = arith.addi %add3A_39, %add3A_139 : i32
        %swap3A_141 = arith.index_cast %add3A_140 : i32 to index
        %swap3A_142 = arith.constant 32 : index
        %swap3A_143 = tpu.vector_load %arg7[%swap3A_141, %swap3A_142] {strides = array<i32>} : memref<128x128xf32, #tpu.memory_space<vmem>>, vector<16xf32>,
        tpu.vector_store %arg7[%swap3A_141, %swap3A_142], %gather3A_128 {strides = array<i32>} : memref<128x128xf32, #tpu.memory_space<vmem>>, vector<16xf32>,
        %add3A_144 = arith.constant 2 : i32
        %add3A_145 = arith.addi %add3A_39, %add3A_144 : i32
        %swap3A_146 = arith.index_cast %add3A_145 : i32 to index
        %swap3A_147 = arith.constant 48 : index
        %swap3A_148 = tpu.vector_load %arg7[%swap3A_146, %swap3A_147] {strides = array<i32>} : memref<128x128xf32, #tpu.memory_space<vmem>>, vector<16xf32>,
        tpu.vector_store %arg7[%swap3A_146, %swap3A_147], %gather3A_128 {strides = array<i32>} : memref<128x128xf32, #tpu.memory_space<vmem>>, vector<16xf32>,
        %add3A_149 = arith.constant 2 : i32
        %add3A_150 = arith.addi %add3A_39, %add3A_149 : i32
        %swap3A_151 = arith.index_cast %add3A_150 : i32 to index
        %swap3A_152 = arith.constant 64 : index
        %swap3A_153 = tpu.vector_load %arg7[%swap3A_151, %swap3A_152] {strides = array<i32>} : memref<128x128xf32, #tpu.memory_space<vmem>>, vector<16xf32>,
        tpu.vector_store %arg7[%swap3A_151, %swap3A_152], %gather3A_128 {strides = array<i32>} : memref<128x128xf32, #tpu.memory_space<vmem>>, vector<16xf32>,
        %add3A_154 = arith.constant 2 : i32
        %add3A_155 = arith.addi %add3A_39, %add3A_154 : i32
        %swap3A_156 = arith.index_cast %add3A_155 : i32 to index
        %swap3A_157 = arith.constant 80 : index
        %swap3A_158 = tpu.vector_load %arg7[%swap3A_156, %swap3A_157] {strides = array<i32>} : memref<128x128xf32, #tpu.memory_space<vmem>>, vector<16xf32>,
        tpu.vector_store %arg7[%swap3A_156, %swap3A_157], %gather3A_128 {strides = array<i32>} : memref<128x128xf32, #tpu.memory_space<vmem>>, vector<16xf32>,
        %add3A_159 = arith.constant 2 : i32
        %add3A_160 = arith.addi %add3A_39, %add3A_159 : i32
        %swap3A_161 = arith.index_cast %add3A_160 : i32 to index
        %swap3A_162 = arith.constant 96 : index
        %swap3A_163 = tpu.vector_load %arg7[%swap3A_161, %swap3A_162] {strides = array<i32>} : memref<128x128xf32, #tpu.memory_space<vmem>>, vector<16xf32>,
        tpu.vector_store %arg7[%swap3A_161, %swap3A_162], %gather3A_128 {strides = array<i32>} : memref<128x128xf32, #tpu.memory_space<vmem>>, vector<16xf32>,
        %add3A_164 = arith.constant 2 : i32
        %add3A_165 = arith.addi %add3A_39, %add3A_164 : i32
        %swap3A_166 = arith.index_cast %add3A_165 : i32 to index
        %swap3A_167 = arith.constant 112 : index
        %swap3A_168 = tpu.vector_load %arg7[%swap3A_166, %swap3A_167] {strides = array<i32>} : memref<128x128xf32, #tpu.memory_space<vmem>>, vector<16xf32>,
        tpu.vector_store %arg7[%swap3A_166, %swap3A_167], %gather3A_128 {strides = array<i32>} : memref<128x128xf32, #tpu.memory_space<vmem>>, vector<16xf32>,
        %add3A_169 = arith.constant 3 : i32
        %add3A_170 = arith.addi %add3A_39, %add3A_169 : i32
        %broadcast_in_dim3A_171 = vector.broadcast %add3A_170 : i32 to vector<16xi32>
        %gather3A_172 = tpu.vector_load_idx %arg6[%broadcast_in_dim3A_171] : memref<128xf32, #tpu.memory_space<vmem>>[vector<16xi32>], vector<16xf32>,
        %add3A_173 = arith.constant 3 : i32
        %add3A_174 = arith.addi %add3A_39, %add3A_173 : i32
        %swap3A_175 = arith.index_cast %add3A_174 : i32 to index
        %swap3A_176 = arith.constant 0 : index
        %swap3A_177 = tpu.vector_load %arg7[%swap3A_175, %swap3A_176] {strides = array<i32>} : memref<128x128xf32, #tpu.memory_space<vmem>>, vector<16xf32>,
        tpu.vector_store %arg7[%swap3A_175, %swap3A_176], %gather3A_172 {strides = array<i32>} : memref<128x128xf32, #tpu.memory_space<vmem>>, vector<16xf32>,
        %add3A_178 = arith.constant 3 : i32
        %add3A_179 = arith.addi %add3A_39, %add3A_178 : i32
        %swap3A_180 = arith.index_cast %add3A_179 : i32 to index
        %swap3A_181 = arith.constant 16 : index
        %swap3A_182 = tpu.vector_load %arg7[%swap3A_180, %swap3A_181] {strides = array<i32>} : memref<128x128xf32, #tpu.memory_space<vmem>>, vector<16xf32>,
        tpu.vector_store %arg7[%swap3A_180, %swap3A_181], %gather3A_172 {strides = array<i32>} : memref<128x128xf32, #tpu.memory_space<vmem>>, vector<16xf32>,
        %add3A_183 = arith.constant 3 : i32
        %add3A_184 = arith.addi %add3A_39, %add3A_183 : i32
        %swap3A_185 = arith.index_cast %add3A_184 : i32 to index
        %swap3A_186 = arith.constant 32 : index
        %swap3A_187 = tpu.vector_load %arg7[%swap3A_185, %swap3A_186] {strides = array<i32>} : memref<128x128xf32, #tpu.memory_space<vmem>>, vector<16xf32>,
        tpu.vector_store %arg7[%swap3A_185, %swap3A_186], %gather3A_172 {strides = array<i32>} : memref<128x128xf32, #tpu.memory_space<vmem>>, vector<16xf32>,
        %add3A_188 = arith.constant 3 : i32
        %add3A_189 = arith.addi %add3A_39, %add3A_188 : i32
        %swap3A_190 = arith.index_cast %add3A_189 : i32 to index
        %swap3A_191 = arith.constant 48 : index
        %swap3A_192 = tpu.vector_load %arg7[%swap3A_190, %swap3A_191] {strides = array<i32>} : memref<128x128xf32, #tpu.memory_space<vmem>>, vector<16xf32>,
        tpu.vector_store %arg7[%swap3A_190, %swap3A_191], %gather3A_172 {strides = array<i32>} : memref<128x128xf32, #tpu.memory_space<vmem>>, vector<16xf32>,
        %add3A_193 = arith.constant 3 : i32
        %add3A_194 = arith.addi %add3A_39, %add3A_193 : i32
        %swap3A_195 = arith.index_cast %add3A_194 : i32 to index
        %swap3A_196 = arith.constant 64 : index
        %swap3A_197 = tpu.vector_load %arg7[%swap3A_195, %swap3A_196] {strides = array<i32>} : memref<128x128xf32, #tpu.memory_space<vmem>>, vector<16xf32>,
        tpu.vector_store %arg7[%swap3A_195, %swap3A_196], %gather3A_172 {strides = array<i32>} : memref<128x128xf32, #tpu.memory_space<vmem>>, vector<16xf32>,
        %add3A_198 = arith.constant 3 : i32
        %add3A_199 = arith.addi %add3A_39, %add3A_198 : i32
        %swap3A_200 = arith.index_cast %add3A_199 : i32 to index
        %swap3A_201 = arith.constant 80 : index
        %swap3A_202 = tpu.vector_load %arg7[%swap3A_200, %swap3A_201] {strides = array<i32>} : memref<128x128xf32, #tpu.memory_space<vmem>>, vector<16xf32>,
        tpu.vector_store %arg7[%swap3A_200, %swap3A_201], %gather3A_172 {strides = array<i32>} : memref<128x128xf32, #tpu.memory_space<vmem>>, vector<16xf32>,
        %add3A_203 = arith.constant 3 : i32
        %add3A_204 = arith.addi %add3A_39, %add3A_203 : i32
        %swap3A_205 = arith.index_cast %add3A_204 : i32 to index
        %swap3A_206 = arith.constant 96 : index
        %swap3A_207 = tpu.vector_load %arg7[%swap3A_205, %swap3A_206] {strides = array<i32>} : memref<128x128xf32, #tpu.memory_space<vmem>>, vector<16xf32>,
        tpu.vector_store %arg7[%swap3A_205, %swap3A_206], %gather3A_172 {strides = array<i32>} : memref<128x128xf32, #tpu.memory_space<vmem>>, vector<16xf32>,
        %add3A_208 = arith.constant 3 : i32
        %add3A_209 = arith.addi %add3A_39, %add3A_208 : i32
        %swap3A_210 = arith.index_cast %add3A_209 : i32 to index
        %swap3A_211 = arith.constant 112 : index
        %swap3A_212 = tpu.vector_load %arg7[%swap3A_210, %swap3A_211] {strides = array<i32>} : memref<128x128xf32, #tpu.memory_space<vmem>>, vector<16xf32>,
        tpu.vector_store %arg7[%swap3A_210, %swap3A_211], %gather3A_172 {strides = array<i32>} : memref<128x128xf32, #tpu.memory_space<vmem>>, vector<16xf32>,
      }
      %scan3A_34 = arith.constant 32 : i32
      "tpu.region"() ({
        %run_scoped3A = tpu.sem_alloc : memref<!tpu.dma_semaphore, #tpu.memory_space<semaphore_mem>>
        %dma_start3A = arith.constant 0 : i32
        %dma_start3A_35 = arith.constant 0 : i32
        %dma_start3A_36 = tpu.memref_slice %arg8[%dma_start3A, %dma_start3A_35] : memref<10240x128xf32, #tpu.memory_space<vmem_shared>> -> memref<10240x128xf32, #tpu.memory_space<vmem_shared>>
        tpu.enqueue_indirect_dma source(%arg7 : memref<128x128xf32, #tpu.memory_space<vmem>>) target(%dma_start3A_36 : memref<10240x128xf32, #tpu.memory_space<vmem_shared>>) offsets(%arg5 : memref<128xi32, #tpu.memory_space<vmem>>) semaphore(%run_scoped3A : memref<!tpu.dma_semaphore, #tpu.memory_space<semaphore_mem>>) {add = true}
        %dma_wait3A = arith.constant 0 : i32
        %dma_wait3A_37 = arith.constant 0 : i32
        %dma_wait3A_38 = tpu.memref_slice %arg8[%dma_wait3A, %dma_wait3A_37] : memref<10240x128xf32, #tpu.memory_space<vmem_shared>> -> memref<10240x128xf32, #tpu.memory_space<vmem_shared>>
        tpu.wait_indirect_dma semaphore(%run_scoped3A : memref<!tpu.dma_semaphore, #tpu.memory_space<semaphore_mem>>) src(%arg7 : memref<128x128xf32, #tpu.memory_space<vmem>>) dst(%dma_wait3A_38 : memref<10240x128xf32, #tpu.memory_space<vmem_shared>>)
        tpu.yield
      }) : () -> ()
    }
    %scan3A_14 = arith.constant 79 : i32
    %barrier3A_15 = arith.constant 0 : index
    tpu.barrier barrier_id(%barrier3A_15)
    %mul3A_16 = arith.constant 640 : i32
    %mul3A_17 = arith.muli %arg1, %mul3A_16 : i32
    %mul3A_18 = arith.constant 640 : i32
    %mul3A_19 = arith.muli %arg1, %mul3A_18 : i32
    "tpu.region"() ({
      %run_scoped3A = tpu.sem_alloc : memref<!tpu.dma_semaphore, #tpu.memory_space<semaphore_mem>>
      %dma_start3A = arith.constant 0 : i32
      %dma_start3A_20 = tpu.memref_slice %arg4[%arg0, %mul3A_19, %dma_start3A] : memref<2x10240x128xf32, #tpu.memory_space<hbm>> -> memref<1x640x128xf32, #tpu.memory_space<hbm>>
      %dma_start3A_21 = tpu.memref_squeeze %dma_start3A_20 : memref<1x640x128xf32, #tpu.memory_space<hbm>> -> memref<640x128xf32, #tpu.memory_space<hbm>>
      %dma_start3A_22 = arith.constant 0 : i32
      %dma_start3A_23 = tpu.memref_slice %arg8[%mul3A_17, %dma_start3A_22] : memref<10240x128xf32, #tpu.memory_space<vmem_shared>> -> memref<640x128xf32, #tpu.memory_space<vmem_shared>>
      tpu.enqueue_dma source(%dma_start3A_23 : memref<640x128xf32, #tpu.memory_space<vmem_shared>>) target(%dma_start3A_21 : memref<640x128xf32, #tpu.memory_space<hbm>>) target_semaphore(%run_scoped3A : memref<!tpu.dma_semaphore, #tpu.memory_space<semaphore_mem>>)
      %dma_wait3A = arith.constant 0 : i32
      %dma_wait3A_24 = tpu.memref_slice %arg4[%arg0, %mul3A_19, %dma_wait3A] : memref<2x10240x128xf32, #tpu.memory_space<hbm>> -> memref<1x640x128xf32, #tpu.memory_space<hbm>>
      %dma_wait3A_25 = tpu.memref_squeeze %dma_wait3A_24 : memref<1x640x128xf32, #tpu.memory_space<hbm>> -> memref<640x128xf32, #tpu.memory_space<hbm>>
      %dma_wait3A_26 = arith.constant 0 : i32
      %dma_wait3A_27 = tpu.memref_slice %arg8[%mul3A_17, %dma_wait3A_26] : memref<10240x128xf32, #tpu.memory_space<vmem_shared>> -> memref<640x128xf32, #tpu.memory_space<vmem_shared>>
      tpu.wait_dma2 semaphore(%run_scoped3A : memref<!tpu.dma_semaphore, #tpu.memory_space<semaphore_mem>>) src(%dma_wait3A_27 : memref<640x128xf32, #tpu.memory_space<vmem_shared>>) dst(%dma_wait3A_25 : memref<640x128xf32, #tpu.memory_space<hbm>>)
      tpu.yield
    }) : () -> ()
    return
  }
}

#map = affine_map<(d0, d1) -> (0, 0)>
#map1 = affine_map<(d0, d1) -> (0)>
#map2 = affine_map<(d0, d1) -> (0, 0, 0)>
module attributes {stable_mosaic.version = 14 : i64} {
  func.func @_sc_msg_body(%arg0: i32, %arg1: i32, %arg2: memref<10000x128xf32, #tpu.memory_space<hbm>>, %arg3: memref<323584xi32, #tpu.memory_space<hbm>>, %arg4: memref<323584xi32, #tpu.memory_space<hbm>>, %arg5: memref<323584xf32, #tpu.memory_space<hbm>>, %arg6: memref<2x10240x128xf32, #tpu.memory_space<hbm>>, %arg7: memref<128xi32, #tpu.memory_space<vmem>>, %arg8: memref<128xi32, #tpu.memory_space<vmem>>, %arg9: memref<128xi32, #tpu.memory_space<vmem>>, %arg10: memref<128xi32, #tpu.memory_space<vmem>>, %arg11: memref<256xf32, #tpu.memory_space<vmem>>, %arg12: memref<2x128x128xf32, #tpu.memory_space<vmem>>, %arg13: memref<10240x128xf32, #tpu.memory_space<vmem_shared>>, %arg14: memref<!tpu.dma_semaphore, #tpu.memory_space<semaphore_mem>>, %arg15: memref<!tpu.dma_semaphore, #tpu.memory_space<semaphore_mem>>) attributes {dimension_semantics = [#tpu.dimension_semantics<core_parallel>, #tpu.dimension_semantics<subcore_parallel>], iteration_bounds = array<i64: 2, 16>, scalar_prefetch = 0 : i64, scratch_operands = 9 : i64, tpu.core_type = #tpu.core_type<sc_vector_subcore>, window_params = [{transform_indices = #map}, {transform_indices = #map1}, {transform_indices = #map1}, {transform_indices = #map1}, {transform_indices = #map2}]} {
    %mul3A = arith.constant 2 : i32
    %mul3A_0 = arith.muli %arg1, %mul3A : i32
    %add3A = arith.addi %mul3A_0, %arg0 : i32
    %scan3A = arith.constant 0 : i32
    %scan3A_1 = arith.constant 0 : i32
    %scan3A_2 = arith.constant 128 : i32
    %scan3A_3 = arith.addi %scan3A_1, %scan3A_2 : i32
    %scan3A_4 = arith.constant 1 : i32
    scf.for %scan3A_22 = %scan3A_1 to %scan3A_3 step %scan3A_4  : i32 {
      %mul3A_23 = arith.constant 1 : i32
      %mul3A_24 = arith.muli %scan3A_22, %mul3A_23 : i32
      %add3A_25 = arith.constant 0 : i32
      %add3A_26 = arith.addi %add3A_25, %mul3A_24 : i32
      %broadcast_in_dim3A = arith.constant 0.000000e+00 : f32
      %broadcast_in_dim3A_27 = vector.broadcast %broadcast_in_dim3A : f32 to vector<16xf32>
      %swap3A = arith.constant 0 : i32
      %swap3A_28 = arith.constant 0 : i32
      %swap3A_29 = tpu.memref_slice %arg12[%scan3A, %swap3A, %swap3A_28] : memref<2x128x128xf32, #tpu.memory_space<vmem>> -> memref<1x128x128xf32, #tpu.memory_space<vmem>>
      %swap3A_30 = tpu.memref_squeeze %swap3A_29 : memref<1x128x128xf32, #tpu.memory_space<vmem>> -> memref<128x128xf32, #tpu.memory_space<vmem>>
      %swap3A_31 = arith.index_cast %add3A_26 : i32 to index
      %swap3A_32 = arith.constant 0 : index
      %swap3A_33 = tpu.vector_load %swap3A_30[%swap3A_31, %swap3A_32] {strides = array<i32>} : memref<128x128xf32, #tpu.memory_space<vmem>>, vector<16xf32>,
      tpu.vector_store %swap3A_30[%swap3A_31, %swap3A_32], %broadcast_in_dim3A_27 {strides = array<i32>} : memref<128x128xf32, #tpu.memory_space<vmem>>, vector<16xf32>,
      %broadcast_in_dim3A_34 = arith.constant 0.000000e+00 : f32
      %broadcast_in_dim3A_35 = vector.broadcast %broadcast_in_dim3A_34 : f32 to vector<16xf32>
      %swap3A_36 = arith.constant 0 : i32
      %swap3A_37 = arith.constant 0 : i32
      %swap3A_38 = tpu.memref_slice %arg12[%scan3A, %swap3A_36, %swap3A_37] : memref<2x128x128xf32, #tpu.memory_space<vmem>> -> memref<1x128x128xf32, #tpu.memory_space<vmem>>
      %swap3A_39 = tpu.memref_squeeze %swap3A_38 : memref<1x128x128xf32, #tpu.memory_space<vmem>> -> memref<128x128xf32, #tpu.memory_space<vmem>>
      %swap3A_40 = arith.index_cast %add3A_26 : i32 to index
      %swap3A_41 = arith.constant 16 : index
      %swap3A_42 = tpu.vector_load %swap3A_39[%swap3A_40, %swap3A_41] {strides = array<i32>} : memref<128x128xf32, #tpu.memory_space<vmem>>, vector<16xf32>,
      tpu.vector_store %swap3A_39[%swap3A_40, %swap3A_41], %broadcast_in_dim3A_35 {strides = array<i32>} : memref<128x128xf32, #tpu.memory_space<vmem>>, vector<16xf32>,
      %broadcast_in_dim3A_43 = arith.constant 0.000000e+00 : f32
      %broadcast_in_dim3A_44 = vector.broadcast %broadcast_in_dim3A_43 : f32 to vector<16xf32>
      %swap3A_45 = arith.constant 0 : i32
      %swap3A_46 = arith.constant 0 : i32
      %swap3A_47 = tpu.memref_slice %arg12[%scan3A, %swap3A_45, %swap3A_46] : memref<2x128x128xf32, #tpu.memory_space<vmem>> -> memref<1x128x128xf32, #tpu.memory_space<vmem>>
      %swap3A_48 = tpu.memref_squeeze %swap3A_47 : memref<1x128x128xf32, #tpu.memory_space<vmem>> -> memref<128x128xf32, #tpu.memory_space<vmem>>
      %swap3A_49 = arith.index_cast %add3A_26 : i32 to index
      %swap3A_50 = arith.constant 32 : index
      %swap3A_51 = tpu.vector_load %swap3A_48[%swap3A_49, %swap3A_50] {strides = array<i32>} : memref<128x128xf32, #tpu.memory_space<vmem>>, vector<16xf32>,
      tpu.vector_store %swap3A_48[%swap3A_49, %swap3A_50], %broadcast_in_dim3A_44 {strides = array<i32>} : memref<128x128xf32, #tpu.memory_space<vmem>>, vector<16xf32>,
      %broadcast_in_dim3A_52 = arith.constant 0.000000e+00 : f32
      %broadcast_in_dim3A_53 = vector.broadcast %broadcast_in_dim3A_52 : f32 to vector<16xf32>
      %swap3A_54 = arith.constant 0 : i32
      %swap3A_55 = arith.constant 0 : i32
      %swap3A_56 = tpu.memref_slice %arg12[%scan3A, %swap3A_54, %swap3A_55] : memref<2x128x128xf32, #tpu.memory_space<vmem>> -> memref<1x128x128xf32, #tpu.memory_space<vmem>>
      %swap3A_57 = tpu.memref_squeeze %swap3A_56 : memref<1x128x128xf32, #tpu.memory_space<vmem>> -> memref<128x128xf32, #tpu.memory_space<vmem>>
      %swap3A_58 = arith.index_cast %add3A_26 : i32 to index
      %swap3A_59 = arith.constant 48 : index
      %swap3A_60 = tpu.vector_load %swap3A_57[%swap3A_58, %swap3A_59] {strides = array<i32>} : memref<128x128xf32, #tpu.memory_space<vmem>>, vector<16xf32>,
      tpu.vector_store %swap3A_57[%swap3A_58, %swap3A_59], %broadcast_in_dim3A_53 {strides = array<i32>} : memref<128x128xf32, #tpu.memory_space<vmem>>, vector<16xf32>,
      %broadcast_in_dim3A_61 = arith.constant 0.000000e+00 : f32
      %broadcast_in_dim3A_62 = vector.broadcast %broadcast_in_dim3A_61 : f32 to vector<16xf32>
      %swap3A_63 = arith.constant 0 : i32
      %swap3A_64 = arith.constant 0 : i32
      %swap3A_65 = tpu.memref_slice %arg12[%scan3A, %swap3A_63, %swap3A_64] : memref<2x128x128xf32, #tpu.memory_space<vmem>> -> memref<1x128x128xf32, #tpu.memory_space<vmem>>
      %swap3A_66 = tpu.memref_squeeze %swap3A_65 : memref<1x128x128xf32, #tpu.memory_space<vmem>> -> memref<128x128xf32, #tpu.memory_space<vmem>>
      %swap3A_67 = arith.index_cast %add3A_26 : i32 to index
      %swap3A_68 = arith.constant 64 : index
      %swap3A_69 = tpu.vector_load %swap3A_66[%swap3A_67, %swap3A_68] {strides = array<i32>} : memref<128x128xf32, #tpu.memory_space<vmem>>, vector<16xf32>,
      tpu.vector_store %swap3A_66[%swap3A_67, %swap3A_68], %broadcast_in_dim3A_62 {strides = array<i32>} : memref<128x128xf32, #tpu.memory_space<vmem>>, vector<16xf32>,
      %broadcast_in_dim3A_70 = arith.constant 0.000000e+00 : f32
      %broadcast_in_dim3A_71 = vector.broadcast %broadcast_in_dim3A_70 : f32 to vector<16xf32>
      %swap3A_72 = arith.constant 0 : i32
      %swap3A_73 = arith.constant 0 : i32
      %swap3A_74 = tpu.memref_slice %arg12[%scan3A, %swap3A_72, %swap3A_73] : memref<2x128x128xf32, #tpu.memory_space<vmem>> -> memref<1x128x128xf32, #tpu.memory_space<vmem>>
      %swap3A_75 = tpu.memref_squeeze %swap3A_74 : memref<1x128x128xf32, #tpu.memory_space<vmem>> -> memref<128x128xf32, #tpu.memory_space<vmem>>
      %swap3A_76 = arith.index_cast %add3A_26 : i32 to index
      %swap3A_77 = arith.constant 80 : index
      %swap3A_78 = tpu.vector_load %swap3A_75[%swap3A_76, %swap3A_77] {strides = array<i32>} : memref<128x128xf32, #tpu.memory_space<vmem>>, vector<16xf32>,
      tpu.vector_store %swap3A_75[%swap3A_76, %swap3A_77], %broadcast_in_dim3A_71 {strides = array<i32>} : memref<128x128xf32, #tpu.memory_space<vmem>>, vector<16xf32>,
      %broadcast_in_dim3A_79 = arith.constant 0.000000e+00 : f32
      %broadcast_in_dim3A_80 = vector.broadcast %broadcast_in_dim3A_79 : f32 to vector<16xf32>
      %swap3A_81 = arith.constant 0 : i32
      %swap3A_82 = arith.constant 0 : i32
      %swap3A_83 = tpu.memref_slice %arg12[%scan3A, %swap3A_81, %swap3A_82] : memref<2x128x128xf32, #tpu.memory_space<vmem>> -> memref<1x128x128xf32, #tpu.memory_space<vmem>>
      %swap3A_84 = tpu.memref_squeeze %swap3A_83 : memref<1x128x128xf32, #tpu.memory_space<vmem>> -> memref<128x128xf32, #tpu.memory_space<vmem>>
      %swap3A_85 = arith.index_cast %add3A_26 : i32 to index
      %swap3A_86 = arith.constant 96 : index
      %swap3A_87 = tpu.vector_load %swap3A_84[%swap3A_85, %swap3A_86] {strides = array<i32>} : memref<128x128xf32, #tpu.memory_space<vmem>>, vector<16xf32>,
      tpu.vector_store %swap3A_84[%swap3A_85, %swap3A_86], %broadcast_in_dim3A_80 {strides = array<i32>} : memref<128x128xf32, #tpu.memory_space<vmem>>, vector<16xf32>,
      %broadcast_in_dim3A_88 = arith.constant 0.000000e+00 : f32
      %broadcast_in_dim3A_89 = vector.broadcast %broadcast_in_dim3A_88 : f32 to vector<16xf32>
      %swap3A_90 = arith.constant 0 : i32
      %swap3A_91 = arith.constant 0 : i32
      %swap3A_92 = tpu.memref_slice %arg12[%scan3A, %swap3A_90, %swap3A_91] : memref<2x128x128xf32, #tpu.memory_space<vmem>> -> memref<1x128x128xf32, #tpu.memory_space<vmem>>
      %swap3A_93 = tpu.memref_squeeze %swap3A_92 : memref<1x128x128xf32, #tpu.memory_space<vmem>> -> memref<128x128xf32, #tpu.memory_space<vmem>>
      %swap3A_94 = arith.index_cast %add3A_26 : i32 to index
      %swap3A_95 = arith.constant 112 : index
      %swap3A_96 = tpu.vector_load %swap3A_93[%swap3A_94, %swap3A_95] {strides = array<i32>} : memref<128x128xf32, #tpu.memory_space<vmem>>, vector<16xf32>,
      tpu.vector_store %swap3A_93[%swap3A_94, %swap3A_95], %broadcast_in_dim3A_89 {strides = array<i32>} : memref<128x128xf32, #tpu.memory_space<vmem>>, vector<16xf32>,
    }
    %scan3A_5 = arith.constant 128 : i32
    %scan3A_6 = arith.constant 0 : i32
    %scan3A_7 = arith.constant 0 : i32
    %scan3A_8 = arith.constant 5 : i32
    %scan3A_9 = arith.addi %scan3A_7, %scan3A_8 : i32
    %scan3A_10 = arith.constant 1 : i32
    scf.for %scan3A_22 = %scan3A_7 to %scan3A_9 step %scan3A_10  : i32 {
      %mul3A_23 = arith.constant 128 : i32
      %mul3A_24 = arith.muli %scan3A_22, %mul3A_23 : i32
      %add3A_25 = arith.constant 0 : i32
      %add3A_26 = arith.addi %add3A_25, %mul3A_24 : i32
      %mul3A_27 = arith.constant 640 : i32
      %mul3A_28 = arith.muli %arg1, %mul3A_27 : i32
      %add3A_29 = arith.addi %mul3A_28, %add3A_26 : i32
      "tpu.region"() ({
        %run_scoped3A = tpu.sem_alloc : memref<!tpu.dma_semaphore, #tpu.memory_space<semaphore_mem>>
        %dma_start3A = arith.constant 0 : i32
        %dma_start3A_30 = arith.constant 0 : i32
        %dma_start3A_31 = tpu.memref_slice %arg12[%scan3A_6, %dma_start3A, %dma_start3A_30] : memref<2x128x128xf32, #tpu.memory_space<vmem>> -> memref<1x128x128xf32, #tpu.memory_space<vmem>>
        %dma_start3A_32 = tpu.memref_squeeze %dma_start3A_31 : memref<1x128x128xf32, #tpu.memory_space<vmem>> -> memref<128x128xf32, #tpu.memory_space<vmem>>
        %dma_start3A_33 = arith.constant 0 : i32
        %dma_start3A_34 = tpu.memref_slice %arg13[%add3A_29, %dma_start3A_33] : memref<10240x128xf32, #tpu.memory_space<vmem_shared>> -> memref<128x128xf32, #tpu.memory_space<vmem_shared>>
        %dma_start3A_35 = arith.constant 0 : i32
        %dma_start3A_36 = tpu.memref_slice %arg13[%add3A_29, %dma_start3A_35] : memref<10240x128xf32, #tpu.memory_space<vmem_shared>> -> memref<128x128xf32, #tpu.memory_space<vmem_shared>>
        %dma_start3A_37 = arith.constant 0 : i32
        %dma_start3A_38 = arith.constant 0 : i32
        %dma_start3A_39 = tpu.memref_slice %arg12[%scan3A_6, %dma_start3A_37, %dma_start3A_38] : memref<2x128x128xf32, #tpu.memory_space<vmem>> -> memref<1x128x128xf32, #tpu.memory_space<vmem>>
        %dma_start3A_40 = tpu.memref_squeeze %dma_start3A_39 : memref<1x128x128xf32, #tpu.memory_space<vmem>> -> memref<128x128xf32, #tpu.memory_space<vmem>>
        tpu.enqueue_dma source(%dma_start3A_40 : memref<128x128xf32, #tpu.memory_space<vmem>>) target(%dma_start3A_36 : memref<128x128xf32, #tpu.memory_space<vmem_shared>>) target_semaphore(%run_scoped3A : memref<!tpu.dma_semaphore, #tpu.memory_space<semaphore_mem>>)
        %dma_wait3A = arith.constant 0 : i32
        %dma_wait3A_41 = arith.constant 0 : i32
        %dma_wait3A_42 = tpu.memref_slice %arg12[%scan3A_6, %dma_wait3A, %dma_wait3A_41] : memref<2x128x128xf32, #tpu.memory_space<vmem>> -> memref<1x128x128xf32, #tpu.memory_space<vmem>>
        %dma_wait3A_43 = tpu.memref_squeeze %dma_wait3A_42 : memref<1x128x128xf32, #tpu.memory_space<vmem>> -> memref<128x128xf32, #tpu.memory_space<vmem>>
        %dma_wait3A_44 = arith.constant 0 : i32
        %dma_wait3A_45 = tpu.memref_slice %arg13[%add3A_29, %dma_wait3A_44] : memref<10240x128xf32, #tpu.memory_space<vmem_shared>> -> memref<128x128xf32, #tpu.memory_space<vmem_shared>>
        %dma_wait3A_46 = arith.constant 0 : i32
        %dma_wait3A_47 = tpu.memref_slice %arg13[%add3A_29, %dma_wait3A_46] : memref<10240x128xf32, #tpu.memory_space<vmem_shared>> -> memref<128x128xf32, #tpu.memory_space<vmem_shared>>
        %dma_wait3A_48 = arith.constant 0 : i32
        %dma_wait3A_49 = arith.constant 0 : i32
        %dma_wait3A_50 = tpu.memref_slice %arg12[%scan3A_6, %dma_wait3A_48, %dma_wait3A_49] : memref<2x128x128xf32, #tpu.memory_space<vmem>> -> memref<1x128x128xf32, #tpu.memory_space<vmem>>
        %dma_wait3A_51 = tpu.memref_squeeze %dma_wait3A_50 : memref<1x128x128xf32, #tpu.memory_space<vmem>> -> memref<128x128xf32, #tpu.memory_space<vmem>>
        tpu.wait_dma2 semaphore(%run_scoped3A : memref<!tpu.dma_semaphore, #tpu.memory_space<semaphore_mem>>) src(%dma_wait3A_51 : memref<128x128xf32, #tpu.memory_space<vmem>>) dst(%dma_wait3A_47 : memref<128x128xf32, #tpu.memory_space<vmem_shared>>)
        tpu.yield
      }) : () -> ()
    }
    %scan3A_11 = arith.constant 5 : i32
    %barrier3A = arith.constant 0 : index
    tpu.barrier barrier_id(%barrier3A)
    %scan3A_12 = arith.constant 0 : i32
    %scan3A_13 = arith.constant 79 : i32
    %scan3A_14 = arith.addi %scan3A_12, %scan3A_13 : i32
    %scan3A_15 = arith.constant 1 : i32
    scf.for %scan3A_22 = %scan3A_12 to %scan3A_14 step %scan3A_15  : i32 {
      %mul3A_23 = arith.constant 1 : i32
      %mul3A_24 = arith.muli %scan3A_22, %mul3A_23 : i32
      %add3A_25 = arith.constant 0 : i32
      %add3A_26 = arith.addi %add3A_25, %mul3A_24 : i32
      %mul3A_27 = arith.constant 79 : i32
      %mul3A_28 = arith.muli %add3A, %mul3A_27 : i32
      %add3A_29 = arith.addi %mul3A_28, %add3A_26 : i32
      %mul3A_30 = arith.constant 128 : i32
      %mul3A_31 = arith.muli %add3A_29, %mul3A_30 : i32
      "tpu.region"() ({
        %run_scoped3A_38 = tpu.sem_alloc : memref<!tpu.dma_semaphore, #tpu.memory_space<semaphore_mem>>
        %dma_start3A = tpu.memref_slice %arg3[%mul3A_31] : memref<323584xi32, #tpu.memory_space<hbm>> -> memref<128xi32, #tpu.memory_space<hbm>>
        %dma_start3A_39 = tpu.memref_slice %arg3[%mul3A_31] : memref<323584xi32, #tpu.memory_space<hbm>> -> memref<128xi32, #tpu.memory_space<hbm>>
        tpu.enqueue_dma source(%dma_start3A_39 : memref<128xi32, #tpu.memory_space<hbm>>) target(%arg7 : memref<128xi32, #tpu.memory_space<vmem>>) target_semaphore(%run_scoped3A_38 : memref<!tpu.dma_semaphore, #tpu.memory_space<semaphore_mem>>)
        %dma_wait3A = tpu.memref_slice %arg3[%mul3A_31] : memref<323584xi32, #tpu.memory_space<hbm>> -> memref<128xi32, #tpu.memory_space<hbm>>
        %dma_wait3A_40 = tpu.memref_slice %arg3[%mul3A_31] : memref<323584xi32, #tpu.memory_space<hbm>> -> memref<128xi32, #tpu.memory_space<hbm>>
        tpu.wait_dma2 semaphore(%run_scoped3A_38 : memref<!tpu.dma_semaphore, #tpu.memory_space<semaphore_mem>>) src(%dma_wait3A_40 : memref<128xi32, #tpu.memory_space<hbm>>) dst(%arg7 : memref<128xi32, #tpu.memory_space<vmem>>)
        tpu.yield
      }) : () -> ()
      "tpu.region"() ({
        %run_scoped3A_38 = tpu.sem_alloc : memref<!tpu.dma_semaphore, #tpu.memory_space<semaphore_mem>>
        %dma_start3A = tpu.memref_slice %arg4[%mul3A_31] : memref<323584xi32, #tpu.memory_space<hbm>> -> memref<128xi32, #tpu.memory_space<hbm>>
        %dma_start3A_39 = tpu.memref_slice %arg4[%mul3A_31] : memref<323584xi32, #tpu.memory_space<hbm>> -> memref<128xi32, #tpu.memory_space<hbm>>
        tpu.enqueue_dma source(%dma_start3A_39 : memref<128xi32, #tpu.memory_space<hbm>>) target(%arg9 : memref<128xi32, #tpu.memory_space<vmem>>) target_semaphore(%run_scoped3A_38 : memref<!tpu.dma_semaphore, #tpu.memory_space<semaphore_mem>>)
        %dma_wait3A = tpu.memref_slice %arg4[%mul3A_31] : memref<323584xi32, #tpu.memory_space<hbm>> -> memref<128xi32, #tpu.memory_space<hbm>>
        %dma_wait3A_40 = tpu.memref_slice %arg4[%mul3A_31] : memref<323584xi32, #tpu.memory_space<hbm>> -> memref<128xi32, #tpu.memory_space<hbm>>
        tpu.wait_dma2 semaphore(%run_scoped3A_38 : memref<!tpu.dma_semaphore, #tpu.memory_space<semaphore_mem>>) src(%dma_wait3A_40 : memref<128xi32, #tpu.memory_space<hbm>>) dst(%arg9 : memref<128xi32, #tpu.memory_space<vmem>>)
        tpu.yield
      }) : () -> ()
      "tpu.region"() ({
        %run_scoped3A_38 = tpu.sem_alloc : memref<!tpu.dma_semaphore, #tpu.memory_space<semaphore_mem>>
        %dma_start3A = arith.constant 0 : i32
        %dma_start3A_39 = tpu.memref_slice %arg11[%dma_start3A] : memref<256xf32, #tpu.memory_space<vmem>> -> memref<128xf32, #tpu.memory_space<vmem>>
        %dma_start3A_40 = tpu.memref_slice %arg5[%mul3A_31] : memref<323584xf32, #tpu.memory_space<hbm>> -> memref<128xf32, #tpu.memory_space<hbm>>
        %dma_start3A_41 = arith.constant 0 : i32
        %dma_start3A_42 = tpu.memref_slice %arg11[%dma_start3A_41] : memref<256xf32, #tpu.memory_space<vmem>> -> memref<128xf32, #tpu.memory_space<vmem>>
        %dma_start3A_43 = tpu.memref_slice %arg5[%mul3A_31] : memref<323584xf32, #tpu.memory_space<hbm>> -> memref<128xf32, #tpu.memory_space<hbm>>
        tpu.enqueue_dma source(%dma_start3A_43 : memref<128xf32, #tpu.memory_space<hbm>>) target(%dma_start3A_42 : memref<128xf32, #tpu.memory_space<vmem>>) target_semaphore(%run_scoped3A_38 : memref<!tpu.dma_semaphore, #tpu.memory_space<semaphore_mem>>)
        %dma_wait3A = arith.constant 0 : i32
        %dma_wait3A_44 = tpu.memref_slice %arg11[%dma_wait3A] : memref<256xf32, #tpu.memory_space<vmem>> -> memref<128xf32, #tpu.memory_space<vmem>>
        %dma_wait3A_45 = tpu.memref_slice %arg5[%mul3A_31] : memref<323584xf32, #tpu.memory_space<hbm>> -> memref<128xf32, #tpu.memory_space<hbm>>
        %dma_wait3A_46 = arith.constant 0 : i32
        %dma_wait3A_47 = tpu.memref_slice %arg11[%dma_wait3A_46] : memref<256xf32, #tpu.memory_space<vmem>> -> memref<128xf32, #tpu.memory_space<vmem>>
        %dma_wait3A_48 = tpu.memref_slice %arg5[%mul3A_31] : memref<323584xf32, #tpu.memory_space<hbm>> -> memref<128xf32, #tpu.memory_space<hbm>>
        tpu.wait_dma2 semaphore(%run_scoped3A_38 : memref<!tpu.dma_semaphore, #tpu.memory_space<semaphore_mem>>) src(%dma_wait3A_48 : memref<128xf32, #tpu.memory_space<hbm>>) dst(%dma_wait3A_47 : memref<128xf32, #tpu.memory_space<vmem>>)
        tpu.yield
      }) : () -> ()
      %run_scoped3A = arith.constant 0 : i32
      "tpu.region"() ({
        %run_scoped3A_38 = tpu.sem_alloc : memref<!tpu.dma_semaphore, #tpu.memory_space<semaphore_mem>>
        %dma_start3A = arith.constant 0 : i32
        %dma_start3A_39 = arith.constant 0 : i32
        %dma_start3A_40 = tpu.memref_slice %arg12[%run_scoped3A, %dma_start3A, %dma_start3A_39] : memref<2x128x128xf32, #tpu.memory_space<vmem>> -> memref<1x128x128xf32, #tpu.memory_space<vmem>>
        %dma_start3A_41 = tpu.memref_squeeze %dma_start3A_40 : memref<1x128x128xf32, #tpu.memory_space<vmem>> -> memref<128x128xf32, #tpu.memory_space<vmem>>
        %dma_start3A_42 = arith.constant 0 : i32
        %dma_start3A_43 = arith.constant 0 : i32
        %dma_start3A_44 = tpu.memref_slice %arg2[%dma_start3A_42, %dma_start3A_43] : memref<10000x128xf32, #tpu.memory_space<hbm>> -> memref<10000x128xf32, #tpu.memory_space<hbm>>
        tpu.enqueue_indirect_dma source(%dma_start3A_44 : memref<10000x128xf32, #tpu.memory_space<hbm>>) target(%dma_start3A_41 : memref<128x128xf32, #tpu.memory_space<vmem>>) offsets(%arg7 : memref<128xi32, #tpu.memory_space<vmem>>) semaphore(%run_scoped3A_38 : memref<!tpu.dma_semaphore, #tpu.memory_space<semaphore_mem>>)
        %dma_wait3A = arith.constant 0 : i32
        %dma_wait3A_45 = arith.constant 0 : i32
        %dma_wait3A_46 = tpu.memref_slice %arg12[%run_scoped3A, %dma_wait3A, %dma_wait3A_45] : memref<2x128x128xf32, #tpu.memory_space<vmem>> -> memref<1x128x128xf32, #tpu.memory_space<vmem>>
        %dma_wait3A_47 = tpu.memref_squeeze %dma_wait3A_46 : memref<1x128x128xf32, #tpu.memory_space<vmem>> -> memref<128x128xf32, #tpu.memory_space<vmem>>
        %dma_wait3A_48 = arith.constant 0 : i32
        %dma_wait3A_49 = arith.constant 0 : i32
        %dma_wait3A_50 = tpu.memref_slice %arg2[%dma_wait3A_48, %dma_wait3A_49] : memref<10000x128xf32, #tpu.memory_space<hbm>> -> memref<10000x128xf32, #tpu.memory_space<hbm>>
        tpu.wait_indirect_dma semaphore(%run_scoped3A_38 : memref<!tpu.dma_semaphore, #tpu.memory_space<semaphore_mem>>) src(%dma_wait3A_50 : memref<10000x128xf32, #tpu.memory_space<hbm>>) dst(%dma_wait3A_47 : memref<128x128xf32, #tpu.memory_space<vmem>>)
        tpu.yield
      }) : () -> ()
      %scan3A_32 = arith.constant 0 : i32
      %scan3A_33 = arith.constant 32 : i32
      %scan3A_34 = arith.addi %scan3A_32, %scan3A_33 : i32
      %scan3A_35 = arith.constant 1 : i32
      scf.for %scan3A_38 = %scan3A_32 to %scan3A_34 step %scan3A_35  : i32 {
        %mul3A_39 = arith.constant 4 : i32
        %mul3A_40 = arith.muli %scan3A_38, %mul3A_39 : i32
        %add3A_41 = arith.constant 0 : i32
        %add3A_42 = arith.addi %add3A_41, %mul3A_40 : i32
        %add3A_43 = arith.constant 0 : i32
        %add3A_44 = arith.addi %add3A_43, %add3A_42 : i32
        %add3A_45 = arith.constant 0 : i32
        %add3A_46 = arith.addi %add3A_44, %add3A_45 : i32
        %broadcast_in_dim3A = vector.broadcast %add3A_46 : i32 to vector<16xi32>
        %gather3A = tpu.vector_load_idx %arg11[%broadcast_in_dim3A] : memref<256xf32, #tpu.memory_space<vmem>>[vector<16xi32>], vector<16xf32>,
        %add3A_47 = arith.constant 0 : i32
        %add3A_48 = arith.addi %add3A_42, %add3A_47 : i32
        %get3A = arith.constant 0 : i32
        %get3A_49 = arith.index_cast %get3A : i32 to index
        %get3A_50 = arith.index_cast %add3A_48 : i32 to index
        %get3A_51 = arith.constant 0 : index
        %get3A_52 = tpu.vector_load %arg12[%get3A_49, %get3A_50, %get3A_51] {strides = array<i32>} : memref<2x128x128xf32, #tpu.memory_space<vmem>>, vector<16xf32>,
        %mul3A_53 = arith.mulf %get3A_52, %gather3A : vector<16xf32>
        %swap3A = arith.constant 0 : i32
        %swap3A_54 = arith.index_cast %swap3A : i32 to index
        %swap3A_55 = arith.index_cast %add3A_48 : i32 to index
        %swap3A_56 = arith.constant 0 : index
        %swap3A_57 = tpu.vector_load %arg12[%swap3A_54, %swap3A_55, %swap3A_56] {strides = array<i32>} : memref<2x128x128xf32, #tpu.memory_space<vmem>>, vector<16xf32>,
        tpu.vector_store %arg12[%swap3A_54, %swap3A_55, %swap3A_56], %mul3A_53 {strides = array<i32>} : memref<2x128x128xf32, #tpu.memory_space<vmem>>, vector<16xf32>,
        %add3A_58 = arith.constant 0 : i32
        %add3A_59 = arith.addi %add3A_42, %add3A_58 : i32
        %get3A_60 = arith.constant 0 : i32
        %get3A_61 = arith.index_cast %get3A_60 : i32 to index
        %get3A_62 = arith.index_cast %add3A_59 : i32 to index
        %get3A_63 = arith.constant 16 : index
        %get3A_64 = tpu.vector_load %arg12[%get3A_61, %get3A_62, %get3A_63] {strides = array<i32>} : memref<2x128x128xf32, #tpu.memory_space<vmem>>, vector<16xf32>,
        %mul3A_65 = arith.mulf %get3A_64, %gather3A : vector<16xf32>
        %swap3A_66 = arith.constant 0 : i32
        %swap3A_67 = arith.index_cast %swap3A_66 : i32 to index
        %swap3A_68 = arith.index_cast %add3A_59 : i32 to index
        %swap3A_69 = arith.constant 16 : index
        %swap3A_70 = tpu.vector_load %arg12[%swap3A_67, %swap3A_68, %swap3A_69] {strides = array<i32>} : memref<2x128x128xf32, #tpu.memory_space<vmem>>, vector<16xf32>,
        tpu.vector_store %arg12[%swap3A_67, %swap3A_68, %swap3A_69], %mul3A_65 {strides = array<i32>} : memref<2x128x128xf32, #tpu.memory_space<vmem>>, vector<16xf32>,
        %add3A_71 = arith.constant 0 : i32
        %add3A_72 = arith.addi %add3A_42, %add3A_71 : i32
        %get3A_73 = arith.constant 0 : i32
        %get3A_74 = arith.index_cast %get3A_73 : i32 to index
        %get3A_75 = arith.index_cast %add3A_72 : i32 to index
        %get3A_76 = arith.constant 32 : index
        %get3A_77 = tpu.vector_load %arg12[%get3A_74, %get3A_75, %get3A_76] {strides = array<i32>} : memref<2x128x128xf32, #tpu.memory_space<vmem>>, vector<16xf32>,
        %mul3A_78 = arith.mulf %get3A_77, %gather3A : vector<16xf32>
        %swap3A_79 = arith.constant 0 : i32
        %swap3A_80 = arith.index_cast %swap3A_79 : i32 to index
        %swap3A_81 = arith.index_cast %add3A_72 : i32 to index
        %swap3A_82 = arith.constant 32 : index
        %swap3A_83 = tpu.vector_load %arg12[%swap3A_80, %swap3A_81, %swap3A_82] {strides = array<i32>} : memref<2x128x128xf32, #tpu.memory_space<vmem>>, vector<16xf32>,
        tpu.vector_store %arg12[%swap3A_80, %swap3A_81, %swap3A_82], %mul3A_78 {strides = array<i32>} : memref<2x128x128xf32, #tpu.memory_space<vmem>>, vector<16xf32>,
        %add3A_84 = arith.constant 0 : i32
        %add3A_85 = arith.addi %add3A_42, %add3A_84 : i32
        %get3A_86 = arith.constant 0 : i32
        %get3A_87 = arith.index_cast %get3A_86 : i32 to index
        %get3A_88 = arith.index_cast %add3A_85 : i32 to index
        %get3A_89 = arith.constant 48 : index
        %get3A_90 = tpu.vector_load %arg12[%get3A_87, %get3A_88, %get3A_89] {strides = array<i32>} : memref<2x128x128xf32, #tpu.memory_space<vmem>>, vector<16xf32>,
        %mul3A_91 = arith.mulf %get3A_90, %gather3A : vector<16xf32>
        %swap3A_92 = arith.constant 0 : i32
        %swap3A_93 = arith.index_cast %swap3A_92 : i32 to index
        %swap3A_94 = arith.index_cast %add3A_85 : i32 to index
        %swap3A_95 = arith.constant 48 : index
        %swap3A_96 = tpu.vector_load %arg12[%swap3A_93, %swap3A_94, %swap3A_95] {strides = array<i32>} : memref<2x128x128xf32, #tpu.memory_space<vmem>>, vector<16xf32>,
        tpu.vector_store %arg12[%swap3A_93, %swap3A_94, %swap3A_95], %mul3A_91 {strides = array<i32>} : memref<2x128x128xf32, #tpu.memory_space<vmem>>, vector<16xf32>,
        %add3A_97 = arith.constant 0 : i32
        %add3A_98 = arith.addi %add3A_42, %add3A_97 : i32
        %get3A_99 = arith.constant 0 : i32
        %get3A_100 = arith.index_cast %get3A_99 : i32 to index
        %get3A_101 = arith.index_cast %add3A_98 : i32 to index
        %get3A_102 = arith.constant 64 : index
        %get3A_103 = tpu.vector_load %arg12[%get3A_100, %get3A_101, %get3A_102] {strides = array<i32>} : memref<2x128x128xf32, #tpu.memory_space<vmem>>, vector<16xf32>,
        %mul3A_104 = arith.mulf %get3A_103, %gather3A : vector<16xf32>
        %swap3A_105 = arith.constant 0 : i32
        %swap3A_106 = arith.index_cast %swap3A_105 : i32 to index
        %swap3A_107 = arith.index_cast %add3A_98 : i32 to index
        %swap3A_108 = arith.constant 64 : index
        %swap3A_109 = tpu.vector_load %arg12[%swap3A_106, %swap3A_107, %swap3A_108] {strides = array<i32>} : memref<2x128x128xf32, #tpu.memory_space<vmem>>, vector<16xf32>,
        tpu.vector_store %arg12[%swap3A_106, %swap3A_107, %swap3A_108], %mul3A_104 {strides = array<i32>} : memref<2x128x128xf32, #tpu.memory_space<vmem>>, vector<16xf32>,
        %add3A_110 = arith.constant 0 : i32
        %add3A_111 = arith.addi %add3A_42, %add3A_110 : i32
        %get3A_112 = arith.constant 0 : i32
        %get3A_113 = arith.index_cast %get3A_112 : i32 to index
        %get3A_114 = arith.index_cast %add3A_111 : i32 to index
        %get3A_115 = arith.constant 80 : index
        %get3A_116 = tpu.vector_load %arg12[%get3A_113, %get3A_114, %get3A_115] {strides = array<i32>} : memref<2x128x128xf32, #tpu.memory_space<vmem>>, vector<16xf32>,
        %mul3A_117 = arith.mulf %get3A_116, %gather3A : vector<16xf32>
        %swap3A_118 = arith.constant 0 : i32
        %swap3A_119 = arith.index_cast %swap3A_118 : i32 to index
        %swap3A_120 = arith.index_cast %add3A_111 : i32 to index
        %swap3A_121 = arith.constant 80 : index
        %swap3A_122 = tpu.vector_load %arg12[%swap3A_119, %swap3A_120, %swap3A_121] {strides = array<i32>} : memref<2x128x128xf32, #tpu.memory_space<vmem>>, vector<16xf32>,
        tpu.vector_store %arg12[%swap3A_119, %swap3A_120, %swap3A_121], %mul3A_117 {strides = array<i32>} : memref<2x128x128xf32, #tpu.memory_space<vmem>>, vector<16xf32>,
        %add3A_123 = arith.constant 0 : i32
        %add3A_124 = arith.addi %add3A_42, %add3A_123 : i32
        %get3A_125 = arith.constant 0 : i32
        %get3A_126 = arith.index_cast %get3A_125 : i32 to index
        %get3A_127 = arith.index_cast %add3A_124 : i32 to index
        %get3A_128 = arith.constant 96 : index
        %get3A_129 = tpu.vector_load %arg12[%get3A_126, %get3A_127, %get3A_128] {strides = array<i32>} : memref<2x128x128xf32, #tpu.memory_space<vmem>>, vector<16xf32>,
        %mul3A_130 = arith.mulf %get3A_129, %gather3A : vector<16xf32>
        %swap3A_131 = arith.constant 0 : i32
        %swap3A_132 = arith.index_cast %swap3A_131 : i32 to index
        %swap3A_133 = arith.index_cast %add3A_124 : i32 to index
        %swap3A_134 = arith.constant 96 : index
        %swap3A_135 = tpu.vector_load %arg12[%swap3A_132, %swap3A_133, %swap3A_134] {strides = array<i32>} : memref<2x128x128xf32, #tpu.memory_space<vmem>>, vector<16xf32>,
        tpu.vector_store %arg12[%swap3A_132, %swap3A_133, %swap3A_134], %mul3A_130 {strides = array<i32>} : memref<2x128x128xf32, #tpu.memory_space<vmem>>, vector<16xf32>,
        %add3A_136 = arith.constant 0 : i32
        %add3A_137 = arith.addi %add3A_42, %add3A_136 : i32
        %get3A_138 = arith.constant 0 : i32
        %get3A_139 = arith.index_cast %get3A_138 : i32 to index
        %get3A_140 = arith.index_cast %add3A_137 : i32 to index
        %get3A_141 = arith.constant 112 : index
        %get3A_142 = tpu.vector_load %arg12[%get3A_139, %get3A_140, %get3A_141] {strides = array<i32>} : memref<2x128x128xf32, #tpu.memory_space<vmem>>, vector<16xf32>,
        %mul3A_143 = arith.mulf %get3A_142, %gather3A : vector<16xf32>
        %swap3A_144 = arith.constant 0 : i32
        %swap3A_145 = arith.index_cast %swap3A_144 : i32 to index
        %swap3A_146 = arith.index_cast %add3A_137 : i32 to index
        %swap3A_147 = arith.constant 112 : index
        %swap3A_148 = tpu.vector_load %arg12[%swap3A_145, %swap3A_146, %swap3A_147] {strides = array<i32>} : memref<2x128x128xf32, #tpu.memory_space<vmem>>, vector<16xf32>,
        tpu.vector_store %arg12[%swap3A_145, %swap3A_146, %swap3A_147], %mul3A_143 {strides = array<i32>} : memref<2x128x128xf32, #tpu.memory_space<vmem>>, vector<16xf32>,
        %add3A_149 = arith.constant 0 : i32
        %add3A_150 = arith.addi %add3A_149, %add3A_42 : i32
        %add3A_151 = arith.constant 1 : i32
        %add3A_152 = arith.addi %add3A_150, %add3A_151 : i32
        %broadcast_in_dim3A_153 = vector.broadcast %add3A_152 : i32 to vector<16xi32>
        %gather3A_154 = tpu.vector_load_idx %arg11[%broadcast_in_dim3A_153] : memref<256xf32, #tpu.memory_space<vmem>>[vector<16xi32>], vector<16xf32>,
        %add3A_155 = arith.constant 1 : i32
        %add3A_156 = arith.addi %add3A_42, %add3A_155 : i32
        %get3A_157 = arith.constant 0 : i32
        %get3A_158 = arith.index_cast %get3A_157 : i32 to index
        %get3A_159 = arith.index_cast %add3A_156 : i32 to index
        %get3A_160 = arith.constant 0 : index
        %get3A_161 = tpu.vector_load %arg12[%get3A_158, %get3A_159, %get3A_160] {strides = array<i32>} : memref<2x128x128xf32, #tpu.memory_space<vmem>>, vector<16xf32>,
        %mul3A_162 = arith.mulf %get3A_161, %gather3A_154 : vector<16xf32>
        %swap3A_163 = arith.constant 0 : i32
        %swap3A_164 = arith.index_cast %swap3A_163 : i32 to index
        %swap3A_165 = arith.index_cast %add3A_156 : i32 to index
        %swap3A_166 = arith.constant 0 : index
        %swap3A_167 = tpu.vector_load %arg12[%swap3A_164, %swap3A_165, %swap3A_166] {strides = array<i32>} : memref<2x128x128xf32, #tpu.memory_space<vmem>>, vector<16xf32>,
        tpu.vector_store %arg12[%swap3A_164, %swap3A_165, %swap3A_166], %mul3A_162 {strides = array<i32>} : memref<2x128x128xf32, #tpu.memory_space<vmem>>, vector<16xf32>,
        %add3A_168 = arith.constant 1 : i32
        %add3A_169 = arith.addi %add3A_42, %add3A_168 : i32
        %get3A_170 = arith.constant 0 : i32
        %get3A_171 = arith.index_cast %get3A_170 : i32 to index
        %get3A_172 = arith.index_cast %add3A_169 : i32 to index
        %get3A_173 = arith.constant 16 : index
        %get3A_174 = tpu.vector_load %arg12[%get3A_171, %get3A_172, %get3A_173] {strides = array<i32>} : memref<2x128x128xf32, #tpu.memory_space<vmem>>, vector<16xf32>,
        %mul3A_175 = arith.mulf %get3A_174, %gather3A_154 : vector<16xf32>
        %swap3A_176 = arith.constant 0 : i32
        %swap3A_177 = arith.index_cast %swap3A_176 : i32 to index
        %swap3A_178 = arith.index_cast %add3A_169 : i32 to index
        %swap3A_179 = arith.constant 16 : index
        %swap3A_180 = tpu.vector_load %arg12[%swap3A_177, %swap3A_178, %swap3A_179] {strides = array<i32>} : memref<2x128x128xf32, #tpu.memory_space<vmem>>, vector<16xf32>,
        tpu.vector_store %arg12[%swap3A_177, %swap3A_178, %swap3A_179], %mul3A_175 {strides = array<i32>} : memref<2x128x128xf32, #tpu.memory_space<vmem>>, vector<16xf32>,
        %add3A_181 = arith.constant 1 : i32
        %add3A_182 = arith.addi %add3A_42, %add3A_181 : i32
        %get3A_183 = arith.constant 0 : i32
        %get3A_184 = arith.index_cast %get3A_183 : i32 to index
        %get3A_185 = arith.index_cast %add3A_182 : i32 to index
        %get3A_186 = arith.constant 32 : index
        %get3A_187 = tpu.vector_load %arg12[%get3A_184, %get3A_185, %get3A_186] {strides = array<i32>} : memref<2x128x128xf32, #tpu.memory_space<vmem>>, vector<16xf32>,
        %mul3A_188 = arith.mulf %get3A_187, %gather3A_154 : vector<16xf32>
        %swap3A_189 = arith.constant 0 : i32
        %swap3A_190 = arith.index_cast %swap3A_189 : i32 to index
        %swap3A_191 = arith.index_cast %add3A_182 : i32 to index
        %swap3A_192 = arith.constant 32 : index
        %swap3A_193 = tpu.vector_load %arg12[%swap3A_190, %swap3A_191, %swap3A_192] {strides = array<i32>} : memref<2x128x128xf32, #tpu.memory_space<vmem>>, vector<16xf32>,
        tpu.vector_store %arg12[%swap3A_190, %swap3A_191, %swap3A_192], %mul3A_188 {strides = array<i32>} : memref<2x128x128xf32, #tpu.memory_space<vmem>>, vector<16xf32>,
        %add3A_194 = arith.constant 1 : i32
        %add3A_195 = arith.addi %add3A_42, %add3A_194 : i32
        %get3A_196 = arith.constant 0 : i32
        %get3A_197 = arith.index_cast %get3A_196 : i32 to index
        %get3A_198 = arith.index_cast %add3A_195 : i32 to index
        %get3A_199 = arith.constant 48 : index
        %get3A_200 = tpu.vector_load %arg12[%get3A_197, %get3A_198, %get3A_199] {strides = array<i32>} : memref<2x128x128xf32, #tpu.memory_space<vmem>>, vector<16xf32>,
        %mul3A_201 = arith.mulf %get3A_200, %gather3A_154 : vector<16xf32>
        %swap3A_202 = arith.constant 0 : i32
        %swap3A_203 = arith.index_cast %swap3A_202 : i32 to index
        %swap3A_204 = arith.index_cast %add3A_195 : i32 to index
        %swap3A_205 = arith.constant 48 : index
        %swap3A_206 = tpu.vector_load %arg12[%swap3A_203, %swap3A_204, %swap3A_205] {strides = array<i32>} : memref<2x128x128xf32, #tpu.memory_space<vmem>>, vector<16xf32>,
        tpu.vector_store %arg12[%swap3A_203, %swap3A_204, %swap3A_205], %mul3A_201 {strides = array<i32>} : memref<2x128x128xf32, #tpu.memory_space<vmem>>, vector<16xf32>,
        %add3A_207 = arith.constant 1 : i32
        %add3A_208 = arith.addi %add3A_42, %add3A_207 : i32
        %get3A_209 = arith.constant 0 : i32
        %get3A_210 = arith.index_cast %get3A_209 : i32 to index
        %get3A_211 = arith.index_cast %add3A_208 : i32 to index
        %get3A_212 = arith.constant 64 : index
        %get3A_213 = tpu.vector_load %arg12[%get3A_210, %get3A_211, %get3A_212] {strides = array<i32>} : memref<2x128x128xf32, #tpu.memory_space<vmem>>, vector<16xf32>,
        %mul3A_214 = arith.mulf %get3A_213, %gather3A_154 : vector<16xf32>
        %swap3A_215 = arith.constant 0 : i32
        %swap3A_216 = arith.index_cast %swap3A_215 : i32 to index
        %swap3A_217 = arith.index_cast %add3A_208 : i32 to index
        %swap3A_218 = arith.constant 64 : index
        %swap3A_219 = tpu.vector_load %arg12[%swap3A_216, %swap3A_217, %swap3A_218] {strides = array<i32>} : memref<2x128x128xf32, #tpu.memory_space<vmem>>, vector<16xf32>,
        tpu.vector_store %arg12[%swap3A_216, %swap3A_217, %swap3A_218], %mul3A_214 {strides = array<i32>} : memref<2x128x128xf32, #tpu.memory_space<vmem>>, vector<16xf32>,
        %add3A_220 = arith.constant 1 : i32
        %add3A_221 = arith.addi %add3A_42, %add3A_220 : i32
        %get3A_222 = arith.constant 0 : i32
        %get3A_223 = arith.index_cast %get3A_222 : i32 to index
        %get3A_224 = arith.index_cast %add3A_221 : i32 to index
        %get3A_225 = arith.constant 80 : index
        %get3A_226 = tpu.vector_load %arg12[%get3A_223, %get3A_224, %get3A_225] {strides = array<i32>} : memref<2x128x128xf32, #tpu.memory_space<vmem>>, vector<16xf32>,
        %mul3A_227 = arith.mulf %get3A_226, %gather3A_154 : vector<16xf32>
        %swap3A_228 = arith.constant 0 : i32
        %swap3A_229 = arith.index_cast %swap3A_228 : i32 to index
        %swap3A_230 = arith.index_cast %add3A_221 : i32 to index
        %swap3A_231 = arith.constant 80 : index
        %swap3A_232 = tpu.vector_load %arg12[%swap3A_229, %swap3A_230, %swap3A_231] {strides = array<i32>} : memref<2x128x128xf32, #tpu.memory_space<vmem>>, vector<16xf32>,
        tpu.vector_store %arg12[%swap3A_229, %swap3A_230, %swap3A_231], %mul3A_227 {strides = array<i32>} : memref<2x128x128xf32, #tpu.memory_space<vmem>>, vector<16xf32>,
        %add3A_233 = arith.constant 1 : i32
        %add3A_234 = arith.addi %add3A_42, %add3A_233 : i32
        %get3A_235 = arith.constant 0 : i32
        %get3A_236 = arith.index_cast %get3A_235 : i32 to index
        %get3A_237 = arith.index_cast %add3A_234 : i32 to index
        %get3A_238 = arith.constant 96 : index
        %get3A_239 = tpu.vector_load %arg12[%get3A_236, %get3A_237, %get3A_238] {strides = array<i32>} : memref<2x128x128xf32, #tpu.memory_space<vmem>>, vector<16xf32>,
        %mul3A_240 = arith.mulf %get3A_239, %gather3A_154 : vector<16xf32>
        %swap3A_241 = arith.constant 0 : i32
        %swap3A_242 = arith.index_cast %swap3A_241 : i32 to index
        %swap3A_243 = arith.index_cast %add3A_234 : i32 to index
        %swap3A_244 = arith.constant 96 : index
        %swap3A_245 = tpu.vector_load %arg12[%swap3A_242, %swap3A_243, %swap3A_244] {strides = array<i32>} : memref<2x128x128xf32, #tpu.memory_space<vmem>>, vector<16xf32>,
        tpu.vector_store %arg12[%swap3A_242, %swap3A_243, %swap3A_244], %mul3A_240 {strides = array<i32>} : memref<2x128x128xf32, #tpu.memory_space<vmem>>, vector<16xf32>,
        %add3A_246 = arith.constant 1 : i32
        %add3A_247 = arith.addi %add3A_42, %add3A_246 : i32
        %get3A_248 = arith.constant 0 : i32
        %get3A_249 = arith.index_cast %get3A_248 : i32 to index
        %get3A_250 = arith.index_cast %add3A_247 : i32 to index
        %get3A_251 = arith.constant 112 : index
        %get3A_252 = tpu.vector_load %arg12[%get3A_249, %get3A_250, %get3A_251] {strides = array<i32>} : memref<2x128x128xf32, #tpu.memory_space<vmem>>, vector<16xf32>,
        %mul3A_253 = arith.mulf %get3A_252, %gather3A_154 : vector<16xf32>
        %swap3A_254 = arith.constant 0 : i32
        %swap3A_255 = arith.index_cast %swap3A_254 : i32 to index
        %swap3A_256 = arith.index_cast %add3A_247 : i32 to index
        %swap3A_257 = arith.constant 112 : index
        %swap3A_258 = tpu.vector_load %arg12[%swap3A_255, %swap3A_256, %swap3A_257] {strides = array<i32>} : memref<2x128x128xf32, #tpu.memory_space<vmem>>, vector<16xf32>,
        tpu.vector_store %arg12[%swap3A_255, %swap3A_256, %swap3A_257], %mul3A_253 {strides = array<i32>} : memref<2x128x128xf32, #tpu.memory_space<vmem>>, vector<16xf32>,
        %add3A_259 = arith.constant 0 : i32
        %add3A_260 = arith.addi %add3A_259, %add3A_42 : i32
        %add3A_261 = arith.constant 2 : i32
        %add3A_262 = arith.addi %add3A_260, %add3A_261 : i32
        %broadcast_in_dim3A_263 = vector.broadcast %add3A_262 : i32 to vector<16xi32>
        %gather3A_264 = tpu.vector_load_idx %arg11[%broadcast_in_dim3A_263] : memref<256xf32, #tpu.memory_space<vmem>>[vector<16xi32>], vector<16xf32>,
        %add3A_265 = arith.constant 2 : i32
        %add3A_266 = arith.addi %add3A_42, %add3A_265 : i32
        %get3A_267 = arith.constant 0 : i32
        %get3A_268 = arith.index_cast %get3A_267 : i32 to index
        %get3A_269 = arith.index_cast %add3A_266 : i32 to index
        %get3A_270 = arith.constant 0 : index
        %get3A_271 = tpu.vector_load %arg12[%get3A_268, %get3A_269, %get3A_270] {strides = array<i32>} : memref<2x128x128xf32, #tpu.memory_space<vmem>>, vector<16xf32>,
        %mul3A_272 = arith.mulf %get3A_271, %gather3A_264 : vector<16xf32>
        %swap3A_273 = arith.constant 0 : i32
        %swap3A_274 = arith.index_cast %swap3A_273 : i32 to index
        %swap3A_275 = arith.index_cast %add3A_266 : i32 to index
        %swap3A_276 = arith.constant 0 : index
        %swap3A_277 = tpu.vector_load %arg12[%swap3A_274, %swap3A_275, %swap3A_276] {strides = array<i32>} : memref<2x128x128xf32, #tpu.memory_space<vmem>>, vector<16xf32>,
        tpu.vector_store %arg12[%swap3A_274, %swap3A_275, %swap3A_276], %mul3A_272 {strides = array<i32>} : memref<2x128x128xf32, #tpu.memory_space<vmem>>, vector<16xf32>,
        %add3A_278 = arith.constant 2 : i32
        %add3A_279 = arith.addi %add3A_42, %add3A_278 : i32
        %get3A_280 = arith.constant 0 : i32
        %get3A_281 = arith.index_cast %get3A_280 : i32 to index
        %get3A_282 = arith.index_cast %add3A_279 : i32 to index
        %get3A_283 = arith.constant 16 : index
        %get3A_284 = tpu.vector_load %arg12[%get3A_281, %get3A_282, %get3A_283] {strides = array<i32>} : memref<2x128x128xf32, #tpu.memory_space<vmem>>, vector<16xf32>,
        %mul3A_285 = arith.mulf %get3A_284, %gather3A_264 : vector<16xf32>
        %swap3A_286 = arith.constant 0 : i32
        %swap3A_287 = arith.index_cast %swap3A_286 : i32 to index
        %swap3A_288 = arith.index_cast %add3A_279 : i32 to index
        %swap3A_289 = arith.constant 16 : index
        %swap3A_290 = tpu.vector_load %arg12[%swap3A_287, %swap3A_288, %swap3A_289] {strides = array<i32>} : memref<2x128x128xf32, #tpu.memory_space<vmem>>, vector<16xf32>,
        tpu.vector_store %arg12[%swap3A_287, %swap3A_288, %swap3A_289], %mul3A_285 {strides = array<i32>} : memref<2x128x128xf32, #tpu.memory_space<vmem>>, vector<16xf32>,
        %add3A_291 = arith.constant 2 : i32
        %add3A_292 = arith.addi %add3A_42, %add3A_291 : i32
        %get3A_293 = arith.constant 0 : i32
        %get3A_294 = arith.index_cast %get3A_293 : i32 to index
        %get3A_295 = arith.index_cast %add3A_292 : i32 to index
        %get3A_296 = arith.constant 32 : index
        %get3A_297 = tpu.vector_load %arg12[%get3A_294, %get3A_295, %get3A_296] {strides = array<i32>} : memref<2x128x128xf32, #tpu.memory_space<vmem>>, vector<16xf32>,
        %mul3A_298 = arith.mulf %get3A_297, %gather3A_264 : vector<16xf32>
        %swap3A_299 = arith.constant 0 : i32
        %swap3A_300 = arith.index_cast %swap3A_299 : i32 to index
        %swap3A_301 = arith.index_cast %add3A_292 : i32 to index
        %swap3A_302 = arith.constant 32 : index
        %swap3A_303 = tpu.vector_load %arg12[%swap3A_300, %swap3A_301, %swap3A_302] {strides = array<i32>} : memref<2x128x128xf32, #tpu.memory_space<vmem>>, vector<16xf32>,
        tpu.vector_store %arg12[%swap3A_300, %swap3A_301, %swap3A_302], %mul3A_298 {strides = array<i32>} : memref<2x128x128xf32, #tpu.memory_space<vmem>>, vector<16xf32>,
        %add3A_304 = arith.constant 2 : i32
        %add3A_305 = arith.addi %add3A_42, %add3A_304 : i32
        %get3A_306 = arith.constant 0 : i32
        %get3A_307 = arith.index_cast %get3A_306 : i32 to index
        %get3A_308 = arith.index_cast %add3A_305 : i32 to index
        %get3A_309 = arith.constant 48 : index
        %get3A_310 = tpu.vector_load %arg12[%get3A_307, %get3A_308, %get3A_309] {strides = array<i32>} : memref<2x128x128xf32, #tpu.memory_space<vmem>>, vector<16xf32>,
        %mul3A_311 = arith.mulf %get3A_310, %gather3A_264 : vector<16xf32>
        %swap3A_312 = arith.constant 0 : i32
        %swap3A_313 = arith.index_cast %swap3A_312 : i32 to index
        %swap3A_314 = arith.index_cast %add3A_305 : i32 to index
        %swap3A_315 = arith.constant 48 : index
        %swap3A_316 = tpu.vector_load %arg12[%swap3A_313, %swap3A_314, %swap3A_315] {strides = array<i32>} : memref<2x128x128xf32, #tpu.memory_space<vmem>>, vector<16xf32>,
        tpu.vector_store %arg12[%swap3A_313, %swap3A_314, %swap3A_315], %mul3A_311 {strides = array<i32>} : memref<2x128x128xf32, #tpu.memory_space<vmem>>, vector<16xf32>,
        %add3A_317 = arith.constant 2 : i32
        %add3A_318 = arith.addi %add3A_42, %add3A_317 : i32
        %get3A_319 = arith.constant 0 : i32
        %get3A_320 = arith.index_cast %get3A_319 : i32 to index
        %get3A_321 = arith.index_cast %add3A_318 : i32 to index
        %get3A_322 = arith.constant 64 : index
        %get3A_323 = tpu.vector_load %arg12[%get3A_320, %get3A_321, %get3A_322] {strides = array<i32>} : memref<2x128x128xf32, #tpu.memory_space<vmem>>, vector<16xf32>,
        %mul3A_324 = arith.mulf %get3A_323, %gather3A_264 : vector<16xf32>
        %swap3A_325 = arith.constant 0 : i32
        %swap3A_326 = arith.index_cast %swap3A_325 : i32 to index
        %swap3A_327 = arith.index_cast %add3A_318 : i32 to index
        %swap3A_328 = arith.constant 64 : index
        %swap3A_329 = tpu.vector_load %arg12[%swap3A_326, %swap3A_327, %swap3A_328] {strides = array<i32>} : memref<2x128x128xf32, #tpu.memory_space<vmem>>, vector<16xf32>,
        tpu.vector_store %arg12[%swap3A_326, %swap3A_327, %swap3A_328], %mul3A_324 {strides = array<i32>} : memref<2x128x128xf32, #tpu.memory_space<vmem>>, vector<16xf32>,
        %add3A_330 = arith.constant 2 : i32
        %add3A_331 = arith.addi %add3A_42, %add3A_330 : i32
        %get3A_332 = arith.constant 0 : i32
        %get3A_333 = arith.index_cast %get3A_332 : i32 to index
        %get3A_334 = arith.index_cast %add3A_331 : i32 to index
        %get3A_335 = arith.constant 80 : index
        %get3A_336 = tpu.vector_load %arg12[%get3A_333, %get3A_334, %get3A_335] {strides = array<i32>} : memref<2x128x128xf32, #tpu.memory_space<vmem>>, vector<16xf32>,
        %mul3A_337 = arith.mulf %get3A_336, %gather3A_264 : vector<16xf32>
        %swap3A_338 = arith.constant 0 : i32
        %swap3A_339 = arith.index_cast %swap3A_338 : i32 to index
        %swap3A_340 = arith.index_cast %add3A_331 : i32 to index
        %swap3A_341 = arith.constant 80 : index
        %swap3A_342 = tpu.vector_load %arg12[%swap3A_339, %swap3A_340, %swap3A_341] {strides = array<i32>} : memref<2x128x128xf32, #tpu.memory_space<vmem>>, vector<16xf32>,
        tpu.vector_store %arg12[%swap3A_339, %swap3A_340, %swap3A_341], %mul3A_337 {strides = array<i32>} : memref<2x128x128xf32, #tpu.memory_space<vmem>>, vector<16xf32>,
        %add3A_343 = arith.constant 2 : i32
        %add3A_344 = arith.addi %add3A_42, %add3A_343 : i32
        %get3A_345 = arith.constant 0 : i32
        %get3A_346 = arith.index_cast %get3A_345 : i32 to index
        %get3A_347 = arith.index_cast %add3A_344 : i32 to index
        %get3A_348 = arith.constant 96 : index
        %get3A_349 = tpu.vector_load %arg12[%get3A_346, %get3A_347, %get3A_348] {strides = array<i32>} : memref<2x128x128xf32, #tpu.memory_space<vmem>>, vector<16xf32>,
        %mul3A_350 = arith.mulf %get3A_349, %gather3A_264 : vector<16xf32>
        %swap3A_351 = arith.constant 0 : i32
        %swap3A_352 = arith.index_cast %swap3A_351 : i32 to index
        %swap3A_353 = arith.index_cast %add3A_344 : i32 to index
        %swap3A_354 = arith.constant 96 : index
        %swap3A_355 = tpu.vector_load %arg12[%swap3A_352, %swap3A_353, %swap3A_354] {strides = array<i32>} : memref<2x128x128xf32, #tpu.memory_space<vmem>>, vector<16xf32>,
        tpu.vector_store %arg12[%swap3A_352, %swap3A_353, %swap3A_354], %mul3A_350 {strides = array<i32>} : memref<2x128x128xf32, #tpu.memory_space<vmem>>, vector<16xf32>,
        %add3A_356 = arith.constant 2 : i32
        %add3A_357 = arith.addi %add3A_42, %add3A_356 : i32
        %get3A_358 = arith.constant 0 : i32
        %get3A_359 = arith.index_cast %get3A_358 : i32 to index
        %get3A_360 = arith.index_cast %add3A_357 : i32 to index
        %get3A_361 = arith.constant 112 : index
        %get3A_362 = tpu.vector_load %arg12[%get3A_359, %get3A_360, %get3A_361] {strides = array<i32>} : memref<2x128x128xf32, #tpu.memory_space<vmem>>, vector<16xf32>,
        %mul3A_363 = arith.mulf %get3A_362, %gather3A_264 : vector<16xf32>
        %swap3A_364 = arith.constant 0 : i32
        %swap3A_365 = arith.index_cast %swap3A_364 : i32 to index
        %swap3A_366 = arith.index_cast %add3A_357 : i32 to index
        %swap3A_367 = arith.constant 112 : index
        %swap3A_368 = tpu.vector_load %arg12[%swap3A_365, %swap3A_366, %swap3A_367] {strides = array<i32>} : memref<2x128x128xf32, #tpu.memory_space<vmem>>, vector<16xf32>,
        tpu.vector_store %arg12[%swap3A_365, %swap3A_366, %swap3A_367], %mul3A_363 {strides = array<i32>} : memref<2x128x128xf32, #tpu.memory_space<vmem>>, vector<16xf32>,
        %add3A_369 = arith.constant 0 : i32
        %add3A_370 = arith.addi %add3A_369, %add3A_42 : i32
        %add3A_371 = arith.constant 3 : i32
        %add3A_372 = arith.addi %add3A_370, %add3A_371 : i32
        %broadcast_in_dim3A_373 = vector.broadcast %add3A_372 : i32 to vector<16xi32>
        %gather3A_374 = tpu.vector_load_idx %arg11[%broadcast_in_dim3A_373] : memref<256xf32, #tpu.memory_space<vmem>>[vector<16xi32>], vector<16xf32>,
        %add3A_375 = arith.constant 3 : i32
        %add3A_376 = arith.addi %add3A_42, %add3A_375 : i32
        %get3A_377 = arith.constant 0 : i32
        %get3A_378 = arith.index_cast %get3A_377 : i32 to index
        %get3A_379 = arith.index_cast %add3A_376 : i32 to index
        %get3A_380 = arith.constant 0 : index
        %get3A_381 = tpu.vector_load %arg12[%get3A_378, %get3A_379, %get3A_380] {strides = array<i32>} : memref<2x128x128xf32, #tpu.memory_space<vmem>>, vector<16xf32>,
        %mul3A_382 = arith.mulf %get3A_381, %gather3A_374 : vector<16xf32>
        %swap3A_383 = arith.constant 0 : i32
        %swap3A_384 = arith.index_cast %swap3A_383 : i32 to index
        %swap3A_385 = arith.index_cast %add3A_376 : i32 to index
        %swap3A_386 = arith.constant 0 : index
        %swap3A_387 = tpu.vector_load %arg12[%swap3A_384, %swap3A_385, %swap3A_386] {strides = array<i32>} : memref<2x128x128xf32, #tpu.memory_space<vmem>>, vector<16xf32>,
        tpu.vector_store %arg12[%swap3A_384, %swap3A_385, %swap3A_386], %mul3A_382 {strides = array<i32>} : memref<2x128x128xf32, #tpu.memory_space<vmem>>, vector<16xf32>,
        %add3A_388 = arith.constant 3 : i32
        %add3A_389 = arith.addi %add3A_42, %add3A_388 : i32
        %get3A_390 = arith.constant 0 : i32
        %get3A_391 = arith.index_cast %get3A_390 : i32 to index
        %get3A_392 = arith.index_cast %add3A_389 : i32 to index
        %get3A_393 = arith.constant 16 : index
        %get3A_394 = tpu.vector_load %arg12[%get3A_391, %get3A_392, %get3A_393] {strides = array<i32>} : memref<2x128x128xf32, #tpu.memory_space<vmem>>, vector<16xf32>,
        %mul3A_395 = arith.mulf %get3A_394, %gather3A_374 : vector<16xf32>
        %swap3A_396 = arith.constant 0 : i32
        %swap3A_397 = arith.index_cast %swap3A_396 : i32 to index
        %swap3A_398 = arith.index_cast %add3A_389 : i32 to index
        %swap3A_399 = arith.constant 16 : index
        %swap3A_400 = tpu.vector_load %arg12[%swap3A_397, %swap3A_398, %swap3A_399] {strides = array<i32>} : memref<2x128x128xf32, #tpu.memory_space<vmem>>, vector<16xf32>,
        tpu.vector_store %arg12[%swap3A_397, %swap3A_398, %swap3A_399], %mul3A_395 {strides = array<i32>} : memref<2x128x128xf32, #tpu.memory_space<vmem>>, vector<16xf32>,
        %add3A_401 = arith.constant 3 : i32
        %add3A_402 = arith.addi %add3A_42, %add3A_401 : i32
        %get3A_403 = arith.constant 0 : i32
        %get3A_404 = arith.index_cast %get3A_403 : i32 to index
        %get3A_405 = arith.index_cast %add3A_402 : i32 to index
        %get3A_406 = arith.constant 32 : index
        %get3A_407 = tpu.vector_load %arg12[%get3A_404, %get3A_405, %get3A_406] {strides = array<i32>} : memref<2x128x128xf32, #tpu.memory_space<vmem>>, vector<16xf32>,
        %mul3A_408 = arith.mulf %get3A_407, %gather3A_374 : vector<16xf32>
        %swap3A_409 = arith.constant 0 : i32
        %swap3A_410 = arith.index_cast %swap3A_409 : i32 to index
        %swap3A_411 = arith.index_cast %add3A_402 : i32 to index
        %swap3A_412 = arith.constant 32 : index
        %swap3A_413 = tpu.vector_load %arg12[%swap3A_410, %swap3A_411, %swap3A_412] {strides = array<i32>} : memref<2x128x128xf32, #tpu.memory_space<vmem>>, vector<16xf32>,
        tpu.vector_store %arg12[%swap3A_410, %swap3A_411, %swap3A_412], %mul3A_408 {strides = array<i32>} : memref<2x128x128xf32, #tpu.memory_space<vmem>>, vector<16xf32>,
        %add3A_414 = arith.constant 3 : i32
        %add3A_415 = arith.addi %add3A_42, %add3A_414 : i32
        %get3A_416 = arith.constant 0 : i32
        %get3A_417 = arith.index_cast %get3A_416 : i32 to index
        %get3A_418 = arith.index_cast %add3A_415 : i32 to index
        %get3A_419 = arith.constant 48 : index
        %get3A_420 = tpu.vector_load %arg12[%get3A_417, %get3A_418, %get3A_419] {strides = array<i32>} : memref<2x128x128xf32, #tpu.memory_space<vmem>>, vector<16xf32>,
        %mul3A_421 = arith.mulf %get3A_420, %gather3A_374 : vector<16xf32>
        %swap3A_422 = arith.constant 0 : i32
        %swap3A_423 = arith.index_cast %swap3A_422 : i32 to index
        %swap3A_424 = arith.index_cast %add3A_415 : i32 to index
        %swap3A_425 = arith.constant 48 : index
        %swap3A_426 = tpu.vector_load %arg12[%swap3A_423, %swap3A_424, %swap3A_425] {strides = array<i32>} : memref<2x128x128xf32, #tpu.memory_space<vmem>>, vector<16xf32>,
        tpu.vector_store %arg12[%swap3A_423, %swap3A_424, %swap3A_425], %mul3A_421 {strides = array<i32>} : memref<2x128x128xf32, #tpu.memory_space<vmem>>, vector<16xf32>,
        %add3A_427 = arith.constant 3 : i32
        %add3A_428 = arith.addi %add3A_42, %add3A_427 : i32
        %get3A_429 = arith.constant 0 : i32
        %get3A_430 = arith.index_cast %get3A_429 : i32 to index
        %get3A_431 = arith.index_cast %add3A_428 : i32 to index
        %get3A_432 = arith.constant 64 : index
        %get3A_433 = tpu.vector_load %arg12[%get3A_430, %get3A_431, %get3A_432] {strides = array<i32>} : memref<2x128x128xf32, #tpu.memory_space<vmem>>, vector<16xf32>,
        %mul3A_434 = arith.mulf %get3A_433, %gather3A_374 : vector<16xf32>
        %swap3A_435 = arith.constant 0 : i32
        %swap3A_436 = arith.index_cast %swap3A_435 : i32 to index
        %swap3A_437 = arith.index_cast %add3A_428 : i32 to index
        %swap3A_438 = arith.constant 64 : index
        %swap3A_439 = tpu.vector_load %arg12[%swap3A_436, %swap3A_437, %swap3A_438] {strides = array<i32>} : memref<2x128x128xf32, #tpu.memory_space<vmem>>, vector<16xf32>,
        tpu.vector_store %arg12[%swap3A_436, %swap3A_437, %swap3A_438], %mul3A_434 {strides = array<i32>} : memref<2x128x128xf32, #tpu.memory_space<vmem>>, vector<16xf32>,
        %add3A_440 = arith.constant 3 : i32
        %add3A_441 = arith.addi %add3A_42, %add3A_440 : i32
        %get3A_442 = arith.constant 0 : i32
        %get3A_443 = arith.index_cast %get3A_442 : i32 to index
        %get3A_444 = arith.index_cast %add3A_441 : i32 to index
        %get3A_445 = arith.constant 80 : index
        %get3A_446 = tpu.vector_load %arg12[%get3A_443, %get3A_444, %get3A_445] {strides = array<i32>} : memref<2x128x128xf32, #tpu.memory_space<vmem>>, vector<16xf32>,
        %mul3A_447 = arith.mulf %get3A_446, %gather3A_374 : vector<16xf32>
        %swap3A_448 = arith.constant 0 : i32
        %swap3A_449 = arith.index_cast %swap3A_448 : i32 to index
        %swap3A_450 = arith.index_cast %add3A_441 : i32 to index
        %swap3A_451 = arith.constant 80 : index
        %swap3A_452 = tpu.vector_load %arg12[%swap3A_449, %swap3A_450, %swap3A_451] {strides = array<i32>} : memref<2x128x128xf32, #tpu.memory_space<vmem>>, vector<16xf32>,
        tpu.vector_store %arg12[%swap3A_449, %swap3A_450, %swap3A_451], %mul3A_447 {strides = array<i32>} : memref<2x128x128xf32, #tpu.memory_space<vmem>>, vector<16xf32>,
        %add3A_453 = arith.constant 3 : i32
        %add3A_454 = arith.addi %add3A_42, %add3A_453 : i32
        %get3A_455 = arith.constant 0 : i32
        %get3A_456 = arith.index_cast %get3A_455 : i32 to index
        %get3A_457 = arith.index_cast %add3A_454 : i32 to index
        %get3A_458 = arith.constant 96 : index
        %get3A_459 = tpu.vector_load %arg12[%get3A_456, %get3A_457, %get3A_458] {strides = array<i32>} : memref<2x128x128xf32, #tpu.memory_space<vmem>>, vector<16xf32>,
        %mul3A_460 = arith.mulf %get3A_459, %gather3A_374 : vector<16xf32>
        %swap3A_461 = arith.constant 0 : i32
        %swap3A_462 = arith.index_cast %swap3A_461 : i32 to index
        %swap3A_463 = arith.index_cast %add3A_454 : i32 to index
        %swap3A_464 = arith.constant 96 : index
        %swap3A_465 = tpu.vector_load %arg12[%swap3A_462, %swap3A_463, %swap3A_464] {strides = array<i32>} : memref<2x128x128xf32, #tpu.memory_space<vmem>>, vector<16xf32>,
        tpu.vector_store %arg12[%swap3A_462, %swap3A_463, %swap3A_464], %mul3A_460 {strides = array<i32>} : memref<2x128x128xf32, #tpu.memory_space<vmem>>, vector<16xf32>,
        %add3A_466 = arith.constant 3 : i32
        %add3A_467 = arith.addi %add3A_42, %add3A_466 : i32
        %get3A_468 = arith.constant 0 : i32
        %get3A_469 = arith.index_cast %get3A_468 : i32 to index
        %get3A_470 = arith.index_cast %add3A_467 : i32 to index
        %get3A_471 = arith.constant 112 : index
        %get3A_472 = tpu.vector_load %arg12[%get3A_469, %get3A_470, %get3A_471] {strides = array<i32>} : memref<2x128x128xf32, #tpu.memory_space<vmem>>, vector<16xf32>,
        %mul3A_473 = arith.mulf %get3A_472, %gather3A_374 : vector<16xf32>
        %swap3A_474 = arith.constant 0 : i32
        %swap3A_475 = arith.index_cast %swap3A_474 : i32 to index
        %swap3A_476 = arith.index_cast %add3A_467 : i32 to index
        %swap3A_477 = arith.constant 112 : index
        %swap3A_478 = tpu.vector_load %arg12[%swap3A_475, %swap3A_476, %swap3A_477] {strides = array<i32>} : memref<2x128x128xf32, #tpu.memory_space<vmem>>, vector<16xf32>,
        tpu.vector_store %arg12[%swap3A_475, %swap3A_476, %swap3A_477], %mul3A_473 {strides = array<i32>} : memref<2x128x128xf32, #tpu.memory_space<vmem>>, vector<16xf32>,
      }
      %scan3A_36 = arith.constant 32 : i32
      %run_scoped3A_37 = arith.constant 0 : i32
      "tpu.region"() ({
        %run_scoped3A_38 = tpu.sem_alloc : memref<!tpu.dma_semaphore, #tpu.memory_space<semaphore_mem>>
        %dma_start3A = arith.constant 0 : i32
        %dma_start3A_39 = arith.constant 0 : i32
        %dma_start3A_40 = tpu.memref_slice %arg12[%run_scoped3A_37, %dma_start3A, %dma_start3A_39] : memref<2x128x128xf32, #tpu.memory_space<vmem>> -> memref<1x128x128xf32, #tpu.memory_space<vmem>>
        %dma_start3A_41 = tpu.memref_squeeze %dma_start3A_40 : memref<1x128x128xf32, #tpu.memory_space<vmem>> -> memref<128x128xf32, #tpu.memory_space<vmem>>
        %dma_start3A_42 = arith.constant 0 : i32
        %dma_start3A_43 = arith.constant 0 : i32
        %dma_start3A_44 = tpu.memref_slice %arg13[%dma_start3A_42, %dma_start3A_43] : memref<10240x128xf32, #tpu.memory_space<vmem_shared>> -> memref<10240x128xf32, #tpu.memory_space<vmem_shared>>
        tpu.enqueue_indirect_dma source(%dma_start3A_41 : memref<128x128xf32, #tpu.memory_space<vmem>>) target(%dma_start3A_44 : memref<10240x128xf32, #tpu.memory_space<vmem_shared>>) offsets(%arg9 : memref<128xi32, #tpu.memory_space<vmem>>) semaphore(%run_scoped3A_38 : memref<!tpu.dma_semaphore, #tpu.memory_space<semaphore_mem>>) {add = true}
        %dma_wait3A = arith.constant 0 : i32
        %dma_wait3A_45 = arith.constant 0 : i32
        %dma_wait3A_46 = tpu.memref_slice %arg12[%run_scoped3A_37, %dma_wait3A, %dma_wait3A_45] : memref<2x128x128xf32, #tpu.memory_space<vmem>> -> memref<1x128x128xf32, #tpu.memory_space<vmem>>
        %dma_wait3A_47 = tpu.memref_squeeze %dma_wait3A_46 : memref<1x128x128xf32, #tpu.memory_space<vmem>> -> memref<128x128xf32, #tpu.memory_space<vmem>>
        %dma_wait3A_48 = arith.constant 0 : i32
        %dma_wait3A_49 = arith.constant 0 : i32
        %dma_wait3A_50 = tpu.memref_slice %arg13[%dma_wait3A_48, %dma_wait3A_49] : memref<10240x128xf32, #tpu.memory_space<vmem_shared>> -> memref<10240x128xf32, #tpu.memory_space<vmem_shared>>
        tpu.wait_indirect_dma semaphore(%run_scoped3A_38 : memref<!tpu.dma_semaphore, #tpu.memory_space<semaphore_mem>>) src(%dma_wait3A_47 : memref<128x128xf32, #tpu.memory_space<vmem>>) dst(%dma_wait3A_50 : memref<10240x128xf32, #tpu.memory_space<vmem_shared>>)
        tpu.yield
      }) : () -> ()
    }
    %scan3A_16 = arith.constant 79 : i32
    %barrier3A_17 = arith.constant 0 : index
    tpu.barrier barrier_id(%barrier3A_17)
    %mul3A_18 = arith.constant 640 : i32
    %mul3A_19 = arith.muli %arg1, %mul3A_18 : i32
    %mul3A_20 = arith.constant 640 : i32
    %mul3A_21 = arith.muli %arg1, %mul3A_20 : i32
    "tpu.region"() ({
      %run_scoped3A = tpu.sem_alloc : memref<!tpu.dma_semaphore, #tpu.memory_space<semaphore_mem>>
      %dma_start3A = arith.constant 0 : i32
      %dma_start3A_22 = tpu.memref_slice %arg6[%arg0, %mul3A_21, %dma_start3A] : memref<2x10240x128xf32, #tpu.memory_space<hbm>> -> memref<1x640x128xf32, #tpu.memory_space<hbm>>
      %dma_start3A_23 = tpu.memref_squeeze %dma_start3A_22 : memref<1x640x128xf32, #tpu.memory_space<hbm>> -> memref<640x128xf32, #tpu.memory_space<hbm>>
      %dma_start3A_24 = arith.constant 0 : i32
      %dma_start3A_25 = tpu.memref_slice %arg13[%mul3A_19, %dma_start3A_24] : memref<10240x128xf32, #tpu.memory_space<vmem_shared>> -> memref<640x128xf32, #tpu.memory_space<vmem_shared>>
      tpu.enqueue_dma source(%dma_start3A_25 : memref<640x128xf32, #tpu.memory_space<vmem_shared>>) target(%dma_start3A_23 : memref<640x128xf32, #tpu.memory_space<hbm>>) target_semaphore(%run_scoped3A : memref<!tpu.dma_semaphore, #tpu.memory_space<semaphore_mem>>)
      %dma_wait3A = arith.constant 0 : i32
      %dma_wait3A_26 = tpu.memref_slice %arg6[%arg0, %mul3A_21, %dma_wait3A] : memref<2x10240x128xf32, #tpu.memory_space<hbm>> -> memref<1x640x128xf32, #tpu.memory_space<hbm>>
      %dma_wait3A_27 = tpu.memref_squeeze %dma_wait3A_26 : memref<1x640x128xf32, #tpu.memory_space<hbm>> -> memref<640x128xf32, #tpu.memory_space<hbm>>
      %dma_wait3A_28 = arith.constant 0 : i32
      %dma_wait3A_29 = tpu.memref_slice %arg13[%mul3A_19, %dma_wait3A_28] : memref<10240x128xf32, #tpu.memory_space<vmem_shared>> -> memref<640x128xf32, #tpu.memory_space<vmem_shared>>
      tpu.wait_dma2 semaphore(%run_scoped3A : memref<!tpu.dma_semaphore, #tpu.memory_space<semaphore_mem>>) src(%dma_wait3A_29 : memref<640x128xf32, #tpu.memory_space<vmem_shared>>) dst(%dma_wait3A_27 : memref<640x128xf32, #tpu.memory_space<hbm>>)
      tpu.yield
    }) : () -> ()
    return
  }
}

#map = affine_map<(d0, d1) -> (0, 0)>
#map1 = affine_map<(d0, d1) -> (0)>
#map2 = affine_map<(d0, d1) -> (0, 0, 0)>
module attributes {stable_mosaic.version = 14 : i64} {
  func.func @_sc_msg_body(%arg0: i32, %arg1: i32, %arg2: memref<10000x128xf32, #tpu.memory_space<hbm>>, %arg3: memref<323584xi32, #tpu.memory_space<hbm>>, %arg4: memref<323584xi32, #tpu.memory_space<hbm>>, %arg5: memref<323584xf32, #tpu.memory_space<hbm>>, %arg6: memref<2x10240x128xf32, #tpu.memory_space<hbm>>, %arg7: memref<128xi32, #tpu.memory_space<vmem>>, %arg8: memref<128xi32, #tpu.memory_space<vmem>>, %arg9: memref<128xi32, #tpu.memory_space<vmem>>, %arg10: memref<128xi32, #tpu.memory_space<vmem>>, %arg11: memref<256xf32, #tpu.memory_space<vmem>>, %arg12: memref<2x128x128xf32, #tpu.memory_space<vmem>>, %arg13: memref<10240x128xf32, #tpu.memory_space<vmem_shared>>, %arg14: memref<!tpu.dma_semaphore, #tpu.memory_space<semaphore_mem>>, %arg15: memref<!tpu.dma_semaphore, #tpu.memory_space<semaphore_mem>>) attributes {dimension_semantics = [#tpu.dimension_semantics<core_parallel>, #tpu.dimension_semantics<subcore_parallel>], iteration_bounds = array<i64: 2, 16>, scalar_prefetch = 0 : i64, scratch_operands = 9 : i64, tpu.core_type = #tpu.core_type<sc_vector_subcore>, window_params = [{transform_indices = #map}, {transform_indices = #map1}, {transform_indices = #map1}, {transform_indices = #map1}, {transform_indices = #map2}]} {
    %mul3A = arith.constant 2 : i32
    %mul3A_0 = arith.muli %arg1, %mul3A : i32
    %add3A = arith.addi %mul3A_0, %arg0 : i32
    %scan3A = arith.constant 0 : i32
    %scan3A_1 = arith.constant 0 : i32
    %scan3A_2 = arith.constant 128 : i32
    %scan3A_3 = arith.addi %scan3A_1, %scan3A_2 : i32
    %scan3A_4 = arith.constant 1 : i32
    scf.for %scan3A_22 = %scan3A_1 to %scan3A_3 step %scan3A_4  : i32 {
      %mul3A_23 = arith.constant 1 : i32
      %mul3A_24 = arith.muli %scan3A_22, %mul3A_23 : i32
      %add3A_25 = arith.constant 0 : i32
      %add3A_26 = arith.addi %add3A_25, %mul3A_24 : i32
      %broadcast_in_dim3A = arith.constant 0.000000e+00 : f32
      %broadcast_in_dim3A_27 = vector.broadcast %broadcast_in_dim3A : f32 to vector<16xf32>
      %swap3A = arith.constant 0 : i32
      %swap3A_28 = arith.constant 0 : i32
      %swap3A_29 = tpu.memref_slice %arg12[%scan3A, %swap3A, %swap3A_28] : memref<2x128x128xf32, #tpu.memory_space<vmem>> -> memref<1x128x128xf32, #tpu.memory_space<vmem>>
      %swap3A_30 = tpu.memref_squeeze %swap3A_29 : memref<1x128x128xf32, #tpu.memory_space<vmem>> -> memref<128x128xf32, #tpu.memory_space<vmem>>
      %swap3A_31 = arith.index_cast %add3A_26 : i32 to index
      %swap3A_32 = arith.constant 0 : index
      %swap3A_33 = tpu.vector_load %swap3A_30[%swap3A_31, %swap3A_32] {strides = array<i32>} : memref<128x128xf32, #tpu.memory_space<vmem>>, vector<16xf32>,
      tpu.vector_store %swap3A_30[%swap3A_31, %swap3A_32], %broadcast_in_dim3A_27 {strides = array<i32>} : memref<128x128xf32, #tpu.memory_space<vmem>>, vector<16xf32>,
      %broadcast_in_dim3A_34 = arith.constant 0.000000e+00 : f32
      %broadcast_in_dim3A_35 = vector.broadcast %broadcast_in_dim3A_34 : f32 to vector<16xf32>
      %swap3A_36 = arith.constant 0 : i32
      %swap3A_37 = arith.constant 0 : i32
      %swap3A_38 = tpu.memref_slice %arg12[%scan3A, %swap3A_36, %swap3A_37] : memref<2x128x128xf32, #tpu.memory_space<vmem>> -> memref<1x128x128xf32, #tpu.memory_space<vmem>>
      %swap3A_39 = tpu.memref_squeeze %swap3A_38 : memref<1x128x128xf32, #tpu.memory_space<vmem>> -> memref<128x128xf32, #tpu.memory_space<vmem>>
      %swap3A_40 = arith.index_cast %add3A_26 : i32 to index
      %swap3A_41 = arith.constant 16 : index
      %swap3A_42 = tpu.vector_load %swap3A_39[%swap3A_40, %swap3A_41] {strides = array<i32>} : memref<128x128xf32, #tpu.memory_space<vmem>>, vector<16xf32>,
      tpu.vector_store %swap3A_39[%swap3A_40, %swap3A_41], %broadcast_in_dim3A_35 {strides = array<i32>} : memref<128x128xf32, #tpu.memory_space<vmem>>, vector<16xf32>,
      %broadcast_in_dim3A_43 = arith.constant 0.000000e+00 : f32
      %broadcast_in_dim3A_44 = vector.broadcast %broadcast_in_dim3A_43 : f32 to vector<16xf32>
      %swap3A_45 = arith.constant 0 : i32
      %swap3A_46 = arith.constant 0 : i32
      %swap3A_47 = tpu.memref_slice %arg12[%scan3A, %swap3A_45, %swap3A_46] : memref<2x128x128xf32, #tpu.memory_space<vmem>> -> memref<1x128x128xf32, #tpu.memory_space<vmem>>
      %swap3A_48 = tpu.memref_squeeze %swap3A_47 : memref<1x128x128xf32, #tpu.memory_space<vmem>> -> memref<128x128xf32, #tpu.memory_space<vmem>>
      %swap3A_49 = arith.index_cast %add3A_26 : i32 to index
      %swap3A_50 = arith.constant 32 : index
      %swap3A_51 = tpu.vector_load %swap3A_48[%swap3A_49, %swap3A_50] {strides = array<i32>} : memref<128x128xf32, #tpu.memory_space<vmem>>, vector<16xf32>,
      tpu.vector_store %swap3A_48[%swap3A_49, %swap3A_50], %broadcast_in_dim3A_44 {strides = array<i32>} : memref<128x128xf32, #tpu.memory_space<vmem>>, vector<16xf32>,
      %broadcast_in_dim3A_52 = arith.constant 0.000000e+00 : f32
      %broadcast_in_dim3A_53 = vector.broadcast %broadcast_in_dim3A_52 : f32 to vector<16xf32>
      %swap3A_54 = arith.constant 0 : i32
      %swap3A_55 = arith.constant 0 : i32
      %swap3A_56 = tpu.memref_slice %arg12[%scan3A, %swap3A_54, %swap3A_55] : memref<2x128x128xf32, #tpu.memory_space<vmem>> -> memref<1x128x128xf32, #tpu.memory_space<vmem>>
      %swap3A_57 = tpu.memref_squeeze %swap3A_56 : memref<1x128x128xf32, #tpu.memory_space<vmem>> -> memref<128x128xf32, #tpu.memory_space<vmem>>
      %swap3A_58 = arith.index_cast %add3A_26 : i32 to index
      %swap3A_59 = arith.constant 48 : index
      %swap3A_60 = tpu.vector_load %swap3A_57[%swap3A_58, %swap3A_59] {strides = array<i32>} : memref<128x128xf32, #tpu.memory_space<vmem>>, vector<16xf32>,
      tpu.vector_store %swap3A_57[%swap3A_58, %swap3A_59], %broadcast_in_dim3A_53 {strides = array<i32>} : memref<128x128xf32, #tpu.memory_space<vmem>>, vector<16xf32>,
      %broadcast_in_dim3A_61 = arith.constant 0.000000e+00 : f32
      %broadcast_in_dim3A_62 = vector.broadcast %broadcast_in_dim3A_61 : f32 to vector<16xf32>
      %swap3A_63 = arith.constant 0 : i32
      %swap3A_64 = arith.constant 0 : i32
      %swap3A_65 = tpu.memref_slice %arg12[%scan3A, %swap3A_63, %swap3A_64] : memref<2x128x128xf32, #tpu.memory_space<vmem>> -> memref<1x128x128xf32, #tpu.memory_space<vmem>>
      %swap3A_66 = tpu.memref_squeeze %swap3A_65 : memref<1x128x128xf32, #tpu.memory_space<vmem>> -> memref<128x128xf32, #tpu.memory_space<vmem>>
      %swap3A_67 = arith.index_cast %add3A_26 : i32 to index
      %swap3A_68 = arith.constant 64 : index
      %swap3A_69 = tpu.vector_load %swap3A_66[%swap3A_67, %swap3A_68] {strides = array<i32>} : memref<128x128xf32, #tpu.memory_space<vmem>>, vector<16xf32>,
      tpu.vector_store %swap3A_66[%swap3A_67, %swap3A_68], %broadcast_in_dim3A_62 {strides = array<i32>} : memref<128x128xf32, #tpu.memory_space<vmem>>, vector<16xf32>,
      %broadcast_in_dim3A_70 = arith.constant 0.000000e+00 : f32
      %broadcast_in_dim3A_71 = vector.broadcast %broadcast_in_dim3A_70 : f32 to vector<16xf32>
      %swap3A_72 = arith.constant 0 : i32
      %swap3A_73 = arith.constant 0 : i32
      %swap3A_74 = tpu.memref_slice %arg12[%scan3A, %swap3A_72, %swap3A_73] : memref<2x128x128xf32, #tpu.memory_space<vmem>> -> memref<1x128x128xf32, #tpu.memory_space<vmem>>
      %swap3A_75 = tpu.memref_squeeze %swap3A_74 : memref<1x128x128xf32, #tpu.memory_space<vmem>> -> memref<128x128xf32, #tpu.memory_space<vmem>>
      %swap3A_76 = arith.index_cast %add3A_26 : i32 to index
      %swap3A_77 = arith.constant 80 : index
      %swap3A_78 = tpu.vector_load %swap3A_75[%swap3A_76, %swap3A_77] {strides = array<i32>} : memref<128x128xf32, #tpu.memory_space<vmem>>, vector<16xf32>,
      tpu.vector_store %swap3A_75[%swap3A_76, %swap3A_77], %broadcast_in_dim3A_71 {strides = array<i32>} : memref<128x128xf32, #tpu.memory_space<vmem>>, vector<16xf32>,
      %broadcast_in_dim3A_79 = arith.constant 0.000000e+00 : f32
      %broadcast_in_dim3A_80 = vector.broadcast %broadcast_in_dim3A_79 : f32 to vector<16xf32>
      %swap3A_81 = arith.constant 0 : i32
      %swap3A_82 = arith.constant 0 : i32
      %swap3A_83 = tpu.memref_slice %arg12[%scan3A, %swap3A_81, %swap3A_82] : memref<2x128x128xf32, #tpu.memory_space<vmem>> -> memref<1x128x128xf32, #tpu.memory_space<vmem>>
      %swap3A_84 = tpu.memref_squeeze %swap3A_83 : memref<1x128x128xf32, #tpu.memory_space<vmem>> -> memref<128x128xf32, #tpu.memory_space<vmem>>
      %swap3A_85 = arith.index_cast %add3A_26 : i32 to index
      %swap3A_86 = arith.constant 96 : index
      %swap3A_87 = tpu.vector_load %swap3A_84[%swap3A_85, %swap3A_86] {strides = array<i32>} : memref<128x128xf32, #tpu.memory_space<vmem>>, vector<16xf32>,
      tpu.vector_store %swap3A_84[%swap3A_85, %swap3A_86], %broadcast_in_dim3A_80 {strides = array<i32>} : memref<128x128xf32, #tpu.memory_space<vmem>>, vector<16xf32>,
      %broadcast_in_dim3A_88 = arith.constant 0.000000e+00 : f32
      %broadcast_in_dim3A_89 = vector.broadcast %broadcast_in_dim3A_88 : f32 to vector<16xf32>
      %swap3A_90 = arith.constant 0 : i32
      %swap3A_91 = arith.constant 0 : i32
      %swap3A_92 = tpu.memref_slice %arg12[%scan3A, %swap3A_90, %swap3A_91] : memref<2x128x128xf32, #tpu.memory_space<vmem>> -> memref<1x128x128xf32, #tpu.memory_space<vmem>>
      %swap3A_93 = tpu.memref_squeeze %swap3A_92 : memref<1x128x128xf32, #tpu.memory_space<vmem>> -> memref<128x128xf32, #tpu.memory_space<vmem>>
      %swap3A_94 = arith.index_cast %add3A_26 : i32 to index
      %swap3A_95 = arith.constant 112 : index
      %swap3A_96 = tpu.vector_load %swap3A_93[%swap3A_94, %swap3A_95] {strides = array<i32>} : memref<128x128xf32, #tpu.memory_space<vmem>>, vector<16xf32>,
      tpu.vector_store %swap3A_93[%swap3A_94, %swap3A_95], %broadcast_in_dim3A_89 {strides = array<i32>} : memref<128x128xf32, #tpu.memory_space<vmem>>, vector<16xf32>,
    }
    %scan3A_5 = arith.constant 128 : i32
    %scan3A_6 = arith.constant 0 : i32
    %scan3A_7 = arith.constant 0 : i32
    %scan3A_8 = arith.constant 5 : i32
    %scan3A_9 = arith.addi %scan3A_7, %scan3A_8 : i32
    %scan3A_10 = arith.constant 1 : i32
    scf.for %scan3A_22 = %scan3A_7 to %scan3A_9 step %scan3A_10  : i32 {
      %mul3A_23 = arith.constant 128 : i32
      %mul3A_24 = arith.muli %scan3A_22, %mul3A_23 : i32
      %add3A_25 = arith.constant 0 : i32
      %add3A_26 = arith.addi %add3A_25, %mul3A_24 : i32
      %mul3A_27 = arith.constant 640 : i32
      %mul3A_28 = arith.muli %arg1, %mul3A_27 : i32
      %add3A_29 = arith.addi %mul3A_28, %add3A_26 : i32
      "tpu.region"() ({
        %run_scoped3A = tpu.sem_alloc : memref<!tpu.dma_semaphore, #tpu.memory_space<semaphore_mem>>
        %dma_start3A = arith.constant 0 : i32
        %dma_start3A_30 = arith.constant 0 : i32
        %dma_start3A_31 = tpu.memref_slice %arg12[%scan3A_6, %dma_start3A, %dma_start3A_30] : memref<2x128x128xf32, #tpu.memory_space<vmem>> -> memref<1x128x128xf32, #tpu.memory_space<vmem>>
        %dma_start3A_32 = tpu.memref_squeeze %dma_start3A_31 : memref<1x128x128xf32, #tpu.memory_space<vmem>> -> memref<128x128xf32, #tpu.memory_space<vmem>>
        %dma_start3A_33 = arith.constant 0 : i32
        %dma_start3A_34 = tpu.memref_slice %arg13[%add3A_29, %dma_start3A_33] : memref<10240x128xf32, #tpu.memory_space<vmem_shared>> -> memref<128x128xf32, #tpu.memory_space<vmem_shared>>
        %dma_start3A_35 = arith.constant 0 : i32
        %dma_start3A_36 = tpu.memref_slice %arg13[%add3A_29, %dma_start3A_35] : memref<10240x128xf32, #tpu.memory_space<vmem_shared>> -> memref<128x128xf32, #tpu.memory_space<vmem_shared>>
        %dma_start3A_37 = arith.constant 0 : i32
        %dma_start3A_38 = arith.constant 0 : i32
        %dma_start3A_39 = tpu.memref_slice %arg12[%scan3A_6, %dma_start3A_37, %dma_start3A_38] : memref<2x128x128xf32, #tpu.memory_space<vmem>> -> memref<1x128x128xf32, #tpu.memory_space<vmem>>
        %dma_start3A_40 = tpu.memref_squeeze %dma_start3A_39 : memref<1x128x128xf32, #tpu.memory_space<vmem>> -> memref<128x128xf32, #tpu.memory_space<vmem>>
        tpu.enqueue_dma source(%dma_start3A_40 : memref<128x128xf32, #tpu.memory_space<vmem>>) target(%dma_start3A_36 : memref<128x128xf32, #tpu.memory_space<vmem_shared>>) target_semaphore(%run_scoped3A : memref<!tpu.dma_semaphore, #tpu.memory_space<semaphore_mem>>)
        %dma_wait3A = arith.constant 0 : i32
        %dma_wait3A_41 = arith.constant 0 : i32
        %dma_wait3A_42 = tpu.memref_slice %arg12[%scan3A_6, %dma_wait3A, %dma_wait3A_41] : memref<2x128x128xf32, #tpu.memory_space<vmem>> -> memref<1x128x128xf32, #tpu.memory_space<vmem>>
        %dma_wait3A_43 = tpu.memref_squeeze %dma_wait3A_42 : memref<1x128x128xf32, #tpu.memory_space<vmem>> -> memref<128x128xf32, #tpu.memory_space<vmem>>
        %dma_wait3A_44 = arith.constant 0 : i32
        %dma_wait3A_45 = tpu.memref_slice %arg13[%add3A_29, %dma_wait3A_44] : memref<10240x128xf32, #tpu.memory_space<vmem_shared>> -> memref<128x128xf32, #tpu.memory_space<vmem_shared>>
        %dma_wait3A_46 = arith.constant 0 : i32
        %dma_wait3A_47 = tpu.memref_slice %arg13[%add3A_29, %dma_wait3A_46] : memref<10240x128xf32, #tpu.memory_space<vmem_shared>> -> memref<128x128xf32, #tpu.memory_space<vmem_shared>>
        %dma_wait3A_48 = arith.constant 0 : i32
        %dma_wait3A_49 = arith.constant 0 : i32
        %dma_wait3A_50 = tpu.memref_slice %arg12[%scan3A_6, %dma_wait3A_48, %dma_wait3A_49] : memref<2x128x128xf32, #tpu.memory_space<vmem>> -> memref<1x128x128xf32, #tpu.memory_space<vmem>>
        %dma_wait3A_51 = tpu.memref_squeeze %dma_wait3A_50 : memref<1x128x128xf32, #tpu.memory_space<vmem>> -> memref<128x128xf32, #tpu.memory_space<vmem>>
        tpu.wait_dma2 semaphore(%run_scoped3A : memref<!tpu.dma_semaphore, #tpu.memory_space<semaphore_mem>>) src(%dma_wait3A_51 : memref<128x128xf32, #tpu.memory_space<vmem>>) dst(%dma_wait3A_47 : memref<128x128xf32, #tpu.memory_space<vmem_shared>>)
        tpu.yield
      }) : () -> ()
    }
    %scan3A_11 = arith.constant 5 : i32
    %barrier3A = arith.constant 0 : index
    tpu.barrier barrier_id(%barrier3A)
    %scan3A_12 = arith.constant 0 : i32
    %scan3A_13 = arith.constant 79 : i32
    %scan3A_14 = arith.addi %scan3A_12, %scan3A_13 : i32
    %scan3A_15 = arith.constant 1 : i32
    scf.for %scan3A_22 = %scan3A_12 to %scan3A_14 step %scan3A_15  : i32 {
      %mul3A_23 = arith.constant 1 : i32
      %mul3A_24 = arith.muli %scan3A_22, %mul3A_23 : i32
      %add3A_25 = arith.constant 0 : i32
      %add3A_26 = arith.addi %add3A_25, %mul3A_24 : i32
      %mul3A_27 = arith.constant 79 : i32
      %mul3A_28 = arith.muli %add3A, %mul3A_27 : i32
      %add3A_29 = arith.addi %mul3A_28, %add3A_26 : i32
      %mul3A_30 = arith.constant 128 : i32
      %mul3A_31 = arith.muli %add3A_29, %mul3A_30 : i32
      "tpu.region"() ({
        %run_scoped3A_38 = tpu.sem_alloc : memref<!tpu.dma_semaphore, #tpu.memory_space<semaphore_mem>>
        %dma_start3A = tpu.memref_slice %arg3[%mul3A_31] : memref<323584xi32, #tpu.memory_space<hbm>> -> memref<128xi32, #tpu.memory_space<hbm>>
        %dma_start3A_39 = tpu.memref_slice %arg3[%mul3A_31] : memref<323584xi32, #tpu.memory_space<hbm>> -> memref<128xi32, #tpu.memory_space<hbm>>
        tpu.enqueue_dma source(%dma_start3A_39 : memref<128xi32, #tpu.memory_space<hbm>>) target(%arg7 : memref<128xi32, #tpu.memory_space<vmem>>) target_semaphore(%run_scoped3A_38 : memref<!tpu.dma_semaphore, #tpu.memory_space<semaphore_mem>>)
        %dma_wait3A = tpu.memref_slice %arg3[%mul3A_31] : memref<323584xi32, #tpu.memory_space<hbm>> -> memref<128xi32, #tpu.memory_space<hbm>>
        %dma_wait3A_40 = tpu.memref_slice %arg3[%mul3A_31] : memref<323584xi32, #tpu.memory_space<hbm>> -> memref<128xi32, #tpu.memory_space<hbm>>
        tpu.wait_dma2 semaphore(%run_scoped3A_38 : memref<!tpu.dma_semaphore, #tpu.memory_space<semaphore_mem>>) src(%dma_wait3A_40 : memref<128xi32, #tpu.memory_space<hbm>>) dst(%arg7 : memref<128xi32, #tpu.memory_space<vmem>>)
        tpu.yield
      }) : () -> ()
      "tpu.region"() ({
        %run_scoped3A_38 = tpu.sem_alloc : memref<!tpu.dma_semaphore, #tpu.memory_space<semaphore_mem>>
        %dma_start3A = tpu.memref_slice %arg4[%mul3A_31] : memref<323584xi32, #tpu.memory_space<hbm>> -> memref<128xi32, #tpu.memory_space<hbm>>
        %dma_start3A_39 = tpu.memref_slice %arg4[%mul3A_31] : memref<323584xi32, #tpu.memory_space<hbm>> -> memref<128xi32, #tpu.memory_space<hbm>>
        tpu.enqueue_dma source(%dma_start3A_39 : memref<128xi32, #tpu.memory_space<hbm>>) target(%arg9 : memref<128xi32, #tpu.memory_space<vmem>>) target_semaphore(%run_scoped3A_38 : memref<!tpu.dma_semaphore, #tpu.memory_space<semaphore_mem>>)
        %dma_wait3A = tpu.memref_slice %arg4[%mul3A_31] : memref<323584xi32, #tpu.memory_space<hbm>> -> memref<128xi32, #tpu.memory_space<hbm>>
        %dma_wait3A_40 = tpu.memref_slice %arg4[%mul3A_31] : memref<323584xi32, #tpu.memory_space<hbm>> -> memref<128xi32, #tpu.memory_space<hbm>>
        tpu.wait_dma2 semaphore(%run_scoped3A_38 : memref<!tpu.dma_semaphore, #tpu.memory_space<semaphore_mem>>) src(%dma_wait3A_40 : memref<128xi32, #tpu.memory_space<hbm>>) dst(%arg9 : memref<128xi32, #tpu.memory_space<vmem>>)
        tpu.yield
      }) : () -> ()
      "tpu.region"() ({
        %run_scoped3A_38 = tpu.sem_alloc : memref<!tpu.dma_semaphore, #tpu.memory_space<semaphore_mem>>
        %dma_start3A = arith.constant 0 : i32
        %dma_start3A_39 = tpu.memref_slice %arg11[%dma_start3A] : memref<256xf32, #tpu.memory_space<vmem>> -> memref<128xf32, #tpu.memory_space<vmem>>
        %dma_start3A_40 = tpu.memref_slice %arg5[%mul3A_31] : memref<323584xf32, #tpu.memory_space<hbm>> -> memref<128xf32, #tpu.memory_space<hbm>>
        %dma_start3A_41 = arith.constant 0 : i32
        %dma_start3A_42 = tpu.memref_slice %arg11[%dma_start3A_41] : memref<256xf32, #tpu.memory_space<vmem>> -> memref<128xf32, #tpu.memory_space<vmem>>
        %dma_start3A_43 = tpu.memref_slice %arg5[%mul3A_31] : memref<323584xf32, #tpu.memory_space<hbm>> -> memref<128xf32, #tpu.memory_space<hbm>>
        tpu.enqueue_dma source(%dma_start3A_43 : memref<128xf32, #tpu.memory_space<hbm>>) target(%dma_start3A_42 : memref<128xf32, #tpu.memory_space<vmem>>) target_semaphore(%run_scoped3A_38 : memref<!tpu.dma_semaphore, #tpu.memory_space<semaphore_mem>>)
        %dma_wait3A = arith.constant 0 : i32
        %dma_wait3A_44 = tpu.memref_slice %arg11[%dma_wait3A] : memref<256xf32, #tpu.memory_space<vmem>> -> memref<128xf32, #tpu.memory_space<vmem>>
        %dma_wait3A_45 = tpu.memref_slice %arg5[%mul3A_31] : memref<323584xf32, #tpu.memory_space<hbm>> -> memref<128xf32, #tpu.memory_space<hbm>>
        %dma_wait3A_46 = arith.constant 0 : i32
        %dma_wait3A_47 = tpu.memref_slice %arg11[%dma_wait3A_46] : memref<256xf32, #tpu.memory_space<vmem>> -> memref<128xf32, #tpu.memory_space<vmem>>
        %dma_wait3A_48 = tpu.memref_slice %arg5[%mul3A_31] : memref<323584xf32, #tpu.memory_space<hbm>> -> memref<128xf32, #tpu.memory_space<hbm>>
        tpu.wait_dma2 semaphore(%run_scoped3A_38 : memref<!tpu.dma_semaphore, #tpu.memory_space<semaphore_mem>>) src(%dma_wait3A_48 : memref<128xf32, #tpu.memory_space<hbm>>) dst(%dma_wait3A_47 : memref<128xf32, #tpu.memory_space<vmem>>)
        tpu.yield
      }) : () -> ()
      %run_scoped3A = arith.constant 0 : i32
      "tpu.region"() ({
        %run_scoped3A_38 = tpu.sem_alloc : memref<!tpu.dma_semaphore, #tpu.memory_space<semaphore_mem>>
        %dma_start3A = arith.constant 0 : i32
        %dma_start3A_39 = arith.constant 0 : i32
        %dma_start3A_40 = tpu.memref_slice %arg12[%run_scoped3A, %dma_start3A, %dma_start3A_39] : memref<2x128x128xf32, #tpu.memory_space<vmem>> -> memref<1x128x128xf32, #tpu.memory_space<vmem>>
        %dma_start3A_41 = tpu.memref_squeeze %dma_start3A_40 : memref<1x128x128xf32, #tpu.memory_space<vmem>> -> memref<128x128xf32, #tpu.memory_space<vmem>>
        %dma_start3A_42 = arith.constant 0 : i32
        %dma_start3A_43 = arith.constant 0 : i32
        %dma_start3A_44 = tpu.memref_slice %arg2[%dma_start3A_42, %dma_start3A_43] : memref<10000x128xf32, #tpu.memory_space<hbm>> -> memref<10000x128xf32, #tpu.memory_space<hbm>>
        tpu.enqueue_indirect_dma source(%dma_start3A_44 : memref<10000x128xf32, #tpu.memory_space<hbm>>) target(%dma_start3A_41 : memref<128x128xf32, #tpu.memory_space<vmem>>) offsets(%arg7 : memref<128xi32, #tpu.memory_space<vmem>>) semaphore(%run_scoped3A_38 : memref<!tpu.dma_semaphore, #tpu.memory_space<semaphore_mem>>)
        %dma_wait3A = arith.constant 0 : i32
        %dma_wait3A_45 = arith.constant 0 : i32
        %dma_wait3A_46 = tpu.memref_slice %arg12[%run_scoped3A, %dma_wait3A, %dma_wait3A_45] : memref<2x128x128xf32, #tpu.memory_space<vmem>> -> memref<1x128x128xf32, #tpu.memory_space<vmem>>
        %dma_wait3A_47 = tpu.memref_squeeze %dma_wait3A_46 : memref<1x128x128xf32, #tpu.memory_space<vmem>> -> memref<128x128xf32, #tpu.memory_space<vmem>>
        %dma_wait3A_48 = arith.constant 0 : i32
        %dma_wait3A_49 = arith.constant 0 : i32
        %dma_wait3A_50 = tpu.memref_slice %arg2[%dma_wait3A_48, %dma_wait3A_49] : memref<10000x128xf32, #tpu.memory_space<hbm>> -> memref<10000x128xf32, #tpu.memory_space<hbm>>
        tpu.wait_indirect_dma semaphore(%run_scoped3A_38 : memref<!tpu.dma_semaphore, #tpu.memory_space<semaphore_mem>>) src(%dma_wait3A_50 : memref<10000x128xf32, #tpu.memory_space<hbm>>) dst(%dma_wait3A_47 : memref<128x128xf32, #tpu.memory_space<vmem>>)
        tpu.yield
      }) : () -> ()
      %scan3A_32 = arith.constant 0 : i32
      %scan3A_33 = arith.constant 32 : i32
      %scan3A_34 = arith.addi %scan3A_32, %scan3A_33 : i32
      %scan3A_35 = arith.constant 1 : i32
      scf.for %scan3A_38 = %scan3A_32 to %scan3A_34 step %scan3A_35  : i32 {
        %mul3A_39 = arith.constant 4 : i32
        %mul3A_40 = arith.muli %scan3A_38, %mul3A_39 : i32
        %add3A_41 = arith.constant 0 : i32
        %add3A_42 = arith.addi %add3A_41, %mul3A_40 : i32
        %add3A_43 = arith.constant 0 : i32
        %add3A_44 = arith.addi %add3A_43, %add3A_42 : i32
        %add3A_45 = arith.constant 0 : i32
        %add3A_46 = arith.addi %add3A_44, %add3A_45 : i32
        %broadcast_in_dim3A = vector.broadcast %add3A_46 : i32 to vector<16xi32>
        %gather3A = tpu.vector_load_idx %arg11[%broadcast_in_dim3A] : memref<256xf32, #tpu.memory_space<vmem>>[vector<16xi32>], vector<16xf32>,
        %add3A_47 = arith.constant 0 : i32
        %add3A_48 = arith.addi %add3A_42, %add3A_47 : i32
        %get3A = arith.constant 0 : i32
        %get3A_49 = arith.index_cast %get3A : i32 to index
        %get3A_50 = arith.index_cast %add3A_48 : i32 to index
        %get3A_51 = arith.constant 0 : index
        %get3A_52 = tpu.vector_load %arg12[%get3A_49, %get3A_50, %get3A_51] {strides = array<i32>} : memref<2x128x128xf32, #tpu.memory_space<vmem>>, vector<16xf32>,
        %mul3A_53 = arith.mulf %get3A_52, %gather3A : vector<16xf32>
        %swap3A = arith.constant 0 : i32
        %swap3A_54 = arith.index_cast %swap3A : i32 to index
        %swap3A_55 = arith.index_cast %add3A_48 : i32 to index
        %swap3A_56 = arith.constant 0 : index
        %swap3A_57 = tpu.vector_load %arg12[%swap3A_54, %swap3A_55, %swap3A_56] {strides = array<i32>} : memref<2x128x128xf32, #tpu.memory_space<vmem>>, vector<16xf32>,
        tpu.vector_store %arg12[%swap3A_54, %swap3A_55, %swap3A_56], %mul3A_53 {strides = array<i32>} : memref<2x128x128xf32, #tpu.memory_space<vmem>>, vector<16xf32>,
        %add3A_58 = arith.constant 0 : i32
        %add3A_59 = arith.addi %add3A_42, %add3A_58 : i32
        %get3A_60 = arith.constant 0 : i32
        %get3A_61 = arith.index_cast %get3A_60 : i32 to index
        %get3A_62 = arith.index_cast %add3A_59 : i32 to index
        %get3A_63 = arith.constant 16 : index
        %get3A_64 = tpu.vector_load %arg12[%get3A_61, %get3A_62, %get3A_63] {strides = array<i32>} : memref<2x128x128xf32, #tpu.memory_space<vmem>>, vector<16xf32>,
        %mul3A_65 = arith.mulf %get3A_64, %gather3A : vector<16xf32>
        %swap3A_66 = arith.constant 0 : i32
        %swap3A_67 = arith.index_cast %swap3A_66 : i32 to index
        %swap3A_68 = arith.index_cast %add3A_59 : i32 to index
        %swap3A_69 = arith.constant 16 : index
        %swap3A_70 = tpu.vector_load %arg12[%swap3A_67, %swap3A_68, %swap3A_69] {strides = array<i32>} : memref<2x128x128xf32, #tpu.memory_space<vmem>>, vector<16xf32>,
        tpu.vector_store %arg12[%swap3A_67, %swap3A_68, %swap3A_69], %mul3A_65 {strides = array<i32>} : memref<2x128x128xf32, #tpu.memory_space<vmem>>, vector<16xf32>,
        %add3A_71 = arith.constant 0 : i32
        %add3A_72 = arith.addi %add3A_42, %add3A_71 : i32
        %get3A_73 = arith.constant 0 : i32
        %get3A_74 = arith.index_cast %get3A_73 : i32 to index
        %get3A_75 = arith.index_cast %add3A_72 : i32 to index
        %get3A_76 = arith.constant 32 : index
        %get3A_77 = tpu.vector_load %arg12[%get3A_74, %get3A_75, %get3A_76] {strides = array<i32>} : memref<2x128x128xf32, #tpu.memory_space<vmem>>, vector<16xf32>,
        %mul3A_78 = arith.mulf %get3A_77, %gather3A : vector<16xf32>
        %swap3A_79 = arith.constant 0 : i32
        %swap3A_80 = arith.index_cast %swap3A_79 : i32 to index
        %swap3A_81 = arith.index_cast %add3A_72 : i32 to index
        %swap3A_82 = arith.constant 32 : index
        %swap3A_83 = tpu.vector_load %arg12[%swap3A_80, %swap3A_81, %swap3A_82] {strides = array<i32>} : memref<2x128x128xf32, #tpu.memory_space<vmem>>, vector<16xf32>,
        tpu.vector_store %arg12[%swap3A_80, %swap3A_81, %swap3A_82], %mul3A_78 {strides = array<i32>} : memref<2x128x128xf32, #tpu.memory_space<vmem>>, vector<16xf32>,
        %add3A_84 = arith.constant 0 : i32
        %add3A_85 = arith.addi %add3A_42, %add3A_84 : i32
        %get3A_86 = arith.constant 0 : i32
        %get3A_87 = arith.index_cast %get3A_86 : i32 to index
        %get3A_88 = arith.index_cast %add3A_85 : i32 to index
        %get3A_89 = arith.constant 48 : index
        %get3A_90 = tpu.vector_load %arg12[%get3A_87, %get3A_88, %get3A_89] {strides = array<i32>} : memref<2x128x128xf32, #tpu.memory_space<vmem>>, vector<16xf32>,
        %mul3A_91 = arith.mulf %get3A_90, %gather3A : vector<16xf32>
        %swap3A_92 = arith.constant 0 : i32
        %swap3A_93 = arith.index_cast %swap3A_92 : i32 to index
        %swap3A_94 = arith.index_cast %add3A_85 : i32 to index
        %swap3A_95 = arith.constant 48 : index
        %swap3A_96 = tpu.vector_load %arg12[%swap3A_93, %swap3A_94, %swap3A_95] {strides = array<i32>} : memref<2x128x128xf32, #tpu.memory_space<vmem>>, vector<16xf32>,
        tpu.vector_store %arg12[%swap3A_93, %swap3A_94, %swap3A_95], %mul3A_91 {strides = array<i32>} : memref<2x128x128xf32, #tpu.memory_space<vmem>>, vector<16xf32>,
        %add3A_97 = arith.constant 0 : i32
        %add3A_98 = arith.addi %add3A_42, %add3A_97 : i32
        %get3A_99 = arith.constant 0 : i32
        %get3A_100 = arith.index_cast %get3A_99 : i32 to index
        %get3A_101 = arith.index_cast %add3A_98 : i32 to index
        %get3A_102 = arith.constant 64 : index
        %get3A_103 = tpu.vector_load %arg12[%get3A_100, %get3A_101, %get3A_102] {strides = array<i32>} : memref<2x128x128xf32, #tpu.memory_space<vmem>>, vector<16xf32>,
        %mul3A_104 = arith.mulf %get3A_103, %gather3A : vector<16xf32>
        %swap3A_105 = arith.constant 0 : i32
        %swap3A_106 = arith.index_cast %swap3A_105 : i32 to index
        %swap3A_107 = arith.index_cast %add3A_98 : i32 to index
        %swap3A_108 = arith.constant 64 : index
        %swap3A_109 = tpu.vector_load %arg12[%swap3A_106, %swap3A_107, %swap3A_108] {strides = array<i32>} : memref<2x128x128xf32, #tpu.memory_space<vmem>>, vector<16xf32>,
        tpu.vector_store %arg12[%swap3A_106, %swap3A_107, %swap3A_108], %mul3A_104 {strides = array<i32>} : memref<2x128x128xf32, #tpu.memory_space<vmem>>, vector<16xf32>,
        %add3A_110 = arith.constant 0 : i32
        %add3A_111 = arith.addi %add3A_42, %add3A_110 : i32
        %get3A_112 = arith.constant 0 : i32
        %get3A_113 = arith.index_cast %get3A_112 : i32 to index
        %get3A_114 = arith.index_cast %add3A_111 : i32 to index
        %get3A_115 = arith.constant 80 : index
        %get3A_116 = tpu.vector_load %arg12[%get3A_113, %get3A_114, %get3A_115] {strides = array<i32>} : memref<2x128x128xf32, #tpu.memory_space<vmem>>, vector<16xf32>,
        %mul3A_117 = arith.mulf %get3A_116, %gather3A : vector<16xf32>
        %swap3A_118 = arith.constant 0 : i32
        %swap3A_119 = arith.index_cast %swap3A_118 : i32 to index
        %swap3A_120 = arith.index_cast %add3A_111 : i32 to index
        %swap3A_121 = arith.constant 80 : index
        %swap3A_122 = tpu.vector_load %arg12[%swap3A_119, %swap3A_120, %swap3A_121] {strides = array<i32>} : memref<2x128x128xf32, #tpu.memory_space<vmem>>, vector<16xf32>,
        tpu.vector_store %arg12[%swap3A_119, %swap3A_120, %swap3A_121], %mul3A_117 {strides = array<i32>} : memref<2x128x128xf32, #tpu.memory_space<vmem>>, vector<16xf32>,
        %add3A_123 = arith.constant 0 : i32
        %add3A_124 = arith.addi %add3A_42, %add3A_123 : i32
        %get3A_125 = arith.constant 0 : i32
        %get3A_126 = arith.index_cast %get3A_125 : i32 to index
        %get3A_127 = arith.index_cast %add3A_124 : i32 to index
        %get3A_128 = arith.constant 96 : index
        %get3A_129 = tpu.vector_load %arg12[%get3A_126, %get3A_127, %get3A_128] {strides = array<i32>} : memref<2x128x128xf32, #tpu.memory_space<vmem>>, vector<16xf32>,
        %mul3A_130 = arith.mulf %get3A_129, %gather3A : vector<16xf32>
        %swap3A_131 = arith.constant 0 : i32
        %swap3A_132 = arith.index_cast %swap3A_131 : i32 to index
        %swap3A_133 = arith.index_cast %add3A_124 : i32 to index
        %swap3A_134 = arith.constant 96 : index
        %swap3A_135 = tpu.vector_load %arg12[%swap3A_132, %swap3A_133, %swap3A_134] {strides = array<i32>} : memref<2x128x128xf32, #tpu.memory_space<vmem>>, vector<16xf32>,
        tpu.vector_store %arg12[%swap3A_132, %swap3A_133, %swap3A_134], %mul3A_130 {strides = array<i32>} : memref<2x128x128xf32, #tpu.memory_space<vmem>>, vector<16xf32>,
        %add3A_136 = arith.constant 0 : i32
        %add3A_137 = arith.addi %add3A_42, %add3A_136 : i32
        %get3A_138 = arith.constant 0 : i32
        %get3A_139 = arith.index_cast %get3A_138 : i32 to index
        %get3A_140 = arith.index_cast %add3A_137 : i32 to index
        %get3A_141 = arith.constant 112 : index
        %get3A_142 = tpu.vector_load %arg12[%get3A_139, %get3A_140, %get3A_141] {strides = array<i32>} : memref<2x128x128xf32, #tpu.memory_space<vmem>>, vector<16xf32>,
        %mul3A_143 = arith.mulf %get3A_142, %gather3A : vector<16xf32>
        %swap3A_144 = arith.constant 0 : i32
        %swap3A_145 = arith.index_cast %swap3A_144 : i32 to index
        %swap3A_146 = arith.index_cast %add3A_137 : i32 to index
        %swap3A_147 = arith.constant 112 : index
        %swap3A_148 = tpu.vector_load %arg12[%swap3A_145, %swap3A_146, %swap3A_147] {strides = array<i32>} : memref<2x128x128xf32, #tpu.memory_space<vmem>>, vector<16xf32>,
        tpu.vector_store %arg12[%swap3A_145, %swap3A_146, %swap3A_147], %mul3A_143 {strides = array<i32>} : memref<2x128x128xf32, #tpu.memory_space<vmem>>, vector<16xf32>,
        %add3A_149 = arith.constant 0 : i32
        %add3A_150 = arith.addi %add3A_149, %add3A_42 : i32
        %add3A_151 = arith.constant 1 : i32
        %add3A_152 = arith.addi %add3A_150, %add3A_151 : i32
        %broadcast_in_dim3A_153 = vector.broadcast %add3A_152 : i32 to vector<16xi32>
        %gather3A_154 = tpu.vector_load_idx %arg11[%broadcast_in_dim3A_153] : memref<256xf32, #tpu.memory_space<vmem>>[vector<16xi32>], vector<16xf32>,
        %add3A_155 = arith.constant 1 : i32
        %add3A_156 = arith.addi %add3A_42, %add3A_155 : i32
        %get3A_157 = arith.constant 0 : i32
        %get3A_158 = arith.index_cast %get3A_157 : i32 to index
        %get3A_159 = arith.index_cast %add3A_156 : i32 to index
        %get3A_160 = arith.constant 0 : index
        %get3A_161 = tpu.vector_load %arg12[%get3A_158, %get3A_159, %get3A_160] {strides = array<i32>} : memref<2x128x128xf32, #tpu.memory_space<vmem>>, vector<16xf32>,
        %mul3A_162 = arith.mulf %get3A_161, %gather3A_154 : vector<16xf32>
        %swap3A_163 = arith.constant 0 : i32
        %swap3A_164 = arith.index_cast %swap3A_163 : i32 to index
        %swap3A_165 = arith.index_cast %add3A_156 : i32 to index
        %swap3A_166 = arith.constant 0 : index
        %swap3A_167 = tpu.vector_load %arg12[%swap3A_164, %swap3A_165, %swap3A_166] {strides = array<i32>} : memref<2x128x128xf32, #tpu.memory_space<vmem>>, vector<16xf32>,
        tpu.vector_store %arg12[%swap3A_164, %swap3A_165, %swap3A_166], %mul3A_162 {strides = array<i32>} : memref<2x128x128xf32, #tpu.memory_space<vmem>>, vector<16xf32>,
        %add3A_168 = arith.constant 1 : i32
        %add3A_169 = arith.addi %add3A_42, %add3A_168 : i32
        %get3A_170 = arith.constant 0 : i32
        %get3A_171 = arith.index_cast %get3A_170 : i32 to index
        %get3A_172 = arith.index_cast %add3A_169 : i32 to index
        %get3A_173 = arith.constant 16 : index
        %get3A_174 = tpu.vector_load %arg12[%get3A_171, %get3A_172, %get3A_173] {strides = array<i32>} : memref<2x128x128xf32, #tpu.memory_space<vmem>>, vector<16xf32>,
        %mul3A_175 = arith.mulf %get3A_174, %gather3A_154 : vector<16xf32>
        %swap3A_176 = arith.constant 0 : i32
        %swap3A_177 = arith.index_cast %swap3A_176 : i32 to index
        %swap3A_178 = arith.index_cast %add3A_169 : i32 to index
        %swap3A_179 = arith.constant 16 : index
        %swap3A_180 = tpu.vector_load %arg12[%swap3A_177, %swap3A_178, %swap3A_179] {strides = array<i32>} : memref<2x128x128xf32, #tpu.memory_space<vmem>>, vector<16xf32>,
        tpu.vector_store %arg12[%swap3A_177, %swap3A_178, %swap3A_179], %mul3A_175 {strides = array<i32>} : memref<2x128x128xf32, #tpu.memory_space<vmem>>, vector<16xf32>,
        %add3A_181 = arith.constant 1 : i32
        %add3A_182 = arith.addi %add3A_42, %add3A_181 : i32
        %get3A_183 = arith.constant 0 : i32
        %get3A_184 = arith.index_cast %get3A_183 : i32 to index
        %get3A_185 = arith.index_cast %add3A_182 : i32 to index
        %get3A_186 = arith.constant 32 : index
        %get3A_187 = tpu.vector_load %arg12[%get3A_184, %get3A_185, %get3A_186] {strides = array<i32>} : memref<2x128x128xf32, #tpu.memory_space<vmem>>, vector<16xf32>,
        %mul3A_188 = arith.mulf %get3A_187, %gather3A_154 : vector<16xf32>
        %swap3A_189 = arith.constant 0 : i32
        %swap3A_190 = arith.index_cast %swap3A_189 : i32 to index
        %swap3A_191 = arith.index_cast %add3A_182 : i32 to index
        %swap3A_192 = arith.constant 32 : index
        %swap3A_193 = tpu.vector_load %arg12[%swap3A_190, %swap3A_191, %swap3A_192] {strides = array<i32>} : memref<2x128x128xf32, #tpu.memory_space<vmem>>, vector<16xf32>,
        tpu.vector_store %arg12[%swap3A_190, %swap3A_191, %swap3A_192], %mul3A_188 {strides = array<i32>} : memref<2x128x128xf32, #tpu.memory_space<vmem>>, vector<16xf32>,
        %add3A_194 = arith.constant 1 : i32
        %add3A_195 = arith.addi %add3A_42, %add3A_194 : i32
        %get3A_196 = arith.constant 0 : i32
        %get3A_197 = arith.index_cast %get3A_196 : i32 to index
        %get3A_198 = arith.index_cast %add3A_195 : i32 to index
        %get3A_199 = arith.constant 48 : index
        %get3A_200 = tpu.vector_load %arg12[%get3A_197, %get3A_198, %get3A_199] {strides = array<i32>} : memref<2x128x128xf32, #tpu.memory_space<vmem>>, vector<16xf32>,
        %mul3A_201 = arith.mulf %get3A_200, %gather3A_154 : vector<16xf32>
        %swap3A_202 = arith.constant 0 : i32
        %swap3A_203 = arith.index_cast %swap3A_202 : i32 to index
        %swap3A_204 = arith.index_cast %add3A_195 : i32 to index
        %swap3A_205 = arith.constant 48 : index
        %swap3A_206 = tpu.vector_load %arg12[%swap3A_203, %swap3A_204, %swap3A_205] {strides = array<i32>} : memref<2x128x128xf32, #tpu.memory_space<vmem>>, vector<16xf32>,
        tpu.vector_store %arg12[%swap3A_203, %swap3A_204, %swap3A_205], %mul3A_201 {strides = array<i32>} : memref<2x128x128xf32, #tpu.memory_space<vmem>>, vector<16xf32>,
        %add3A_207 = arith.constant 1 : i32
        %add3A_208 = arith.addi %add3A_42, %add3A_207 : i32
        %get3A_209 = arith.constant 0 : i32
        %get3A_210 = arith.index_cast %get3A_209 : i32 to index
        %get3A_211 = arith.index_cast %add3A_208 : i32 to index
        %get3A_212 = arith.constant 64 : index
        %get3A_213 = tpu.vector_load %arg12[%get3A_210, %get3A_211, %get3A_212] {strides = array<i32>} : memref<2x128x128xf32, #tpu.memory_space<vmem>>, vector<16xf32>,
        %mul3A_214 = arith.mulf %get3A_213, %gather3A_154 : vector<16xf32>
        %swap3A_215 = arith.constant 0 : i32
        %swap3A_216 = arith.index_cast %swap3A_215 : i32 to index
        %swap3A_217 = arith.index_cast %add3A_208 : i32 to index
        %swap3A_218 = arith.constant 64 : index
        %swap3A_219 = tpu.vector_load %arg12[%swap3A_216, %swap3A_217, %swap3A_218] {strides = array<i32>} : memref<2x128x128xf32, #tpu.memory_space<vmem>>, vector<16xf32>,
        tpu.vector_store %arg12[%swap3A_216, %swap3A_217, %swap3A_218], %mul3A_214 {strides = array<i32>} : memref<2x128x128xf32, #tpu.memory_space<vmem>>, vector<16xf32>,
        %add3A_220 = arith.constant 1 : i32
        %add3A_221 = arith.addi %add3A_42, %add3A_220 : i32
        %get3A_222 = arith.constant 0 : i32
        %get3A_223 = arith.index_cast %get3A_222 : i32 to index
        %get3A_224 = arith.index_cast %add3A_221 : i32 to index
        %get3A_225 = arith.constant 80 : index
        %get3A_226 = tpu.vector_load %arg12[%get3A_223, %get3A_224, %get3A_225] {strides = array<i32>} : memref<2x128x128xf32, #tpu.memory_space<vmem>>, vector<16xf32>,
        %mul3A_227 = arith.mulf %get3A_226, %gather3A_154 : vector<16xf32>
        %swap3A_228 = arith.constant 0 : i32
        %swap3A_229 = arith.index_cast %swap3A_228 : i32 to index
        %swap3A_230 = arith.index_cast %add3A_221 : i32 to index
        %swap3A_231 = arith.constant 80 : index
        %swap3A_232 = tpu.vector_load %arg12[%swap3A_229, %swap3A_230, %swap3A_231] {strides = array<i32>} : memref<2x128x128xf32, #tpu.memory_space<vmem>>, vector<16xf32>,
        tpu.vector_store %arg12[%swap3A_229, %swap3A_230, %swap3A_231], %mul3A_227 {strides = array<i32>} : memref<2x128x128xf32, #tpu.memory_space<vmem>>, vector<16xf32>,
        %add3A_233 = arith.constant 1 : i32
        %add3A_234 = arith.addi %add3A_42, %add3A_233 : i32
        %get3A_235 = arith.constant 0 : i32
        %get3A_236 = arith.index_cast %get3A_235 : i32 to index
        %get3A_237 = arith.index_cast %add3A_234 : i32 to index
        %get3A_238 = arith.constant 96 : index
        %get3A_239 = tpu.vector_load %arg12[%get3A_236, %get3A_237, %get3A_238] {strides = array<i32>} : memref<2x128x128xf32, #tpu.memory_space<vmem>>, vector<16xf32>,
        %mul3A_240 = arith.mulf %get3A_239, %gather3A_154 : vector<16xf32>
        %swap3A_241 = arith.constant 0 : i32
        %swap3A_242 = arith.index_cast %swap3A_241 : i32 to index
        %swap3A_243 = arith.index_cast %add3A_234 : i32 to index
        %swap3A_244 = arith.constant 96 : index
        %swap3A_245 = tpu.vector_load %arg12[%swap3A_242, %swap3A_243, %swap3A_244] {strides = array<i32>} : memref<2x128x128xf32, #tpu.memory_space<vmem>>, vector<16xf32>,
        tpu.vector_store %arg12[%swap3A_242, %swap3A_243, %swap3A_244], %mul3A_240 {strides = array<i32>} : memref<2x128x128xf32, #tpu.memory_space<vmem>>, vector<16xf32>,
        %add3A_246 = arith.constant 1 : i32
        %add3A_247 = arith.addi %add3A_42, %add3A_246 : i32
        %get3A_248 = arith.constant 0 : i32
        %get3A_249 = arith.index_cast %get3A_248 : i32 to index
        %get3A_250 = arith.index_cast %add3A_247 : i32 to index
        %get3A_251 = arith.constant 112 : index
        %get3A_252 = tpu.vector_load %arg12[%get3A_249, %get3A_250, %get3A_251] {strides = array<i32>} : memref<2x128x128xf32, #tpu.memory_space<vmem>>, vector<16xf32>,
        %mul3A_253 = arith.mulf %get3A_252, %gather3A_154 : vector<16xf32>
        %swap3A_254 = arith.constant 0 : i32
        %swap3A_255 = arith.index_cast %swap3A_254 : i32 to index
        %swap3A_256 = arith.index_cast %add3A_247 : i32 to index
        %swap3A_257 = arith.constant 112 : index
        %swap3A_258 = tpu.vector_load %arg12[%swap3A_255, %swap3A_256, %swap3A_257] {strides = array<i32>} : memref<2x128x128xf32, #tpu.memory_space<vmem>>, vector<16xf32>,
        tpu.vector_store %arg12[%swap3A_255, %swap3A_256, %swap3A_257], %mul3A_253 {strides = array<i32>} : memref<2x128x128xf32, #tpu.memory_space<vmem>>, vector<16xf32>,
        %add3A_259 = arith.constant 0 : i32
        %add3A_260 = arith.addi %add3A_259, %add3A_42 : i32
        %add3A_261 = arith.constant 2 : i32
        %add3A_262 = arith.addi %add3A_260, %add3A_261 : i32
        %broadcast_in_dim3A_263 = vector.broadcast %add3A_262 : i32 to vector<16xi32>
        %gather3A_264 = tpu.vector_load_idx %arg11[%broadcast_in_dim3A_263] : memref<256xf32, #tpu.memory_space<vmem>>[vector<16xi32>], vector<16xf32>,
        %add3A_265 = arith.constant 2 : i32
        %add3A_266 = arith.addi %add3A_42, %add3A_265 : i32
        %get3A_267 = arith.constant 0 : i32
        %get3A_268 = arith.index_cast %get3A_267 : i32 to index
        %get3A_269 = arith.index_cast %add3A_266 : i32 to index
        %get3A_270 = arith.constant 0 : index
        %get3A_271 = tpu.vector_load %arg12[%get3A_268, %get3A_269, %get3A_270] {strides = array<i32>} : memref<2x128x128xf32, #tpu.memory_space<vmem>>, vector<16xf32>,
        %mul3A_272 = arith.mulf %get3A_271, %gather3A_264 : vector<16xf32>
        %swap3A_273 = arith.constant 0 : i32
        %swap3A_274 = arith.index_cast %swap3A_273 : i32 to index
        %swap3A_275 = arith.index_cast %add3A_266 : i32 to index
        %swap3A_276 = arith.constant 0 : index
        %swap3A_277 = tpu.vector_load %arg12[%swap3A_274, %swap3A_275, %swap3A_276] {strides = array<i32>} : memref<2x128x128xf32, #tpu.memory_space<vmem>>, vector<16xf32>,
        tpu.vector_store %arg12[%swap3A_274, %swap3A_275, %swap3A_276], %mul3A_272 {strides = array<i32>} : memref<2x128x128xf32, #tpu.memory_space<vmem>>, vector<16xf32>,
        %add3A_278 = arith.constant 2 : i32
        %add3A_279 = arith.addi %add3A_42, %add3A_278 : i32
        %get3A_280 = arith.constant 0 : i32
        %get3A_281 = arith.index_cast %get3A_280 : i32 to index
        %get3A_282 = arith.index_cast %add3A_279 : i32 to index
        %get3A_283 = arith.constant 16 : index
        %get3A_284 = tpu.vector_load %arg12[%get3A_281, %get3A_282, %get3A_283] {strides = array<i32>} : memref<2x128x128xf32, #tpu.memory_space<vmem>>, vector<16xf32>,
        %mul3A_285 = arith.mulf %get3A_284, %gather3A_264 : vector<16xf32>
        %swap3A_286 = arith.constant 0 : i32
        %swap3A_287 = arith.index_cast %swap3A_286 : i32 to index
        %swap3A_288 = arith.index_cast %add3A_279 : i32 to index
        %swap3A_289 = arith.constant 16 : index
        %swap3A_290 = tpu.vector_load %arg12[%swap3A_287, %swap3A_288, %swap3A_289] {strides = array<i32>} : memref<2x128x128xf32, #tpu.memory_space<vmem>>, vector<16xf32>,
        tpu.vector_store %arg12[%swap3A_287, %swap3A_288, %swap3A_289], %mul3A_285 {strides = array<i32>} : memref<2x128x128xf32, #tpu.memory_space<vmem>>, vector<16xf32>,
        %add3A_291 = arith.constant 2 : i32
        %add3A_292 = arith.addi %add3A_42, %add3A_291 : i32
        %get3A_293 = arith.constant 0 : i32
        %get3A_294 = arith.index_cast %get3A_293 : i32 to index
        %get3A_295 = arith.index_cast %add3A_292 : i32 to index
        %get3A_296 = arith.constant 32 : index
        %get3A_297 = tpu.vector_load %arg12[%get3A_294, %get3A_295, %get3A_296] {strides = array<i32>} : memref<2x128x128xf32, #tpu.memory_space<vmem>>, vector<16xf32>,
        %mul3A_298 = arith.mulf %get3A_297, %gather3A_264 : vector<16xf32>
        %swap3A_299 = arith.constant 0 : i32
        %swap3A_300 = arith.index_cast %swap3A_299 : i32 to index
        %swap3A_301 = arith.index_cast %add3A_292 : i32 to index
        %swap3A_302 = arith.constant 32 : index
        %swap3A_303 = tpu.vector_load %arg12[%swap3A_300, %swap3A_301, %swap3A_302] {strides = array<i32>} : memref<2x128x128xf32, #tpu.memory_space<vmem>>, vector<16xf32>,
        tpu.vector_store %arg12[%swap3A_300, %swap3A_301, %swap3A_302], %mul3A_298 {strides = array<i32>} : memref<2x128x128xf32, #tpu.memory_space<vmem>>, vector<16xf32>,
        %add3A_304 = arith.constant 2 : i32
        %add3A_305 = arith.addi %add3A_42, %add3A_304 : i32
        %get3A_306 = arith.constant 0 : i32
        %get3A_307 = arith.index_cast %get3A_306 : i32 to index
        %get3A_308 = arith.index_cast %add3A_305 : i32 to index
        %get3A_309 = arith.constant 48 : index
        %get3A_310 = tpu.vector_load %arg12[%get3A_307, %get3A_308, %get3A_309] {strides = array<i32>} : memref<2x128x128xf32, #tpu.memory_space<vmem>>, vector<16xf32>,
        %mul3A_311 = arith.mulf %get3A_310, %gather3A_264 : vector<16xf32>
        %swap3A_312 = arith.constant 0 : i32
        %swap3A_313 = arith.index_cast %swap3A_312 : i32 to index
        %swap3A_314 = arith.index_cast %add3A_305 : i32 to index
        %swap3A_315 = arith.constant 48 : index
        %swap3A_316 = tpu.vector_load %arg12[%swap3A_313, %swap3A_314, %swap3A_315] {strides = array<i32>} : memref<2x128x128xf32, #tpu.memory_space<vmem>>, vector<16xf32>,
        tpu.vector_store %arg12[%swap3A_313, %swap3A_314, %swap3A_315], %mul3A_311 {strides = array<i32>} : memref<2x128x128xf32, #tpu.memory_space<vmem>>, vector<16xf32>,
        %add3A_317 = arith.constant 2 : i32
        %add3A_318 = arith.addi %add3A_42, %add3A_317 : i32
        %get3A_319 = arith.constant 0 : i32
        %get3A_320 = arith.index_cast %get3A_319 : i32 to index
        %get3A_321 = arith.index_cast %add3A_318 : i32 to index
        %get3A_322 = arith.constant 64 : index
        %get3A_323 = tpu.vector_load %arg12[%get3A_320, %get3A_321, %get3A_322] {strides = array<i32>} : memref<2x128x128xf32, #tpu.memory_space<vmem>>, vector<16xf32>,
        %mul3A_324 = arith.mulf %get3A_323, %gather3A_264 : vector<16xf32>
        %swap3A_325 = arith.constant 0 : i32
        %swap3A_326 = arith.index_cast %swap3A_325 : i32 to index
        %swap3A_327 = arith.index_cast %add3A_318 : i32 to index
        %swap3A_328 = arith.constant 64 : index
        %swap3A_329 = tpu.vector_load %arg12[%swap3A_326, %swap3A_327, %swap3A_328] {strides = array<i32>} : memref<2x128x128xf32, #tpu.memory_space<vmem>>, vector<16xf32>,
        tpu.vector_store %arg12[%swap3A_326, %swap3A_327, %swap3A_328], %mul3A_324 {strides = array<i32>} : memref<2x128x128xf32, #tpu.memory_space<vmem>>, vector<16xf32>,
        %add3A_330 = arith.constant 2 : i32
        %add3A_331 = arith.addi %add3A_42, %add3A_330 : i32
        %get3A_332 = arith.constant 0 : i32
        %get3A_333 = arith.index_cast %get3A_332 : i32 to index
        %get3A_334 = arith.index_cast %add3A_331 : i32 to index
        %get3A_335 = arith.constant 80 : index
        %get3A_336 = tpu.vector_load %arg12[%get3A_333, %get3A_334, %get3A_335] {strides = array<i32>} : memref<2x128x128xf32, #tpu.memory_space<vmem>>, vector<16xf32>,
        %mul3A_337 = arith.mulf %get3A_336, %gather3A_264 : vector<16xf32>
        %swap3A_338 = arith.constant 0 : i32
        %swap3A_339 = arith.index_cast %swap3A_338 : i32 to index
        %swap3A_340 = arith.index_cast %add3A_331 : i32 to index
        %swap3A_341 = arith.constant 80 : index
        %swap3A_342 = tpu.vector_load %arg12[%swap3A_339, %swap3A_340, %swap3A_341] {strides = array<i32>} : memref<2x128x128xf32, #tpu.memory_space<vmem>>, vector<16xf32>,
        tpu.vector_store %arg12[%swap3A_339, %swap3A_340, %swap3A_341], %mul3A_337 {strides = array<i32>} : memref<2x128x128xf32, #tpu.memory_space<vmem>>, vector<16xf32>,
        %add3A_343 = arith.constant 2 : i32
        %add3A_344 = arith.addi %add3A_42, %add3A_343 : i32
        %get3A_345 = arith.constant 0 : i32
        %get3A_346 = arith.index_cast %get3A_345 : i32 to index
        %get3A_347 = arith.index_cast %add3A_344 : i32 to index
        %get3A_348 = arith.constant 96 : index
        %get3A_349 = tpu.vector_load %arg12[%get3A_346, %get3A_347, %get3A_348] {strides = array<i32>} : memref<2x128x128xf32, #tpu.memory_space<vmem>>, vector<16xf32>,
        %mul3A_350 = arith.mulf %get3A_349, %gather3A_264 : vector<16xf32>
        %swap3A_351 = arith.constant 0 : i32
        %swap3A_352 = arith.index_cast %swap3A_351 : i32 to index
        %swap3A_353 = arith.index_cast %add3A_344 : i32 to index
        %swap3A_354 = arith.constant 96 : index
        %swap3A_355 = tpu.vector_load %arg12[%swap3A_352, %swap3A_353, %swap3A_354] {strides = array<i32>} : memref<2x128x128xf32, #tpu.memory_space<vmem>>, vector<16xf32>,
        tpu.vector_store %arg12[%swap3A_352, %swap3A_353, %swap3A_354], %mul3A_350 {strides = array<i32>} : memref<2x128x128xf32, #tpu.memory_space<vmem>>, vector<16xf32>,
        %add3A_356 = arith.constant 2 : i32
        %add3A_357 = arith.addi %add3A_42, %add3A_356 : i32
        %get3A_358 = arith.constant 0 : i32
        %get3A_359 = arith.index_cast %get3A_358 : i32 to index
        %get3A_360 = arith.index_cast %add3A_357 : i32 to index
        %get3A_361 = arith.constant 112 : index
        %get3A_362 = tpu.vector_load %arg12[%get3A_359, %get3A_360, %get3A_361] {strides = array<i32>} : memref<2x128x128xf32, #tpu.memory_space<vmem>>, vector<16xf32>,
        %mul3A_363 = arith.mulf %get3A_362, %gather3A_264 : vector<16xf32>
        %swap3A_364 = arith.constant 0 : i32
        %swap3A_365 = arith.index_cast %swap3A_364 : i32 to index
        %swap3A_366 = arith.index_cast %add3A_357 : i32 to index
        %swap3A_367 = arith.constant 112 : index
        %swap3A_368 = tpu.vector_load %arg12[%swap3A_365, %swap3A_366, %swap3A_367] {strides = array<i32>} : memref<2x128x128xf32, #tpu.memory_space<vmem>>, vector<16xf32>,
        tpu.vector_store %arg12[%swap3A_365, %swap3A_366, %swap3A_367], %mul3A_363 {strides = array<i32>} : memref<2x128x128xf32, #tpu.memory_space<vmem>>, vector<16xf32>,
        %add3A_369 = arith.constant 0 : i32
        %add3A_370 = arith.addi %add3A_369, %add3A_42 : i32
        %add3A_371 = arith.constant 3 : i32
        %add3A_372 = arith.addi %add3A_370, %add3A_371 : i32
        %broadcast_in_dim3A_373 = vector.broadcast %add3A_372 : i32 to vector<16xi32>
        %gather3A_374 = tpu.vector_load_idx %arg11[%broadcast_in_dim3A_373] : memref<256xf32, #tpu.memory_space<vmem>>[vector<16xi32>], vector<16xf32>,
        %add3A_375 = arith.constant 3 : i32
        %add3A_376 = arith.addi %add3A_42, %add3A_375 : i32
        %get3A_377 = arith.constant 0 : i32
        %get3A_378 = arith.index_cast %get3A_377 : i32 to index
        %get3A_379 = arith.index_cast %add3A_376 : i32 to index
        %get3A_380 = arith.constant 0 : index
        %get3A_381 = tpu.vector_load %arg12[%get3A_378, %get3A_379, %get3A_380] {strides = array<i32>} : memref<2x128x128xf32, #tpu.memory_space<vmem>>, vector<16xf32>,
        %mul3A_382 = arith.mulf %get3A_381, %gather3A_374 : vector<16xf32>
        %swap3A_383 = arith.constant 0 : i32
        %swap3A_384 = arith.index_cast %swap3A_383 : i32 to index
        %swap3A_385 = arith.index_cast %add3A_376 : i32 to index
        %swap3A_386 = arith.constant 0 : index
        %swap3A_387 = tpu.vector_load %arg12[%swap3A_384, %swap3A_385, %swap3A_386] {strides = array<i32>} : memref<2x128x128xf32, #tpu.memory_space<vmem>>, vector<16xf32>,
        tpu.vector_store %arg12[%swap3A_384, %swap3A_385, %swap3A_386], %mul3A_382 {strides = array<i32>} : memref<2x128x128xf32, #tpu.memory_space<vmem>>, vector<16xf32>,
        %add3A_388 = arith.constant 3 : i32
        %add3A_389 = arith.addi %add3A_42, %add3A_388 : i32
        %get3A_390 = arith.constant 0 : i32
        %get3A_391 = arith.index_cast %get3A_390 : i32 to index
        %get3A_392 = arith.index_cast %add3A_389 : i32 to index
        %get3A_393 = arith.constant 16 : index
        %get3A_394 = tpu.vector_load %arg12[%get3A_391, %get3A_392, %get3A_393] {strides = array<i32>} : memref<2x128x128xf32, #tpu.memory_space<vmem>>, vector<16xf32>,
        %mul3A_395 = arith.mulf %get3A_394, %gather3A_374 : vector<16xf32>
        %swap3A_396 = arith.constant 0 : i32
        %swap3A_397 = arith.index_cast %swap3A_396 : i32 to index
        %swap3A_398 = arith.index_cast %add3A_389 : i32 to index
        %swap3A_399 = arith.constant 16 : index
        %swap3A_400 = tpu.vector_load %arg12[%swap3A_397, %swap3A_398, %swap3A_399] {strides = array<i32>} : memref<2x128x128xf32, #tpu.memory_space<vmem>>, vector<16xf32>,
        tpu.vector_store %arg12[%swap3A_397, %swap3A_398, %swap3A_399], %mul3A_395 {strides = array<i32>} : memref<2x128x128xf32, #tpu.memory_space<vmem>>, vector<16xf32>,
        %add3A_401 = arith.constant 3 : i32
        %add3A_402 = arith.addi %add3A_42, %add3A_401 : i32
        %get3A_403 = arith.constant 0 : i32
        %get3A_404 = arith.index_cast %get3A_403 : i32 to index
        %get3A_405 = arith.index_cast %add3A_402 : i32 to index
        %get3A_406 = arith.constant 32 : index
        %get3A_407 = tpu.vector_load %arg12[%get3A_404, %get3A_405, %get3A_406] {strides = array<i32>} : memref<2x128x128xf32, #tpu.memory_space<vmem>>, vector<16xf32>,
        %mul3A_408 = arith.mulf %get3A_407, %gather3A_374 : vector<16xf32>
        %swap3A_409 = arith.constant 0 : i32
        %swap3A_410 = arith.index_cast %swap3A_409 : i32 to index
        %swap3A_411 = arith.index_cast %add3A_402 : i32 to index
        %swap3A_412 = arith.constant 32 : index
        %swap3A_413 = tpu.vector_load %arg12[%swap3A_410, %swap3A_411, %swap3A_412] {strides = array<i32>} : memref<2x128x128xf32, #tpu.memory_space<vmem>>, vector<16xf32>,
        tpu.vector_store %arg12[%swap3A_410, %swap3A_411, %swap3A_412], %mul3A_408 {strides = array<i32>} : memref<2x128x128xf32, #tpu.memory_space<vmem>>, vector<16xf32>,
        %add3A_414 = arith.constant 3 : i32
        %add3A_415 = arith.addi %add3A_42, %add3A_414 : i32
        %get3A_416 = arith.constant 0 : i32
        %get3A_417 = arith.index_cast %get3A_416 : i32 to index
        %get3A_418 = arith.index_cast %add3A_415 : i32 to index
        %get3A_419 = arith.constant 48 : index
        %get3A_420 = tpu.vector_load %arg12[%get3A_417, %get3A_418, %get3A_419] {strides = array<i32>} : memref<2x128x128xf32, #tpu.memory_space<vmem>>, vector<16xf32>,
        %mul3A_421 = arith.mulf %get3A_420, %gather3A_374 : vector<16xf32>
        %swap3A_422 = arith.constant 0 : i32
        %swap3A_423 = arith.index_cast %swap3A_422 : i32 to index
        %swap3A_424 = arith.index_cast %add3A_415 : i32 to index
        %swap3A_425 = arith.constant 48 : index
        %swap3A_426 = tpu.vector_load %arg12[%swap3A_423, %swap3A_424, %swap3A_425] {strides = array<i32>} : memref<2x128x128xf32, #tpu.memory_space<vmem>>, vector<16xf32>,
        tpu.vector_store %arg12[%swap3A_423, %swap3A_424, %swap3A_425], %mul3A_421 {strides = array<i32>} : memref<2x128x128xf32, #tpu.memory_space<vmem>>, vector<16xf32>,
        %add3A_427 = arith.constant 3 : i32
        %add3A_428 = arith.addi %add3A_42, %add3A_427 : i32
        %get3A_429 = arith.constant 0 : i32
        %get3A_430 = arith.index_cast %get3A_429 : i32 to index
        %get3A_431 = arith.index_cast %add3A_428 : i32 to index
        %get3A_432 = arith.constant 64 : index
        %get3A_433 = tpu.vector_load %arg12[%get3A_430, %get3A_431, %get3A_432] {strides = array<i32>} : memref<2x128x128xf32, #tpu.memory_space<vmem>>, vector<16xf32>,
        %mul3A_434 = arith.mulf %get3A_433, %gather3A_374 : vector<16xf32>
        %swap3A_435 = arith.constant 0 : i32
        %swap3A_436 = arith.index_cast %swap3A_435 : i32 to index
        %swap3A_437 = arith.index_cast %add3A_428 : i32 to index
        %swap3A_438 = arith.constant 64 : index
        %swap3A_439 = tpu.vector_load %arg12[%swap3A_436, %swap3A_437, %swap3A_438] {strides = array<i32>} : memref<2x128x128xf32, #tpu.memory_space<vmem>>, vector<16xf32>,
        tpu.vector_store %arg12[%swap3A_436, %swap3A_437, %swap3A_438], %mul3A_434 {strides = array<i32>} : memref<2x128x128xf32, #tpu.memory_space<vmem>>, vector<16xf32>,
        %add3A_440 = arith.constant 3 : i32
        %add3A_441 = arith.addi %add3A_42, %add3A_440 : i32
        %get3A_442 = arith.constant 0 : i32
        %get3A_443 = arith.index_cast %get3A_442 : i32 to index
        %get3A_444 = arith.index_cast %add3A_441 : i32 to index
        %get3A_445 = arith.constant 80 : index
        %get3A_446 = tpu.vector_load %arg12[%get3A_443, %get3A_444, %get3A_445] {strides = array<i32>} : memref<2x128x128xf32, #tpu.memory_space<vmem>>, vector<16xf32>,
        %mul3A_447 = arith.mulf %get3A_446, %gather3A_374 : vector<16xf32>
        %swap3A_448 = arith.constant 0 : i32
        %swap3A_449 = arith.index_cast %swap3A_448 : i32 to index
        %swap3A_450 = arith.index_cast %add3A_441 : i32 to index
        %swap3A_451 = arith.constant 80 : index
        %swap3A_452 = tpu.vector_load %arg12[%swap3A_449, %swap3A_450, %swap3A_451] {strides = array<i32>} : memref<2x128x128xf32, #tpu.memory_space<vmem>>, vector<16xf32>,
        tpu.vector_store %arg12[%swap3A_449, %swap3A_450, %swap3A_451], %mul3A_447 {strides = array<i32>} : memref<2x128x128xf32, #tpu.memory_space<vmem>>, vector<16xf32>,
        %add3A_453 = arith.constant 3 : i32
        %add3A_454 = arith.addi %add3A_42, %add3A_453 : i32
        %get3A_455 = arith.constant 0 : i32
        %get3A_456 = arith.index_cast %get3A_455 : i32 to index
        %get3A_457 = arith.index_cast %add3A_454 : i32 to index
        %get3A_458 = arith.constant 96 : index
        %get3A_459 = tpu.vector_load %arg12[%get3A_456, %get3A_457, %get3A_458] {strides = array<i32>} : memref<2x128x128xf32, #tpu.memory_space<vmem>>, vector<16xf32>,
        %mul3A_460 = arith.mulf %get3A_459, %gather3A_374 : vector<16xf32>
        %swap3A_461 = arith.constant 0 : i32
        %swap3A_462 = arith.index_cast %swap3A_461 : i32 to index
        %swap3A_463 = arith.index_cast %add3A_454 : i32 to index
        %swap3A_464 = arith.constant 96 : index
        %swap3A_465 = tpu.vector_load %arg12[%swap3A_462, %swap3A_463, %swap3A_464] {strides = array<i32>} : memref<2x128x128xf32, #tpu.memory_space<vmem>>, vector<16xf32>,
        tpu.vector_store %arg12[%swap3A_462, %swap3A_463, %swap3A_464], %mul3A_460 {strides = array<i32>} : memref<2x128x128xf32, #tpu.memory_space<vmem>>, vector<16xf32>,
        %add3A_466 = arith.constant 3 : i32
        %add3A_467 = arith.addi %add3A_42, %add3A_466 : i32
        %get3A_468 = arith.constant 0 : i32
        %get3A_469 = arith.index_cast %get3A_468 : i32 to index
        %get3A_470 = arith.index_cast %add3A_467 : i32 to index
        %get3A_471 = arith.constant 112 : index
        %get3A_472 = tpu.vector_load %arg12[%get3A_469, %get3A_470, %get3A_471] {strides = array<i32>} : memref<2x128x128xf32, #tpu.memory_space<vmem>>, vector<16xf32>,
        %mul3A_473 = arith.mulf %get3A_472, %gather3A_374 : vector<16xf32>
        %swap3A_474 = arith.constant 0 : i32
        %swap3A_475 = arith.index_cast %swap3A_474 : i32 to index
        %swap3A_476 = arith.index_cast %add3A_467 : i32 to index
        %swap3A_477 = arith.constant 112 : index
        %swap3A_478 = tpu.vector_load %arg12[%swap3A_475, %swap3A_476, %swap3A_477] {strides = array<i32>} : memref<2x128x128xf32, #tpu.memory_space<vmem>>, vector<16xf32>,
        tpu.vector_store %arg12[%swap3A_475, %swap3A_476, %swap3A_477], %mul3A_473 {strides = array<i32>} : memref<2x128x128xf32, #tpu.memory_space<vmem>>, vector<16xf32>,
      }
      %scan3A_36 = arith.constant 32 : i32
      %run_scoped3A_37 = arith.constant 0 : i32
      "tpu.region"() ({
        %run_scoped3A_38 = tpu.sem_alloc : memref<!tpu.dma_semaphore, #tpu.memory_space<semaphore_mem>>
        %dma_start3A = arith.constant 0 : i32
        %dma_start3A_39 = arith.constant 0 : i32
        %dma_start3A_40 = tpu.memref_slice %arg12[%run_scoped3A_37, %dma_start3A, %dma_start3A_39] : memref<2x128x128xf32, #tpu.memory_space<vmem>> -> memref<1x128x128xf32, #tpu.memory_space<vmem>>
        %dma_start3A_41 = tpu.memref_squeeze %dma_start3A_40 : memref<1x128x128xf32, #tpu.memory_space<vmem>> -> memref<128x128xf32, #tpu.memory_space<vmem>>
        %dma_start3A_42 = arith.constant 0 : i32
        %dma_start3A_43 = arith.constant 0 : i32
        %dma_start3A_44 = tpu.memref_slice %arg13[%dma_start3A_42, %dma_start3A_43] : memref<10240x128xf32, #tpu.memory_space<vmem_shared>> -> memref<10240x128xf32, #tpu.memory_space<vmem_shared>>
        tpu.enqueue_indirect_dma source(%dma_start3A_41 : memref<128x128xf32, #tpu.memory_space<vmem>>) target(%dma_start3A_44 : memref<10240x128xf32, #tpu.memory_space<vmem_shared>>) offsets(%arg9 : memref<128xi32, #tpu.memory_space<vmem>>) semaphore(%run_scoped3A_38 : memref<!tpu.dma_semaphore, #tpu.memory_space<semaphore_mem>>) {add = true}
        %dma_wait3A = arith.constant 0 : i32
        %dma_wait3A_45 = arith.constant 0 : i32
        %dma_wait3A_46 = tpu.memref_slice %arg12[%run_scoped3A_37, %dma_wait3A, %dma_wait3A_45] : memref<2x128x128xf32, #tpu.memory_space<vmem>> -> memref<1x128x128xf32, #tpu.memory_space<vmem>>
        %dma_wait3A_47 = tpu.memref_squeeze %dma_wait3A_46 : memref<1x128x128xf32, #tpu.memory_space<vmem>> -> memref<128x128xf32, #tpu.memory_space<vmem>>
        %dma_wait3A_48 = arith.constant 0 : i32
        %dma_wait3A_49 = arith.constant 0 : i32
        %dma_wait3A_50 = tpu.memref_slice %arg13[%dma_wait3A_48, %dma_wait3A_49] : memref<10240x128xf32, #tpu.memory_space<vmem_shared>> -> memref<10240x128xf32, #tpu.memory_space<vmem_shared>>
        tpu.wait_indirect_dma semaphore(%run_scoped3A_38 : memref<!tpu.dma_semaphore, #tpu.memory_space<semaphore_mem>>) src(%dma_wait3A_47 : memref<128x128xf32, #tpu.memory_space<vmem>>) dst(%dma_wait3A_50 : memref<10240x128xf32, #tpu.memory_space<vmem_shared>>)
        tpu.yield
      }) : () -> ()
    }
    %scan3A_16 = arith.constant 79 : i32
    %barrier3A_17 = arith.constant 0 : index
    tpu.barrier barrier_id(%barrier3A_17)
    %mul3A_18 = arith.constant 640 : i32
    %mul3A_19 = arith.muli %arg1, %mul3A_18 : i32
    %mul3A_20 = arith.constant 640 : i32
    %mul3A_21 = arith.muli %arg1, %mul3A_20 : i32
    "tpu.region"() ({
      %run_scoped3A = tpu.sem_alloc : memref<!tpu.dma_semaphore, #tpu.memory_space<semaphore_mem>>
      %dma_start3A = arith.constant 0 : i32
      %dma_start3A_22 = tpu.memref_slice %arg6[%arg0, %mul3A_21, %dma_start3A] : memref<2x10240x128xf32, #tpu.memory_space<hbm>> -> memref<1x640x128xf32, #tpu.memory_space<hbm>>
      %dma_start3A_23 = tpu.memref_squeeze %dma_start3A_22 : memref<1x640x128xf32, #tpu.memory_space<hbm>> -> memref<640x128xf32, #tpu.memory_space<hbm>>
      %dma_start3A_24 = arith.constant 0 : i32
      %dma_start3A_25 = tpu.memref_slice %arg13[%mul3A_19, %dma_start3A_24] : memref<10240x128xf32, #tpu.memory_space<vmem_shared>> -> memref<640x128xf32, #tpu.memory_space<vmem_shared>>
      tpu.enqueue_dma source(%dma_start3A_25 : memref<640x128xf32, #tpu.memory_space<vmem_shared>>) target(%dma_start3A_23 : memref<640x128xf32, #tpu.memory_space<hbm>>) target_semaphore(%run_scoped3A : memref<!tpu.dma_semaphore, #tpu.memory_space<semaphore_mem>>)
      %dma_wait3A = arith.constant 0 : i32
      %dma_wait3A_26 = tpu.memref_slice %arg6[%arg0, %mul3A_21, %dma_wait3A] : memref<2x10240x128xf32, #tpu.memory_space<hbm>> -> memref<1x640x128xf32, #tpu.memory_space<hbm>>
      %dma_wait3A_27 = tpu.memref_squeeze %dma_wait3A_26 : memref<1x640x128xf32, #tpu.memory_space<hbm>> -> memref<640x128xf32, #tpu.memory_space<hbm>>
      %dma_wait3A_28 = arith.constant 0 : i32
      %dma_wait3A_29 = tpu.memref_slice %arg13[%mul3A_19, %dma_wait3A_28] : memref<10240x128xf32, #tpu.memory_space<vmem_shared>> -> memref<640x128xf32, #tpu.memory_space<vmem_shared>>
      tpu.wait_dma2 semaphore(%run_scoped3A : memref<!tpu.dma_semaphore, #tpu.memory_space<semaphore_mem>>) src(%dma_wait3A_29 : memref<640x128xf32, #tpu.memory_space<vmem_shared>>) dst(%dma_wait3A_27 : memref<640x128xf32, #tpu.memory_space<hbm>>)
      tpu.yield
    }) : () -> ()
    return
  }
}

module attributes {stable_mosaic.version = 14 : i64} {
  func.func @_mm1_body(%arg0: i32, %arg1: memref<512x128xf32, #tpu.memory_space<vmem>>, %arg2: memref<128x128xf32, #tpu.memory_space<vmem>>, %arg3: memref<2x512x128xf32, #tpu.memory_space<vmem>>, %arg4: memref<512x128xf32, #tpu.memory_space<vmem>>, %arg5: memref<512x128xf32, #tpu.memory_space<vmem>>) attributes {dimension_semantics = [#tpu.dimension_semantics<arbitrary>], iteration_bounds = array<i64: 20>, scalar_prefetch = 0 : i64, scratch_operands = 0 : i64, tpu.core_type = #tpu.core_type<tc>, window_params = [{transform_indices = @transform_0, window_bounds = array<i64: 512, 128>}, {pipeline_mode = #tpu.pipeline_mode<synchronous>, transform_indices = @transform_1, window_bounds = array<i64: 128, 128>}, {transform_indices = @transform_2, window_bounds = array<i64: 2, 512, 128>}, {transform_indices = @transform_3, window_bounds = array<i64: 512, 128>}, {transform_indices = @transform_4, window_bounds = array<i64: 512, 128>}]} {
    %get3A = arith.constant 0 : index
    %get3A_0 = arith.constant 0 : index
    %get3A_1 = vector.load %arg1[%get3A, %get3A_0] : memref<512x128xf32, #tpu.memory_space<vmem>>, vector<512x128xf32>
    %get3A_2 = arith.constant 0 : index
    %get3A_3 = arith.constant 0 : index
    %get3A_4 = vector.load %arg2[%get3A_2, %get3A_3] : memref<128x128xf32, #tpu.memory_space<vmem>>, vector<128x128xf32>
    %dot_general3A = arith.constant dense<0.000000e+00> : vector<512x128xf32>
    %dot_general3A_5 = tpu.matmul %get3A_1, %get3A_4, %dot_general3A {dimension_numbers = #tpu.dot_dimension_numbers<[1], [0], [0], [1], [0, 0, 1, 1], [], []>, transpose_lhs_hint = false} : vector<512x128xf32>, vector<128x128xf32>, vector<512x128xf32> -> vector<512x128xf32>
    %swap3A = arith.constant 0 : index
    %swap3A_6 = arith.constant 0 : index
    %swap3A_7 = vector.load %arg4[%swap3A, %swap3A_6] : memref<512x128xf32, #tpu.memory_space<vmem>>, vector<512x128xf32>
    tpu.vector_store %arg4[%swap3A, %swap3A_6], %dot_general3A_5 {strides = array<i32>} : memref<512x128xf32, #tpu.memory_space<vmem>>, vector<512x128xf32>,
    %get3A_8 = arith.constant 0 : index
    %get3A_9 = arith.constant 0 : index
    %get3A_10 = arith.constant 0 : index
    %get3A_11 = vector.load %arg3[%get3A_8, %get3A_9, %get3A_10] : memref<2x512x128xf32, #tpu.memory_space<vmem>>, vector<1x512x1xf32>
    %get3A_12 = vector.shape_cast %get3A_11 : vector<1x512x1xf32> to vector<512xf32>
    %get3A_13 = arith.constant 1 : index
    %get3A_14 = arith.constant 0 : index
    %get3A_15 = arith.constant 0 : index
    %get3A_16 = vector.load %arg3[%get3A_13, %get3A_14, %get3A_15] : memref<2x512x128xf32, #tpu.memory_space<vmem>>, vector<1x512x1xf32>
    %get3A_17 = vector.shape_cast %get3A_16 : vector<1x512x1xf32> to vector<512xf32>
    %add3A = arith.addf %get3A_12, %get3A_17 : vector<512xf32>
    %add3A_18 = arith.constant 1.000000e+00 : f32
    %add3A_19 = vector.broadcast %add3A_18 : f32 to vector<512xf32>
    %add3A_20 = arith.addf %add3A_19, %add3A : vector<512xf32>
    %rsqrt3A = math.rsqrt %add3A_20 : vector<512xf32>
    %broadcast_in_dim3A = vector.shape_cast %rsqrt3A : vector<512xf32> to vector<512x1xf32>
    %mul3A = vector.broadcast %broadcast_in_dim3A : vector<512x1xf32> to vector<512x128xf32>
    %mul3A_21 = arith.mulf %mul3A, %dot_general3A_5 : vector<512x128xf32>
    %swap3A_22 = arith.constant 0 : index
    %swap3A_23 = arith.constant 0 : index
    %swap3A_24 = vector.load %arg5[%swap3A_22, %swap3A_23] : memref<512x128xf32, #tpu.memory_space<vmem>>, vector<512x128xf32>
    tpu.vector_store %arg5[%swap3A_22, %swap3A_23], %mul3A_21 {strides = array<i32>} : memref<512x128xf32, #tpu.memory_space<vmem>>, vector<512x128xf32>,
    return
  }
  func.func @transform_0(%arg0: i32) -> (i32, i32) {
    %c0_i32 = arith.constant 0 : i32
    %c0_i32_0 = arith.constant 0 : i32
    return %arg0, %c0_i32 : i32, i32
  }
  func.func @transform_1(%arg0: i32) -> (i32, i32) {
    %c0_i32 = arith.constant 0 : i32
    %c0_i32_0 = arith.constant 0 : i32
    %c0_i32_1 = arith.constant 0 : i32
    return %c0_i32, %c0_i32_0 : i32, i32
  }
  func.func @transform_2(%arg0: i32) -> (i32, i32, i32) {
    %c0_i32 = arith.constant 0 : i32
    %c0_i32_0 = arith.constant 0 : i32
    %c0_i32_1 = arith.constant 0 : i32
    return %c0_i32, %arg0, %c0_i32_0 : i32, i32, i32
  }
  func.func @transform_3(%arg0: i32) -> (i32, i32) {
    %c0_i32 = arith.constant 0 : i32
    %c0_i32_0 = arith.constant 0 : i32
    return %arg0, %c0_i32 : i32, i32
  }
  func.func @transform_4(%arg0: i32) -> (i32, i32) {
    %c0_i32 = arith.constant 0 : i32
    %c0_i32_0 = arith.constant 0 : i32
    return %arg0, %c0_i32 : i32, i32
  }
}

module attributes {stable_mosaic.version = 14 : i64} {
  func.func @_mid_body(%arg0: i32, %arg1: memref<2x512x128xf32, #tpu.memory_space<vmem>>, %arg2: memref<512x128xf32, #tpu.memory_space<vmem>>, %arg3: memref<2x512x128xf32, #tpu.memory_space<vmem>>, %arg4: memref<1x128xf32, #tpu.memory_space<vmem>>, %arg5: memref<128x128xf32, #tpu.memory_space<vmem>>, %arg6: memref<512x128xf32, #tpu.memory_space<vmem>>, %arg7: memref<512x128xf32, #tpu.memory_space<vmem>>) attributes {dimension_semantics = [#tpu.dimension_semantics<arbitrary>], iteration_bounds = array<i64: 20>, scalar_prefetch = 0 : i64, scratch_operands = 0 : i64, tpu.core_type = #tpu.core_type<tc>, window_params = [{transform_indices = @transform_0, window_bounds = array<i64: 2, 512, 128>}, {transform_indices = @transform_1, window_bounds = array<i64: 512, 128>}, {transform_indices = @transform_2, window_bounds = array<i64: 2, 512, 128>}, {pipeline_mode = #tpu.pipeline_mode<synchronous>, transform_indices = @transform_3, window_bounds = array<i64: 1, 128>}, {pipeline_mode = #tpu.pipeline_mode<synchronous>, transform_indices = @transform_4, window_bounds = array<i64: 128, 128>}, {transform_indices = @transform_5, window_bounds = array<i64: 512, 128>}, {transform_indices = @transform_6, window_bounds = array<i64: 512, 128>}]} {
    %get3A = arith.constant 0 : index
    %get3A_0 = arith.constant 0 : index
    %get3A_1 = arith.constant 0 : index
    %get3A_2 = vector.load %arg3[%get3A, %get3A_0, %get3A_1] : memref<2x512x128xf32, #tpu.memory_space<vmem>>, vector<1x512x1xf32>
    %get3A_3 = vector.shape_cast %get3A_2 : vector<1x512x1xf32> to vector<512xf32>
    %get3A_4 = arith.constant 1 : index
    %get3A_5 = arith.constant 0 : index
    %get3A_6 = arith.constant 0 : index
    %get3A_7 = vector.load %arg3[%get3A_4, %get3A_5, %get3A_6] : memref<2x512x128xf32, #tpu.memory_space<vmem>>, vector<1x512x1xf32>
    %get3A_8 = vector.shape_cast %get3A_7 : vector<1x512x1xf32> to vector<512xf32>
    %add3A = arith.addf %get3A_3, %get3A_8 : vector<512xf32>
    %add3A_9 = arith.constant 1.000000e+00 : f32
    %add3A_10 = vector.broadcast %add3A_9 : f32 to vector<512xf32>
    %add3A_11 = arith.addf %add3A_10, %add3A : vector<512xf32>
    %rsqrt3A = math.rsqrt %add3A_11 : vector<512xf32>
    %broadcast_in_dim3A = vector.shape_cast %rsqrt3A : vector<512xf32> to vector<512x1xf32>
    %get3A_12 = arith.constant 0 : index
    %get3A_13 = arith.constant 0 : index
    %get3A_14 = arith.constant 0 : index
    %get3A_15 = vector.load %arg1[%get3A_12, %get3A_13, %get3A_14] : memref<2x512x128xf32, #tpu.memory_space<vmem>>, vector<1x512x128xf32>
    %get3A_16 = vector.shape_cast %get3A_15 : vector<1x512x128xf32> to vector<512x128xf32>
    %get3A_17 = arith.constant 1 : index
    %get3A_18 = arith.constant 0 : index
    %get3A_19 = arith.constant 0 : index
    %get3A_20 = vector.load %arg1[%get3A_17, %get3A_18, %get3A_19] : memref<2x512x128xf32, #tpu.memory_space<vmem>>, vector<1x512x128xf32>
    %get3A_21 = vector.shape_cast %get3A_20 : vector<1x512x128xf32> to vector<512x128xf32>
    %add3A_22 = arith.addf %get3A_16, %get3A_21 : vector<512x128xf32>
    %mul3A = vector.broadcast %broadcast_in_dim3A : vector<512x1xf32> to vector<512x128xf32>
    %mul3A_23 = arith.mulf %mul3A, %add3A_22 : vector<512x128xf32>
    %mul3A_24 = arith.mulf %broadcast_in_dim3A, %broadcast_in_dim3A : vector<512x1xf32>
    %get3A_25 = arith.constant 0 : index
    %get3A_26 = arith.constant 0 : index
    %get3A_27 = vector.load %arg2[%get3A_25, %get3A_26] : memref<512x128xf32, #tpu.memory_space<vmem>>, vector<512x128xf32>
    %mul3A_28 = vector.broadcast %mul3A_24 : vector<512x1xf32> to vector<512x128xf32>
    %mul3A_29 = arith.mulf %mul3A_28, %get3A_27 : vector<512x128xf32>
    %add3A_30 = arith.addf %mul3A_23, %mul3A_29 : vector<512x128xf32>
    %get3A_31 = arith.constant 0 : index
    %get3A_32 = arith.constant 0 : index
    %get3A_33 = vector.load %arg4[%get3A_31, %get3A_32] : memref<1x128xf32, #tpu.memory_space<vmem>>, vector<1x128xf32>
    %add3A_34 = vector.broadcast %get3A_33 : vector<1x128xf32> to vector<512x128xf32>
    %add3A_35 = arith.addf %add3A_30, %add3A_34 : vector<512x128xf32>
    %max3A = arith.constant 0.000000e+00 : f32
    %max3A_36 = vector.broadcast %max3A : f32 to vector<512x128xf32>
    %max3A_37 = arith.maximumf %add3A_35, %max3A_36 : vector<512x128xf32>
    %get3A_38 = arith.constant 0 : index
    %get3A_39 = arith.constant 0 : index
    %get3A_40 = vector.load %arg5[%get3A_38, %get3A_39] : memref<128x128xf32, #tpu.memory_space<vmem>>, vector<128x128xf32>
    %dot_general3A = arith.constant dense<0.000000e+00> : vector<512x128xf32>
    %dot_general3A_41 = tpu.matmul %max3A_37, %get3A_40, %dot_general3A {dimension_numbers = #tpu.dot_dimension_numbers<[1], [0], [0], [1], [0, 0, 1, 1], [], []>, transpose_lhs_hint = false} : vector<512x128xf32>, vector<128x128xf32>, vector<512x128xf32> -> vector<512x128xf32>
    %swap3A = arith.constant 0 : index
    %swap3A_42 = arith.constant 0 : index
    %swap3A_43 = vector.load %arg6[%swap3A, %swap3A_42] : memref<512x128xf32, #tpu.memory_space<vmem>>, vector<512x128xf32>
    tpu.vector_store %arg6[%swap3A, %swap3A_42], %dot_general3A_41 {strides = array<i32>} : memref<512x128xf32, #tpu.memory_space<vmem>>, vector<512x128xf32>,
    %mul3A_44 = vector.broadcast %broadcast_in_dim3A : vector<512x1xf32> to vector<512x128xf32>
    %mul3A_45 = arith.mulf %mul3A_44, %dot_general3A_41 : vector<512x128xf32>
    %swap3A_46 = arith.constant 0 : index
    %swap3A_47 = arith.constant 0 : index
    %swap3A_48 = vector.load %arg7[%swap3A_46, %swap3A_47] : memref<512x128xf32, #tpu.memory_space<vmem>>, vector<512x128xf32>
    tpu.vector_store %arg7[%swap3A_46, %swap3A_47], %mul3A_45 {strides = array<i32>} : memref<512x128xf32, #tpu.memory_space<vmem>>, vector<512x128xf32>,
    return
  }
  func.func @transform_0(%arg0: i32) -> (i32, i32, i32) {
    %c0_i32 = arith.constant 0 : i32
    %c0_i32_0 = arith.constant 0 : i32
    %c0_i32_1 = arith.constant 0 : i32
    return %c0_i32, %arg0, %c0_i32_0 : i32, i32, i32
  }
  func.func @transform_1(%arg0: i32) -> (i32, i32) {
    %c0_i32 = arith.constant 0 : i32
    %c0_i32_0 = arith.constant 0 : i32
    return %arg0, %c0_i32 : i32, i32
  }
  func.func @transform_2(%arg0: i32) -> (i32, i32, i32) {
    %c0_i32 = arith.constant 0 : i32
    %c0_i32_0 = arith.constant 0 : i32
    %c0_i32_1 = arith.constant 0 : i32
    return %c0_i32, %arg0, %c0_i32_0 : i32, i32, i32
  }
  func.func @transform_3(%arg0: i32) -> (i32, i32) {
    %c0_i32 = arith.constant 0 : i32
    %c0_i32_0 = arith.constant 0 : i32
    %c0_i32_1 = arith.constant 0 : i32
    return %c0_i32, %c0_i32_0 : i32, i32
  }
  func.func @transform_4(%arg0: i32) -> (i32, i32) {
    %c0_i32 = arith.constant 0 : i32
    %c0_i32_0 = arith.constant 0 : i32
    %c0_i32_1 = arith.constant 0 : i32
    return %c0_i32, %c0_i32_0 : i32, i32
  }
  func.func @transform_5(%arg0: i32) -> (i32, i32) {
    %c0_i32 = arith.constant 0 : i32
    %c0_i32_0 = arith.constant 0 : i32
    return %arg0, %c0_i32 : i32, i32
  }
  func.func @transform_6(%arg0: i32) -> (i32, i32) {
    %c0_i32 = arith.constant 0 : i32
    %c0_i32_0 = arith.constant 0 : i32
    return %arg0, %c0_i32 : i32, i32
  }
}

module attributes {stable_mosaic.version = 14 : i64} {
  func.func @_final_body(%arg0: i32, %arg1: memref<2x512x128xf32, #tpu.memory_space<vmem>>, %arg2: memref<512x128xf32, #tpu.memory_space<vmem>>, %arg3: memref<2x512x128xf32, #tpu.memory_space<vmem>>, %arg4: memref<1x128xf32, #tpu.memory_space<vmem>>, %arg5: memref<512x128xf32, #tpu.memory_space<vmem>>) attributes {dimension_semantics = [#tpu.dimension_semantics<arbitrary>], iteration_bounds = array<i64: 20>, scalar_prefetch = 0 : i64, scratch_operands = 0 : i64, tpu.core_type = #tpu.core_type<tc>, window_params = [{transform_indices = @transform_0, window_bounds = array<i64: 2, 512, 128>}, {transform_indices = @transform_1, window_bounds = array<i64: 512, 128>}, {transform_indices = @transform_2, window_bounds = array<i64: 2, 512, 128>}, {pipeline_mode = #tpu.pipeline_mode<synchronous>, transform_indices = @transform_3, window_bounds = array<i64: 1, 128>}, {transform_indices = @transform_4, window_bounds = array<i64: 512, 128>}]} {
    %get3A = arith.constant 0 : index
    %get3A_0 = arith.constant 0 : index
    %get3A_1 = arith.constant 0 : index
    %get3A_2 = vector.load %arg3[%get3A, %get3A_0, %get3A_1] : memref<2x512x128xf32, #tpu.memory_space<vmem>>, vector<1x512x1xf32>
    %get3A_3 = vector.shape_cast %get3A_2 : vector<1x512x1xf32> to vector<512xf32>
    %get3A_4 = arith.constant 1 : index
    %get3A_5 = arith.constant 0 : index
    %get3A_6 = arith.constant 0 : index
    %get3A_7 = vector.load %arg3[%get3A_4, %get3A_5, %get3A_6] : memref<2x512x128xf32, #tpu.memory_space<vmem>>, vector<1x512x1xf32>
    %get3A_8 = vector.shape_cast %get3A_7 : vector<1x512x1xf32> to vector<512xf32>
    %add3A = arith.addf %get3A_3, %get3A_8 : vector<512xf32>
    %add3A_9 = arith.constant 1.000000e+00 : f32
    %add3A_10 = vector.broadcast %add3A_9 : f32 to vector<512xf32>
    %add3A_11 = arith.addf %add3A_10, %add3A : vector<512xf32>
    %rsqrt3A = math.rsqrt %add3A_11 : vector<512xf32>
    %broadcast_in_dim3A = vector.shape_cast %rsqrt3A : vector<512xf32> to vector<512x1xf32>
    %get3A_12 = arith.constant 0 : index
    %get3A_13 = arith.constant 0 : index
    %get3A_14 = arith.constant 0 : index
    %get3A_15 = vector.load %arg1[%get3A_12, %get3A_13, %get3A_14] : memref<2x512x128xf32, #tpu.memory_space<vmem>>, vector<1x512x128xf32>
    %get3A_16 = vector.shape_cast %get3A_15 : vector<1x512x128xf32> to vector<512x128xf32>
    %get3A_17 = arith.constant 1 : index
    %get3A_18 = arith.constant 0 : index
    %get3A_19 = arith.constant 0 : index
    %get3A_20 = vector.load %arg1[%get3A_17, %get3A_18, %get3A_19] : memref<2x512x128xf32, #tpu.memory_space<vmem>>, vector<1x512x128xf32>
    %get3A_21 = vector.shape_cast %get3A_20 : vector<1x512x128xf32> to vector<512x128xf32>
    %add3A_22 = arith.addf %get3A_16, %get3A_21 : vector<512x128xf32>
    %mul3A = vector.broadcast %broadcast_in_dim3A : vector<512x1xf32> to vector<512x128xf32>
    %mul3A_23 = arith.mulf %mul3A, %add3A_22 : vector<512x128xf32>
    %mul3A_24 = arith.mulf %broadcast_in_dim3A, %broadcast_in_dim3A : vector<512x1xf32>
    %get3A_25 = arith.constant 0 : index
    %get3A_26 = arith.constant 0 : index
    %get3A_27 = vector.load %arg2[%get3A_25, %get3A_26] : memref<512x128xf32, #tpu.memory_space<vmem>>, vector<512x128xf32>
    %mul3A_28 = vector.broadcast %mul3A_24 : vector<512x1xf32> to vector<512x128xf32>
    %mul3A_29 = arith.mulf %mul3A_28, %get3A_27 : vector<512x128xf32>
    %add3A_30 = arith.addf %mul3A_23, %mul3A_29 : vector<512x128xf32>
    %get3A_31 = arith.constant 0 : index
    %get3A_32 = arith.constant 0 : index
    %get3A_33 = vector.load %arg4[%get3A_31, %get3A_32] : memref<1x128xf32, #tpu.memory_space<vmem>>, vector<1x128xf32>
    %add3A_34 = vector.broadcast %get3A_33 : vector<1x128xf32> to vector<512x128xf32>
    %add3A_35 = arith.addf %add3A_30, %add3A_34 : vector<512x128xf32>
    %swap3A = arith.constant 0 : index
    %swap3A_36 = arith.constant 0 : index
    %swap3A_37 = vector.load %arg5[%swap3A, %swap3A_36] : memref<512x128xf32, #tpu.memory_space<vmem>>, vector<512x128xf32>
    tpu.vector_store %arg5[%swap3A, %swap3A_36], %add3A_35 {strides = array<i32>} : memref<512x128xf32, #tpu.memory_space<vmem>>, vector<512x128xf32>,
    return
  }
  func.func @transform_0(%arg0: i32) -> (i32, i32, i32) {
    %c0_i32 = arith.constant 0 : i32
    %c0_i32_0 = arith.constant 0 : i32
    %c0_i32_1 = arith.constant 0 : i32
    return %c0_i32, %arg0, %c0_i32_0 : i32, i32, i32
  }
  func.func @transform_1(%arg0: i32) -> (i32, i32) {
    %c0_i32 = arith.constant 0 : i32
    %c0_i32_0 = arith.constant 0 : i32
    return %arg0, %c0_i32 : i32, i32
  }
  func.func @transform_2(%arg0: i32) -> (i32, i32, i32) {
    %c0_i32 = arith.constant 0 : i32
    %c0_i32_0 = arith.constant 0 : i32
    %c0_i32_1 = arith.constant 0 : i32
    return %c0_i32, %arg0, %c0_i32_0 : i32, i32, i32
  }
  func.func @transform_3(%arg0: i32) -> (i32, i32) {
    %c0_i32 = arith.constant 0 : i32
    %c0_i32_0 = arith.constant 0 : i32
    %c0_i32_1 = arith.constant 0 : i32
    return %c0_i32, %c0_i32_0 : i32, i32
  }
  func.func @transform_4(%arg0: i32) -> (i32, i32) {
    %c0_i32 = arith.constant 0 : i32
    %c0_i32_0 = arith.constant 0 : i32
    return %arg0, %c0_i32 : i32, i32
  }
}

</mosaic_0001>

<sc_bundles>
// kernel: kernel.11.cloned.1.call-start
scs
__scs_entry_jumppad:
0x0: {  	(pc) =	sbr.rel $0x88, $3  }
0x1: {  	(tag) =	ssettag $0x0;
	lr =	simm.s32 $0x1  }
0x2: {  	[smem:$0x3F9A] =	sst lr;
	_ =	strace $0xD0000000  }
0x3: {  	_ = 	snop  }
0x4: {  	_ = 	snop  }
0x5: {  	_ = 	snop  }
0x6: {  	_ = 	snop  }
0x7: {  	_ = 	snop  }
__scs_overlays_trampoline_lowered:
0x8: {  	[smem:$0x3FA9] =	sst s0  }
0x9: {  	[smem:$0x3FAA] =	sst s1  }
0xa: {  	[smem:$0x3FAB] =	sst s2  }
0xb: {  	[smem:$0x3FAC] =	sst s3  }
0xc: {  	[smem:$0x3FAD] =	sst s4  }
0xd: {  	[smem:$0x3FAE] =	sst s5  }
0xe: {  	[smem:$0x3FAF] =	sst s6  }
0xf: {  	[smem:$0x3FB0] =	sst s7  }
0x10: {  	[smem:$0x3FB1] =	sst s8  }
0x11: {  	[smem:$0x3FB2] =	sst s9;
	s0 =	simm.s32 @!p0 $0x0  }
0x12: {  	s1 =	sld [smem:$0x3F98];
	s0 =	simm.s32 @p0 $0x1  }
0x13: {  	[smem:$0x3FB3] =	sst s0;
	s0 =	simm.s32 @!p1 $0x0  }
0x14: {  	s2 =	sld [smem:$0x3F97];
	s0 =	simm.s32 @p1 $0x1  }
0x15: {  	[smem:$0x3FB4] =	sst s0;
	s0 =	simm.s32 @!p2 $0x0  }
0x16: {  	s3 =	sld [smem:$0x3FDB];
	s0 =	simm.s32 @p2 $0x1  }
0x17: {  	s4 =	simm.s32 $0x1BF5;
	[smem:$0x3FB6] =	sst s0  }
0x18: {  	s0 =	sld [smem:$0x3F99];
	_ =	swait.ge [sflag:s4], $0x0  }
0x19: {  	s7 =	sld [smem:$0x3F9A]  }
0x1a: {  	s8 =	sadd.s32 $0xFFFFE003, lr  }
0x1b: {  	s9 =	sadd.s32 $0xFFFFFEF7, lr;
	s5 =	simm.s32 $0xFFFFFFFF;
	p2 =	slt.u32 s8, $0xFFFFF086  }
0x1c: {  	p1 =	slt.u32 s9, $0xF7A;
	s5 =	simm.s32 @!p2 $0x0  }
0x1d: {  	s5 =	simm.s32 @p1 $0x1;
	p0 =	seq.s32 s7, s2  }
0x1e: {  	s7 =	smul.u32 @!p0 $0xF7A, s2;
	p2 =	seq.s32 @!p0 s5, $0x0  }
0x1f: {  	s9 =	smul.u32 $0xF7A, s1;
	s8 =	simm.s32 @!p0 $0x1BF5;
	p2 =	por !p2, p0  }
0x20: {  	[sflag:s8] =	ssyncset.s32 @!p0 $0xFFFFF086;
	s6 =	sadd.s32 @!p0 s3, s7;
	s7 =	simm.s32 @!p0 $0x108  }
0x21: {  	s3 =	sadd.s32 s3, s9;
	s6 =	sadd.s32 @!p0 $0x88, s6;
	s7 =	simm.s32 @p2 $0x1082  }
0x22: {  	[simem:s7], [sflag:s8] =	dma.local @!p0 [hbm:s6], $0xF7A  }
0x23: {  	s9 =	sor.u32 $0xD0000000, s2;
	s6 =	simm.s32 $0x108;
	_ =	swait.ge @!p0 [sflag:s8], $0x0  }
0x24: {  	s3 =	sadd.s32 $0x88, s3;
	s6 =	simm.s32 @!p1 $0x1082;
	[sflag:s4] =	ssyncset.s32 $0xFFFFF086  }
0x25: {  	[simem:s6], [sflag:s4] =	dma.local [hbm:s3], $0xF7A  }
0x26: {  	[smem:$0x3F9A] =	sst s1;
	(tag) =	ssettag s2;
	_ =	strace s9  }
0x27: {  	s1 =	sld [smem:$0x3FAA]  }
0x28: {  	s2 =	sld [smem:$0x3FAB]  }
0x29: {  	s4 =	sld [smem:$0x3FAD]  }
0x2a: {  	p0 =	seq.s32 s5, $0x0;
	s5 =	sld [smem:$0x3FAE]  }
0x2b: {  	s6 =	sld [smem:$0x3FAF]  }
0x2c: {  	s7 =	sld [smem:$0x3FB0]  }
0x2d: {  	s3 =	simm.s32 $0x108;
	s8 =	sld [smem:$0x3FB1]  }
0x2e: {  	s3 =	simm.s32 @!p0 $0x1082;
	s9 =	sld [smem:$0x3FB2]  }
0x2f: {  	lr =	sadd.s32 s0, s3;
	s0 =	sld [smem:$0x3FA9]  }
0x30: {  	s3 =	sld [smem:$0x3FAC]  }
0x31: {  	[smem:$0x3FB5] =	sst s10  }
0x32: {  	s10 =	sld [smem:$0x3FB3];
	_ =	sdelay $0x3  }
0x33: {  	p0 =	seq.s32 s10, $0x1;
	s10 =	sld [smem:$0x3FB5];
	_ =	sdelay $0x3  }
0x34: {  	[smem:$0x3FB5] =	sst s10  }
0x35: {  	s10 =	sld [smem:$0x3FB4];
	_ =	sdelay $0x3  }
0x36: {  	p1 =	seq.s32 s10, $0x1;
	s10 =	sld [smem:$0x3FB5];
	_ =	sdelay $0x3  }
0x37: {  	[smem:$0x3FB5] =	sst s10  }
0x38: {  	s10 =	sld [smem:$0x3FB6]  }
0x39: {  	_ = 	snop;
	(pc) =	sbr.ind lr, $3  }
0x3a: {  	_ = 	snop  }
0x3b: {  	_ = 	snop  }
0x3c: {  	p2 =	seq.s32 s10, $0x1;
	s10 =	sld [smem:$0x3FB5]  }
0x3d: {  	_ =	shalt  }
0x3e: {  	_ =	shalt  }
0x3f: {  	_ =	shalt  }
0x40: {  	_ =	shalt  }
0x41: {  	_ =	shalt  }
0x42: {  	_ =	shalt  }
0x43: {  	_ =	shalt  }
0x44: {  	_ =	shalt  }
0x45: {  	_ =	shalt  }
0x46: {  	_ =	shalt  }
0x47: {  	_ =	shalt  }
0x48: {  	_ =	shalt  }
0x49: {  	_ =	shalt  }
0x4a: {  	_ =	shalt  }
0x4b: {  	_ =	shalt  }
0x4c: {  	_ =	shalt  }
0x4d: {  	_ =	shalt  }
0x4e: {  	_ =	shalt  }
0x4f: {  	_ =	shalt  }
0x50: {  	_ =	shalt  }
0x51: {  	_ =	shalt  }
0x52: {  	_ =	shalt  }
0x53: {  	_ =	shalt  }
0x54: {  	_ =	shalt  }
0x55: {  	_ =	shalt  }
0x56: {  	_ =	shalt  }
0x57: {  	_ =	shalt  }
0x58: {  	_ =	shalt  }
0x59: {  	_ =	shalt  }
0x5a: {  	_ =	shalt  }
0x5b: {  	_ =	shalt  }
0x5c: {  	_ =	shalt  }
0x5d: {  	_ =	shalt  }
0x5e: {  	_ =	shalt  }
0x5f: {  	_ =	shalt  }
0x60: {  	_ =	shalt  }
0x61: {  	_ =	shalt  }
0x62: {  	_ =	shalt  }
0x63: {  	_ =	shalt  }
0x64: {  	_ =	shalt  }
0x65: {  	_ =	shalt  }
0x66: {  	_ =	shalt  }
0x67: {  	_ =	shalt  }
0x68: {  	_ =	shalt  }
0x69: {  	_ =	shalt  }
0x6a: {  	_ =	shalt  }
0x6b: {  	_ =	shalt  }
0x6c: {  	_ =	shalt  }
0x6d: {  	_ =	shalt  }
0x6e: {  	_ =	shalt  }
0x6f: {  	_ =	shalt  }
0x70: {  	_ =	shalt  }
0x71: {  	_ =	shalt  }
0x72: {  	_ =	shalt  }
0x73: {  	_ =	shalt  }
0x74: {  	_ =	shalt  }
0x75: {  	_ =	shalt  }
0x76: {  	_ =	shalt  }
0x77: {  	_ =	shalt  }
0x78: {  	_ =	shalt  }
0x79: {  	_ =	shalt  }
0x7a: {  	_ =	shalt  }
0x7b: {  	_ =	shalt  }
0x7c: {  	_ =	shalt  }
0x7d: {  	_ =	shalt  }
0x7e: {  	_ =	shalt  }
0x7f: {  	_ =	shalt  }
0x80: {  	_ =	shalt  }
0x81: {  	_ =	shalt  }
0x82: {  	_ =	shalt  }
0x83: {  	_ =	shalt  }
0x84: {  	_ =	shalt  }
0x85: {  	_ =	shalt  }
0x86: {  	_ =	shalt  }
0x87: {  	_ =	shalt  }
.Lfunc_end0:
.L_simem_size_0:
called_computation.1_lowered:
.L_overlay_start_0:
0x88: {  	s2 =	sld [smem:$0x3FD9]  }
0x89: {  	s3 =	sld [smem:$0x3FFE];
	_ =	sdelay $0x1  }
0x8a: {  	s1 =	srdreg.scid  }
0x8b: {  	s0 =	sand.u32 $0x1, s1  }
0x8c: {  	s17 =	sshll.u32 s0, $0xA;
	s2 =	sadd.s32 s3, s2  }
0x8d: {  	s2 =	sadd.s32 s2, s17  }
0x8e: {  	[smem:$0x3FC1] =	sst s2  }
0x8f: {  	_ = 	snop  }
0x90: {  	s2 =	sld [smem:$0x3FD0];
	(tm) =	ssettm $0x1  }
0x91: {  	s18 =	sld [smem:$0x3FFB];
	_ =	sdelay $0x3  }
0x92: {  	_ =	strace s18  }
0x93: {  	s3 =	sld [smem:$0x3FFC];
	_ =	sdelay $0x3  }
0x94: {  	_ =	strace s3  }
0x95: {  	s3 =	sld [smem:$0x3FFD];
	_ =	sdelay $0x3  }
0x96: {  	_ =	strace s3  }
0x97: {  	_ =	strace $0x8FFFFFFF  }
0x98: {  	s19 =	sld [smem:$0x3FDB];
	_ =	sdelay $0x1  }
0x99: {  	s4 =	simm.s32 $_scs_section_size  }
0x9a: {  	s5 =	simm.s32 $_size__tile_overlayer_lowered;
	s6 =	simm.s32 $_tile_overlayer_lowered  }
0x9b: {  	s22 =	simm.s32 $0x1BFF;
	s21 =	sshll.u32 s6, $0x1;
	s3 =	sadd.s32 s4, s19  }
0x9c: {  	s7 =	simm.s32 $0x0;
	s20 =	sshll.u32 s5, $0x1;
	s5 =	sadd.s32 s21, s3  }
0x9d: {  	[timem:s7], [sflag:s22] =	dma.local [hbm:s5], s20  }
0x9e: {  	_ =	swait.ge [sflag:s22], s20  }
0x9f: {  	s4 =	ssub.s32 $0x0, s20;
	[sflag:s22] =	ssyncset.done $0x0  }
0xa0: {  	[sflag:s22] =	ssyncadd.s32 s4;
	_ =	sdelay $0x1  }
0xa1: {  	s23 =	simm.s32 $0x1B8B  }
0xa2: {  	_ =	swait.ge [sflag:s23], $0x1  }
0xa3: {  	[sflag:s23] =	ssyncset.done $0x0  }
0xa4: {  	s25 =	simm.s32 $0x1B8E;
	s24 =	sld [smem:$0x3FFE];
	[sflag:s23] =	ssyncadd.s32 $0xFFFFFFFF  }
0xa5: {  	s26 =	simm.s32 $execute0_lowered;
	[smem:$0x3FD2] =	sst s25  }
0xa6: {  	s5 =	sshll.u32 s26, $0x1;
	_ =	strace $0x80000049;
	[dreg:$0x1] =	wrdreg $0xFFFFFFFF  }
0xa7: {  	s28 =	simm.s32 $_size_execute0_lowered;
	s3 =	sadd.s32 s3, s5;
	[dreg:$0x0] =	wrdreg $0x0  }
0xa8: {  	s5 =	sshll.u32 s28, $0x1;
	[dreg:$0x2] =	wrdreg s3  }
0xa9: {  	[dreg:$0x3] =	wrdreg s5  }
0xaa: {  	[dreg:$0x4] =	wrdreg $0xC0  }
0xab: {  	_ =	task [dreg:s7], $0x5FFFF  }
0xac: {  	[dreg:$0x1] =	wrdreg $0xFFFFFFFF  }
0xad: {  	[dreg:$0x0] =	wrdreg $0x60  }
0xae: {  	[dreg:$0x2] =	wrdreg s2  }
0xaf: {  	[dreg:$0x3] =	wrdreg s24  }
0xb0: {  	[dreg:$0x4] =	wrdreg $0x82000  }
0xb1: {  	[dreg:$0x5] =	wrdreg $0x9  }
0xb2: {  	_ =	task.clear_ibuf [dreg:s7], $0x6FFFF;
	_ =	strace $0x90000049  }
0xb3: {  	s29 =	simm.s32 $0x9;
	_ =	strace $0x8000004B  }
0xb4: {  	_ =	swait.ge [sflag:s29], $0x1  }
0xb5: {  	[sflag:s29] =	ssyncadd.s32 $0xFFFFFFFF  }
0xb6: {  	_ =	strace $0x9000004B  }
0xb7: {  	_ =	sfence  }
0xb8: {  	s30 =	sld [smem:$0x0];
	_ =	sdelay $0x2  }
0xb9: {  	s31 =	sshll.u32 s1, $0xD;
	s1 =	sshrl.u32 s1, $0x2  }
0xba: {  	s3 =	sand.u32 $0x4000, s31;
	s1 =	sadd.s32 s1, s30  }
0xbb: {  	s0 =	sor.u32 s3, s0;
	s1 =	sshll.u32 s1, $0x11  }
0xbc: {  	s0 =	sor.u32 s1, s0  }
0xbd: {  	s0 =	sadd.s32 $0x8F2B, s0  }
0xbe: {  	[sflag:s0] =	ssyncadd.remote.s32 $0x1  }
0xbf: {  	_ =	sfence.sel $0xFFFF  }
0xc0: {  	[dreg:$0x0] =	wrdreg $0xFFFFFFFF;
	(pc) =	sbr.abs _section_cstart, $3  }
0xc1: {  	[dreg:$0x1] =	wrdreg $0xFFFFFFFF  }
0xc2: {  	_ =	task.clear_ibuf [dreg:s7], $0x2FFFF;
	_ =	strace $0x9FFFFFFF  }
0xc3: {  	(tm) =	ssettm $0x7FFFFFFF  }
tec
execute0_lowered:
.L_overlay_start_1:
0x0: {  	(tag) =	ssettag $0x1  }
0x1: {  	s1 =	rddreg [dreg:$0x0]  }
0x2: {  	s8 =	rddreg [dreg:$0x1]  }
0x3: {  	s2 =	rddreg [dreg:$0x2];
	s3 =	srdreg.scid  }
0x4: {  	s0 =	rddreg [dreg:$0x3];
	s4 =	simm.s32 $0x0;
	s16 =	simm.s32 $0x200  }
0x5: {  	s17 =	simm.s32 $0x1;
	s18 =	simm.s32 $0x80;
	s19 =	simm.s32 $0x100  }
0x6: {  	s9 =	sand.u32 $0x1, s3;
	s3 =	stileid.u32;
	[smem:$0x7FF] =	sst s4  }
0x7: {  	s5 =	sadd.s32 $0x65A00, s8;
	s6 =	sadd.s32 $0xBC00, s8;
	s10 =	smul.u32 $0x140000, s9  }
0x8: {  	s7 =	sadd.s32 $0x1E00, s8;
	s11 =	smul.u32 $0x14000, s3;
	_ =	strace $0x8000004A  }
0x9: {  	s29 =	ssub.s32 $0x2, s9;
	s12 =	smul.u32 $0x50000, s3;
	s13 =	sshll.u32 s3, $0x1  }
0xa: {  	s20 =	sshll.u32 s3, $0x6;
	s30 =	sshrl.u32 s29, $0x1;
	s9 =	sor.u32 s9, s13  }
0xb: {  	s20 =	sor.u32 $0x1C01, s20;
	s10 =	sadd.s32 s11, s10;
	s11 =	ssub.s32 s29, s30  }
0xc: {  	s31 =	sshrl.u32 s12, $0x2;
	s9 =	smul.u32 $0x4F, s9;
	s10 =	sshrl.u32 s10, $0x3  }
0xd: {  	s11 =	smax.u32 s11, $0x1;
	s10 =	sadd.s32 s10, s8;
	s8 =	sadd.s32 s31, s2  }
0xe: {  	s10 =	sadd.s32 $0x6F800, s10;
	s12 =	sadd.s32 $0x4000, s8;
	s13 =	sadd.s32 $0x8000, s8  }
0xf: {  	v0 =	vimm.f32 $0.0e+00;
	s14 =	sadd.s32 $0xC000, s8;
	s15 =	sadd.s32 $0x10000, s8;
	s21 =	sshrl.u32 s8, $0x3  }
.LBB2_1:
0x10: {  	s22 =	simm.s32 $0x0;
	s23 =	simm.s32 $0x200  }
.LBB2_2:
0x11: {  	p0 =	sne.s32 s23, $0xFE00;
	[tilespmem:s22+$0x270] =	vst v0  }
0x12: {  	[tilespmem:s22+$0x200] =	vst v0  }
0x13: {  	[tilespmem:s22+$0x210] =	vst v0  }
.Ltmp0:
0x14: {  	[tilespmem:s22+$0x220] =	vst v0;
	(pc) =	sbr.rel @p0 .LBB2_2-.Ltmp0, $4  }
0x15: {  	[tilespmem:s22+$0x230] =	vst v0  }
0x16: {  	[tilespmem:s22+$0x240] =	vst v0  }
0x17: {  	[tilespmem:s22+$0x250] =	vst v0  }
0x18: {  	[tilespmem:s22+$0x260] =	vst v0;
	s22 =	sshra.s32 s23, $0x2;
	s23 =	sadd.s32 $0x200, s23  }
0x19: {  	[tilespmem:s22+$0x270] =	vst v0  }
0x1a: {  	[tilespmem:s22+$0x200] =	vst v0  }
0x1b: {  	[tilespmem:s22+$0x210] =	vst v0  }
0x1c: {  	[tilespmem:s22+$0x220] =	vst v0  }
0x1d: {  	[tilespmem:s22+$0x230] =	vst v0  }
0x1e: {  	[tilespmem:s22+$0x240] =	vst v0  }
0x1f: {  	[tilespmem:s22+$0x250] =	vst v0  }
0x20: {  	[tilespmem:s22+$0x260] =	vst v0  }
0x21: {  	[spmem:s8] =	stream.linear.scatter [tilespmem:s16], [sflag:$0x1], $0x4000, $0x38;
	[tilespmem:$0x1C200] =	vst v63  }
0x22: {  	_ =	swait.ge [sflag:s17], $0x4000  }
0x23: {  	[sflag:s17] =	ssyncset.done $0x0  }
0x24: {  	[sflag:s17] =	ssyncadd.s32 $0xFFFFC000  }
0x25: {  	[spmem:s12] =	stream.linear.scatter [tilespmem:s16], [sflag:$0x1], $0x4000, $0x38;
	[tilespmem:$0x1C200] =	vst v63  }
0x26: {  	_ =	swait.ge [sflag:s17], $0x4000  }
0x27: {  	[sflag:s17] =	ssyncset.done $0x0  }
0x28: {  	[sflag:s17] =	ssyncadd.s32 $0xFFFFC000  }
0x29: {  	[spmem:s13] =	stream.linear.scatter [tilespmem:s16], [sflag:$0x1], $0x4000, $0x38;
	[tilespmem:$0x1C200] =	vst v63  }
0x2a: {  	_ =	swait.ge [sflag:s17], $0x4000  }
0x2b: {  	[sflag:s17] =	ssyncset.done $0x0  }
0x2c: {  	[sflag:s17] =	ssyncadd.s32 $0xFFFFC000  }
0x2d: {  	[spmem:s14] =	stream.linear.scatter [tilespmem:s16], [sflag:$0x1], $0x4000, $0x38;
	[tilespmem:$0x1C200] =	vst v63  }
0x2e: {  	_ =	swait.ge [sflag:s17], $0x4000  }
0x2f: {  	[sflag:s17] =	ssyncset.done $0x0  }
0x30: {  	[sflag:s17] =	ssyncadd.s32 $0xFFFFC000  }
0x31: {  	[spmem:s15] =	stream.linear.scatter [tilespmem:s16], [sflag:$0x1], $0x4000, $0x38;
	[tilespmem:$0x1C200] =	vst v63  }
0x32: {  	_ =	swait.ge [sflag:s17], $0x4000  }
0x33: {  	[sflag:s17] =	ssyncset.done $0x0  }
0x34: {  	[sflag:s17] =	ssyncadd.s32 $0xFFFFC000  }
0x35: {  	s22 =	simm.s32 $0x0;
	s23 =	simm.s32 $0x0;
	[bflag:$0x0] =	sbarrier.arrive $0xFFFF  }
.LBB2_4:
0x36: {  	s24 =	sadd.s32 s9, s23  }
0x37: {  	s24 =	sshll.u32 s24, $0x4  }
0x38: {  	s25 =	sadd.s32 s5, s24  }
0x39: {  	[tilespmem:s22], [sflag:$0x1] =	stream.linear.gather [hbm4b:s25+s22], $0x80, $0x38;
	[tilespmem:$0x1C200] =	vst v63  }
0x3a: {  	_ =	swait.ge [sflag:s17], $0x80  }
0x3b: {  	[sflag:s17] =	ssyncset.done $0x0  }
0x3c: {  	s29 =	sadd.s32 s6, s24;
	[sflag:s17] =	ssyncadd.s32 $0xFFFFFF80  }
0x3d: {  	[tilespmem:s18], [sflag:$0x1] =	stream.linear.gather [hbm4b:s29+s22], $0x80, $0x38;
	[tilespmem:$0x1C200] =	vst v63  }
0x3e: {  	_ =	swait.ge [sflag:s17], $0x80  }
0x3f: {  	[sflag:s17] =	ssyncset.done $0x0  }
0x40: {  	s24 =	sadd.s32 s7, s24;
	[sflag:s17] =	ssyncadd.s32 $0xFFFFFF80  }
0x41: {  	[tilespmem:s19], [sflag:$0x1] =	stream.linear.gather [hbm4b:s24+s22], $0x80, $0x38;
	[tilespmem:$0x1C200] =	vst v63  }
0x42: {  	v1 =	vmov s22;
	_ =	swait.ge [sflag:s17], $0x80  }
0x43: {  	v1 =	vand.u32 $0xFFFFFFFC, v1;
	[sflag:s17] =	ssyncset.done $0x0  }
0x44: {  	v1 =	vbroadcast v1, $0x0;
	[sflag:s17] =	ssyncadd.s32 $0xFFFFFF80  }
0x45: {  	[tilespmem:s16], [sflag:$0x1] =	stream.indirect.gather [hbm4b:s1+s18], $0x80, s22, s18, $0xb8;
	[tilespmem:$0x1C200] =	vst v63  }
0x46: {  	_ =	swait.ge [sflag:s17], $0x4000  }
0x47: {  	[sflag:s17] =	ssyncset.done $0x0  }
0x48: {  	s24 =	simm.s32 $0x300;
	[sflag:s17] =	ssyncadd.s32 $0xFFFFC000  }
0x49: {  	v2 =	vld [tilespmem:s24+$0xFFFFFF70]  }
0x4a: {  	v1 =	vld.idx.msk [tilespmem:v1+s19+$0x0], $0xffff  }
0x4b: {  	v3 =	vld [tilespmem:s24+$0xFFFFFF00]  }
0x4c: {  	v4 =	vld [tilespmem:s24+$0xFFFFFF20]  }
0x4d: {  	v5 =	vld [tilespmem:s24+$0xFFFFFF50]  }
0x4e: {  	v6 =	vld [tilespmem:s24+$0xFFFFFF40]  }
0x4f: {  	v7 =	vld [tilespmem:s24+$0xFFFFFF60];
	v2 =	vmul.f32 v2, v1  }
0x50: {  	s30 =	simm.s32 $0x1;
	v8 =	vld [tilespmem:s24+$0xFFFFFF30];
	v3 =	vmul.f32 v3, v1  }
0x51: {  	v9 =	vld [tilespmem:s24+$0xFFFFFF10];
	v4 =	vmul.f32 v4, v1;
	[tilespmem:s24+$0xFFFFFF70] =	vst v2;
	v2 =	vmov s30  }
0x52: {  	v5 =	vmul.f32 v5, v1;
	[tilespmem:s24+$0xFFFFFF00] =	vst v3;
	v2 =	vand.u32 $0xFFFFFFFD, v2  }
0x53: {  	v3 =	vmul.f32 v6, v1;
	[tilespmem:s24+$0xFFFFFF20] =	vst v4;
	v2 =	vbroadcast v2, $0x0  }
0x54: {  	v4 =	vmul.f32 v7, v1;
	[tilespmem:s24+$0xFFFFFF50] =	vst v5  }
0x55: {  	v5 =	vmul.f32 v8, v1;
	[tilespmem:s24+$0xFFFFFF40] =	vst v3  }
0x56: {  	v1 =	vmul.f32 v9, v1;
	[tilespmem:s24+$0xFFFFFF60] =	vst v4  }
0x57: {  	[tilespmem:s24+$0xFFFFFF30] =	vst v5  }
0x58: {  	[tilespmem:s24+$0xFFFFFF10] =	vst v1;
	v1 =	vld [tilespmem:s24+$0xFFFFFF90]  }
0x59: {  	v3 =	vld.idx.msk [tilespmem:v2+s19+$0x0], $0xffff  }
0x5a: {  	v2 =	vld [tilespmem:s24+$0xFFFFFFA0]  }
0x5b: {  	v4 =	vld [tilespmem:s24+$0xFFFFFF80]  }
0x5c: {  	v5 =	vld [tilespmem:s24+$0xFFFFFFB0]  }
0x5d: {  	v6 =	vld [tilespmem:s24+$0xFFFFFFC0]  }
0x5e: {  	v7 =	vld [tilespmem:s24+$0xFFFFFFD0];
	v1 =	vmul.f32 v1, v3  }
0x5f: {  	s31 =	simm.s32 $0x2;
	v8 =	vld [tilespmem:s24+$0xFFFFFFF0];
	v2 =	vmul.f32 v2, v3  }
0x60: {  	v63 =	vld [tilespmem:s24+$0xFFFFFFE0];
	v4 =	vmul.f32 v4, v3;
	[tilespmem:s24+$0xFFFFFF90] =	vst v1;
	v1 =	vmov s31  }
0x61: {  	v5 =	vmul.f32 v5, v3;
	[tilespmem:s24+$0xFFFFFFA0] =	vst v2;
	v1 =	vand.u32 $0xFFFFFFFE, v1  }
0x62: {  	v2 =	vmul.f32 v6, v3;
	[tilespmem:s24+$0xFFFFFF80] =	vst v4;
	v6 =	vld [tilespmem:s24+$0x60];
	v10 =	vbroadcast v1, $0x0  }
0x63: {  	v4 =	vmul.f32 v7, v3;
	[tilespmem:s24+$0xFFFFFFB0] =	vst v5;
	v7 =	vld [tilespmem:s24+$0x0]  }
0x64: {  	v5 =	vmul.f32 v8, v3;
	v1 =	vld [tilespmem:s24+$0x20];
	[tilespmem:s24+$0xFFFFFFC0] =	vst v2  }
0x65: {  	v3 =	vmul.f32 v63, v3;
	v2 =	vld [tilespmem:s24+$0x30];
	[tilespmem:s24+$0xFFFFFFD0] =	vst v4  }
0x66: {  	[tilespmem:s24+$0xFFFFFFF0] =	vst v5;
	v4 =	vld [tilespmem:s24+$0x40]  }
0x67: {  	[tilespmem:s24+$0xFFFFFFE0] =	vst v3;
	v5 =	vld [tilespmem:s24+$0x10]  }
0x68: {  	s26 =	simm.s32 $0x4;
	s28 =	simm.s32 $0x300;
	s25 =	simm.s32 $0x0;
	v3 =	vld.idx.msk [tilespmem:v10+s19+$0x0], $0xffff  }
.LBB2_5:
0x69: {  	p0 =	sne.s32 s26, $0x7C  }
0x6a: {  	v8 =	vld [tilespmem:s24+$0x50];
	s28 =	sadd.s32 $0x200, s28;
	s29 =	smov.u32 s26;
	s26 =	sadd.s32 $0x4, s26  }
0x6b: {  	v9 =	vld [tilespmem:s24+$0x70];
	_ =	sdelay $0x1  }
0x6c: {  	v6 =	vmul.f32 v6, v3;
	v7 =	vmul.f32 v7, v3  }
0x6d: {  	v4 =	vmul.f32 v4, v3;
	v5 =	vmul.f32 v5, v3  }
0x6e: {  	v1 =	vmul.f32 v1, v3;
	v2 =	vmul.f32 v2, v3;
	[tilespmem:s24+$0x60] =	vst v6  }
0x6f: {  	[tilespmem:s24+$0x40] =	vst v4;
	v4 =	vmul.f32 v8, v3;
	v3 =	vmul.f32 v9, v3  }
0x70: {  	s30 =	sadd.s32 $0x3, s25;
	s25 =	smov.u32 s29;
	[tilespmem:s24+$0x20] =	vst v1;
	v6 =	vld [tilespmem:s24+$0x80]  }
0x71: {  	v1 =	vld [tilespmem:s28+$0x20];
	[tilespmem:s24+$0x0] =	vst v7;
	v7 =	vmov s30  }
0x72: {  	[tilespmem:s24+$0x50] =	vst v4;
	v4 =	vld [tilespmem:s24+$0xE0]  }
0x73: {  	[tilespmem:s24+$0x30] =	vst v2;
	v8 =	vld [tilespmem:s24+$0xC0]  }
0x74: {  	v2 =	vld [tilespmem:s28+$0x30];
	[tilespmem:s24+$0x10] =	vst v5  }
0x75: {  	[tilespmem:s24+$0x70] =	vst v3;
	v3 =	vld [tilespmem:s24+$0xA0]  }
0x76: {  	v5 =	vld.idx.msk [tilespmem:v7+s19+$0x0], $0xffff  }
0x77: {  	v7 =	vld [tilespmem:s24+$0x90]  }
0x78: {  	v9 =	vld [tilespmem:s24+$0xB0]  }
0x79: {  	v10 =	vld [tilespmem:s24+$0xD0]  }
0x7a: {  	v11 =	vld [tilespmem:s24+$0xF0];
	_ =	sdelay $0x1  }
0x7b: {  	v6 =	vmul.f32 v6, v5;
	v7 =	vmul.f32 v7, v5  }
0x7c: {  	v3 =	vmul.f32 v3, v5;
	v9 =	vmul.f32 v9, v5  }
0x7d: {  	v12 =	vmov s25;
	[tilespmem:s24+$0x80] =	vst v6;
	v6 =	vmul.f32 v8, v5;
	v8 =	vmul.f32 v10, v5  }
0x7e: {  	v10 =	vand.u32 $0xFFFFFFFC, v12;
	[tilespmem:s24+$0xA0] =	vst v3;
	v3 =	vmul.f32 v4, v5;
	v4 =	vmul.f32 v11, v5  }
0x7f: {  	v5 =	vbroadcast v10, $0x0;
	[tilespmem:s24+$0xC0] =	vst v6  }
0x80: {  	[tilespmem:s24+$0xF0] =	vst v4  }
0x81: {  	v4 =	vld [tilespmem:s28+$0xFFFFFF40];
	[tilespmem:s24+$0xE0] =	vst v3  }
0x82: {  	v3 =	vld [tilespmem:s28+$0xFFFFFF50];
	[tilespmem:s24+$0x90] =	vst v7  }
0x83: {  	v6 =	vld [tilespmem:s28+$0xFFFFFF60];
	[tilespmem:s24+$0xB0] =	vst v9  }
0x84: {  	v7 =	vld [tilespmem:s28+$0xFFFFFF70];
	[tilespmem:s24+$0xD0] =	vst v8;
	s24 =	smov.u32 s28  }
0x85: {  	v5 =	vld.idx.msk [tilespmem:v5+s19+$0x0], $0xffff  }
0x86: {  	v8 =	vld [tilespmem:s28+$0xFFFFFF00]  }
0x87: {  	v9 =	vld [tilespmem:s28+$0xFFFFFF20]  }
0x88: {  	v10 =	vld [tilespmem:s28+$0xFFFFFF10]  }
0x89: {  	v11 =	vld [tilespmem:s28+$0xFFFFFF30];
	_ =	sdelay $0x1  }
0x8a: {  	v7 =	vmul.f32 v7, v5;
	v8 =	vmul.f32 v8, v5  }
0x8b: {  	s29 =	sadd.s32 $0x1, s25;
	v6 =	vmul.f32 v6, v5;
	v9 =	vmul.f32 v9, v5  }
0x8c: {  	v3 =	vmul.f32 v3, v5;
	v10 =	vmul.f32 v10, v5;
	[tilespmem:s28+$0xFFFFFF70] =	vst v7;
	v7 =	vmov s29  }
0x8d: {  	v4 =	vmul.f32 v4, v5;
	[tilespmem:s28+$0xFFFFFF00] =	vst v8;
	v8 =	vmul.f32 v11, v5;
	v5 =	vand.u32 $0xFFFFFFFD, v7  }
0x8e: {  	[tilespmem:s28+$0xFFFFFF20] =	vst v9;
	v5 =	vbroadcast v5, $0x0  }
0x8f: {  	[tilespmem:s28+$0xFFFFFF50] =	vst v3  }
0x90: {  	[tilespmem:s28+$0xFFFFFF40] =	vst v4;
	v3 =	vld [tilespmem:s28+$0xFFFFFFF0]  }
0x91: {  	[tilespmem:s28+$0xFFFFFF60] =	vst v6;
	v4 =	vld [tilespmem:s28+$0xFFFFFFC0]  }
0x92: {  	[tilespmem:s28+$0xFFFFFF30] =	vst v8;
	v6 =	vld [tilespmem:s28+$0xFFFFFFD0]  }
0x93: {  	[tilespmem:s28+$0xFFFFFF10] =	vst v10;
	v7 =	vld [tilespmem:s28+$0xFFFFFF90]  }
0x94: {  	v5 =	vld.idx.msk [tilespmem:v5+s19+$0x0], $0xffff  }
0x95: {  	v8 =	vld [tilespmem:s28+$0xFFFFFF80]  }
0x96: {  	v9 =	vld [tilespmem:s28+$0xFFFFFFA0]  }
0x97: {  	v10 =	vld [tilespmem:s28+$0xFFFFFFB0]  }
0x98: {  	v11 =	vld [tilespmem:s28+$0xFFFFFFE0];
	_ =	sdelay $0x1  }
0x99: {  	v7 =	vmul.f32 v7, v5;
	v8 =	vmul.f32 v8, v5  }
0x9a: {  	s29 =	sadd.s32 $0x2, s25;
	v6 =	vmul.f32 v6, v5;
	v9 =	vmul.f32 v9, v5  }
0x9b: {  	v4 =	vmul.f32 v4, v5;
	[tilespmem:s28+$0xFFFFFF90] =	vst v7;
	v7 =	vmul.f32 v10, v5;
	v10 =	vmov s29  }
0x9c: {  	v3 =	vmul.f32 v3, v5;
	[tilespmem:s28+$0xFFFFFFA0] =	vst v9;
	v9 =	vmul.f32 v11, v5;
	v5 =	vand.u32 $0xFFFFFFFE, v10  }
0x9d: {  	[tilespmem:s28+$0xFFFFFF80] =	vst v8;
	v5 =	vbroadcast v5, $0x0  }
0x9e: {  	[tilespmem:s28+$0xFFFFFFB0] =	vst v7  }
0x9f: {  	[tilespmem:s28+$0xFFFFFFC0] =	vst v4  }
0xa0: {  	[tilespmem:s28+$0xFFFFFFD0] =	vst v6  }
.Ltmp1:
0xa1: {  	[tilespmem:s28+$0xFFFFFFF0] =	vst v3;
	v4 =	vld [tilespmem:s28+$0x40];
	(pc) =	sbr.rel @p0 .LBB2_5-.Ltmp1, $4  }
0xa2: {  	[tilespmem:s28+$0xFFFFFFE0] =	vst v9;
	v6 =	vld [tilespmem:s28+$0x60]  }
0xa3: {  	v3 =	vld.idx.msk [tilespmem:v5+s19+$0x0], $0xffff  }
0xa4: {  	v7 =	vld [tilespmem:s28+$0x0]  }
0xa5: {  	v5 =	vld [tilespmem:s28+$0x10]  }
0xa6: {  	_ =	sdelay $0x1  }
0xa7: {  	v6 =	vmul.f32 v6, v3  }
0xa8: {  	v8 =	vld [tilespmem:s24+$0x50];
	v4 =	vmul.f32 v4, v3  }
0xa9: {  	v9 =	vld [tilespmem:s24+$0x70];
	v1 =	vmul.f32 v1, v3;
	[tilespmem:s24+$0x60] =	vst v6  }
0xaa: {  	v54 =	vmul.f32 v7, v3;
	[tilespmem:s24+$0x40] =	vst v4  }
0xab: {  	s25 =	sadd.s32 $0x3, s25;
	[tilespmem:s24+$0x20] =	vst v1;
	v1 =	vmul.f32 v2, v3  }
0xac: {  	v56 =	vmov s25;
	v5 =	vmul.f32 v5, v3;
	[tilespmem:s24+$0x0] =	vst v54  }
0xad: {  	v55 =	vmul.f32 v8, v3;
	[tilespmem:s24+$0x30] =	vst v1  }
0xae: {  	v3 =	vmul.f32 v9, v3;
	[tilespmem:s24+$0x10] =	vst v5  }
0xaf: {  	[tilespmem:s24+$0x50] =	vst v55  }
0xb0: {  	v2 =	vld [tilespmem:s24+$0x80];
	[tilespmem:s24+$0x70] =	vst v3  }
0xb1: {  	v1 =	vld.idx.msk [tilespmem:v56+s19+$0x0], $0xffff  }
0xb2: {  	v3 =	vld [tilespmem:s24+$0xA0]  }
0xb3: {  	v59 =	vld [tilespmem:s24+$0xE0]  }
0xb4: {  	v57 =	vld [tilespmem:s24+$0xC0]  }
0xb5: {  	v58 =	vld [tilespmem:s24+$0xF0]  }
0xb6: {  	v60 =	vld [tilespmem:s24+$0x90];
	v2 =	vmul.f32 v2, v1  }
0xb7: {  	v61 =	vld [tilespmem:s24+$0xB0];
	v3 =	vmul.f32 v3, v1  }
0xb8: {  	v62 =	vld [tilespmem:s24+$0xD0];
	v63 =	vmul.f32 v59, v1;
	[tilespmem:s24+$0x80] =	vst v2  }
0xb9: {  	v2 =	vmul.f32 v57, v1;
	[tilespmem:s24+$0xA0] =	vst v3  }
0xba: {  	v3 =	vmul.f32 v58, v1;
	[tilespmem:s24+$0xE0] =	vst v63  }
0xbb: {  	[tilespmem:s24+$0xC0] =	vst v2;
	v2 =	vmul.f32 v60, v1  }
0xbc: {  	[tilespmem:s24+$0xF0] =	vst v3;
	v3 =	vmul.f32 v61, v1  }
0xbd: {  	s23 =	sadd.s32 $0x1, s23;
	v1 =	vmul.f32 v62, v1;
	[tilespmem:s24+$0x90] =	vst v2  }
0xbe: {  	p0 =	sne.s32 s23, $0x4F;
	[tilespmem:s24+$0xB0] =	vst v3  }
.Ltmp2:
0xbf: {  	[tilespmem:s24+$0xD0] =	vst v1;
	(pc) =	sbr.rel @p0 .LBB2_4-.Ltmp2, $4  }
0xc0: {  	[spmem:s2] =	stream.indirect.scatter.add.f32 [tilespmem:s16], [sflag:$0x1], $0x80, s18, s18, $0xb8;
	[tilespmem:$0x1C200] =	vst v63  }
0xc1: {  	_ =	swait.ge [sflag:s17], $0x4000  }
0xc2: {  	[sflag:s17] =	ssyncset.done $0x0  }
0xc3: {  	[sflag:s17] =	ssyncadd.s32 $0xFFFFC000  }
0xc4: {  	s4 =	sadd.s32 $0x1, s4  }
0xc5: {  	p0 =	sne.s32 s4, s11  }
.Ltmp3:
0xc6: {  	[bflag:$0x0] =	sbarrier.arrive $0xFFFF;
	(pc) =	sbr.rel @p0 .LBB2_1-.Ltmp3, $4  }
0xc7: {  	[hbm:s10], [sflag:s20] =	dma.local [spmem:s21], $0x2800  }
0xc8: {  	_ =	swait.ge [sflag:s17], $0x2800  }
0xc9: {  	[sflag:s17] =	ssyncset.done $0x0  }
0xca: {  	[sflag:s17] =	ssyncadd.s32 $0xFFFFD800  }
0xcb: {  	_ =	sfence.sel $0x180000  }
0xcc: {  	[bflag:$0x0] =	sbarrier.arrive $0xFFFF  }
0xcd: {  	p0 =	sne.s32 s3, $0x0;
	_ =	strace $0x9000004A  }
0xce: {  	s0 =	sadd.s32 @!p0 $0x100000, s0;
	[bflag:$0x2] =	sbarrier.arrive $0xFFFF  }
0xcf: {  	[sflag:s0] =	ssyncadd.tile.s32 @!p0 $0x1;
	_ =	shalt  }
.Lfunc_end2:
_tile_overlayer_lowered:
.L_overlay_start_2:
0xd0: {  	(tag) =	ssettag $0x2  }
0xd1: {  	s0 =	rddreg [dreg:$0x0];
	s2 =	stileid.u32  }
0xd2: {  	s1 =	rddreg [dreg:$0x1];
	p0 =	sne.s32 s2, $0x0  }
0xd3: {  	s3 =	rddreg [dreg:$0x2];
	[bflag:$0x3] =	sbarrier.arrive $0xFFFF;
	s2 =	simm.s32 @!p0 $0x1C01  }
0xd4: {  	[timem:s3], [sflag:s2] =	dma.local @!p0 [hbm:s0], s1  }
0xd5: {  	s0 =	simm.s32 @!p0 $0x1  }
0xd6: {  	_ =	swait.ge @!p0 [sflag:s0], s1  }
0xd7: {  	s1 =	ssub.s32 @!p0 $0x0, s1;
	[sflag:s0] =	ssyncset.done @!p0 $0x0  }
0xd8: {  	[sflag:s0] =	ssyncadd.s32 @!p0 s1  }
0xd9: {  	[bflag:$0x3] =	sbarrier.arrive $0xFFFF  }
0xda: {  	_ =	shalt  }

// kernel: kernel.14.cloned.1.call-start
scs
__scs_entry_jumppad:
0x0: {  	(pc) =	sbr.rel $0x88, $3  }
0x1: {  	(tag) =	ssettag $0x0;
	lr =	simm.s32 $0x1  }
0x2: {  	[smem:$0x3F9A] =	sst lr;
	_ =	strace $0xD0000000  }
0x3: {  	_ = 	snop  }
0x4: {  	_ = 	snop  }
0x5: {  	_ = 	snop  }
0x6: {  	_ = 	snop  }
0x7: {  	_ = 	snop  }
__scs_overlays_trampoline_lowered:
0x8: {  	[smem:$0x3FA9] =	sst s0  }
0x9: {  	[smem:$0x3FAA] =	sst s1  }
0xa: {  	[smem:$0x3FAB] =	sst s2  }
0xb: {  	[smem:$0x3FAC] =	sst s3  }
0xc: {  	[smem:$0x3FAD] =	sst s4  }
0xd: {  	[smem:$0x3FAE] =	sst s5  }
0xe: {  	[smem:$0x3FAF] =	sst s6  }
0xf: {  	[smem:$0x3FB0] =	sst s7  }
0x10: {  	[smem:$0x3FB1] =	sst s8  }
0x11: {  	[smem:$0x3FB2] =	sst s9;
	s0 =	simm.s32 @!p0 $0x0  }
0x12: {  	s1 =	sld [smem:$0x3F98];
	s0 =	simm.s32 @p0 $0x1  }
0x13: {  	[smem:$0x3FB3] =	sst s0;
	s0 =	simm.s32 @!p1 $0x0  }
0x14: {  	s2 =	sld [smem:$0x3F97];
	s0 =	simm.s32 @p1 $0x1  }
0x15: {  	[smem:$0x3FB4] =	sst s0;
	s0 =	simm.s32 @!p2 $0x0  }
0x16: {  	s3 =	sld [smem:$0x3FDB];
	s0 =	simm.s32 @p2 $0x1  }
0x17: {  	s4 =	simm.s32 $0x1BF5;
	[smem:$0x3FB6] =	sst s0  }
0x18: {  	s0 =	sld [smem:$0x3F99];
	_ =	swait.ge [sflag:s4], $0x0  }
0x19: {  	s7 =	sld [smem:$0x3F9A]  }
0x1a: {  	s8 =	sadd.s32 $0xFFFFE003, lr  }
0x1b: {  	s9 =	sadd.s32 $0xFFFFFEF7, lr;
	s5 =	simm.s32 $0xFFFFFFFF;
	p2 =	slt.u32 s8, $0xFFFFF086  }
0x1c: {  	p1 =	slt.u32 s9, $0xF7A;
	s5 =	simm.s32 @!p2 $0x0  }
0x1d: {  	s5 =	simm.s32 @p1 $0x1;
	p0 =	seq.s32 s7, s2  }
0x1e: {  	s7 =	smul.u32 @!p0 $0xF7A, s2;
	p2 =	seq.s32 @!p0 s5, $0x0  }
0x1f: {  	s9 =	smul.u32 $0xF7A, s1;
	s8 =	simm.s32 @!p0 $0x1BF5;
	p2 =	por !p2, p0  }
0x20: {  	[sflag:s8] =	ssyncset.s32 @!p0 $0xFFFFF086;
	s6 =	sadd.s32 @!p0 s3, s7;
	s7 =	simm.s32 @!p0 $0x108  }
0x21: {  	s3 =	sadd.s32 s3, s9;
	s6 =	sadd.s32 @!p0 $0x88, s6;
	s7 =	simm.s32 @p2 $0x1082  }
0x22: {  	[simem:s7], [sflag:s8] =	dma.local @!p0 [hbm:s6], $0xF7A  }
0x23: {  	s9 =	sor.u32 $0xD0000000, s2;
	s6 =	simm.s32 $0x108;
	_ =	swait.ge @!p0 [sflag:s8], $0x0  }
0x24: {  	s3 =	sadd.s32 $0x88, s3;
	s6 =	simm.s32 @!p1 $0x1082;
	[sflag:s4] =	ssyncset.s32 $0xFFFFF086  }
0x25: {  	[simem:s6], [sflag:s4] =	dma.local [hbm:s3], $0xF7A  }
0x26: {  	[smem:$0x3F9A] =	sst s1;
	(tag) =	ssettag s2;
	_ =	strace s9  }
0x27: {  	s1 =	sld [smem:$0x3FAA]  }
0x28: {  	s2 =	sld [smem:$0x3FAB]  }
0x29: {  	s4 =	sld [smem:$0x3FAD]  }
0x2a: {  	p0 =	seq.s32 s5, $0x0;
	s5 =	sld [smem:$0x3FAE]  }
0x2b: {  	s6 =	sld [smem:$0x3FAF]  }
0x2c: {  	s7 =	sld [smem:$0x3FB0]  }
0x2d: {  	s3 =	simm.s32 $0x108;
	s8 =	sld [smem:$0x3FB1]  }
0x2e: {  	s3 =	simm.s32 @!p0 $0x1082;
	s9 =	sld [smem:$0x3FB2]  }
0x2f: {  	lr =	sadd.s32 s0, s3;
	s0 =	sld [smem:$0x3FA9]  }
0x30: {  	s3 =	sld [smem:$0x3FAC]  }
0x31: {  	[smem:$0x3FB5] =	sst s10  }
0x32: {  	s10 =	sld [smem:$0x3FB3];
	_ =	sdelay $0x3  }
0x33: {  	p0 =	seq.s32 s10, $0x1;
	s10 =	sld [smem:$0x3FB5];
	_ =	sdelay $0x3  }
0x34: {  	[smem:$0x3FB5] =	sst s10  }
0x35: {  	s10 =	sld [smem:$0x3FB4];
	_ =	sdelay $0x3  }
0x36: {  	p1 =	seq.s32 s10, $0x1;
	s10 =	sld [smem:$0x3FB5];
	_ =	sdelay $0x3  }
0x37: {  	[smem:$0x3FB5] =	sst s10  }
0x38: {  	s10 =	sld [smem:$0x3FB6]  }
0x39: {  	_ = 	snop;
	(pc) =	sbr.ind lr, $3  }
0x3a: {  	_ = 	snop  }
0x3b: {  	_ = 	snop  }
0x3c: {  	p2 =	seq.s32 s10, $0x1;
	s10 =	sld [smem:$0x3FB5]  }
0x3d: {  	_ =	shalt  }
0x3e: {  	_ =	shalt  }
0x3f: {  	_ =	shalt  }
0x40: {  	_ =	shalt  }
0x41: {  	_ =	shalt  }
0x42: {  	_ =	shalt  }
0x43: {  	_ =	shalt  }
0x44: {  	_ =	shalt  }
0x45: {  	_ =	shalt  }
0x46: {  	_ =	shalt  }
0x47: {  	_ =	shalt  }
0x48: {  	_ =	shalt  }
0x49: {  	_ =	shalt  }
0x4a: {  	_ =	shalt  }
0x4b: {  	_ =	shalt  }
0x4c: {  	_ =	shalt  }
0x4d: {  	_ =	shalt  }
0x4e: {  	_ =	shalt  }
0x4f: {  	_ =	shalt  }
0x50: {  	_ =	shalt  }
0x51: {  	_ =	shalt  }
0x52: {  	_ =	shalt  }
0x53: {  	_ =	shalt  }
0x54: {  	_ =	shalt  }
0x55: {  	_ =	shalt  }
0x56: {  	_ =	shalt  }
0x57: {  	_ =	shalt  }
0x58: {  	_ =	shalt  }
0x59: {  	_ =	shalt  }
0x5a: {  	_ =	shalt  }
0x5b: {  	_ =	shalt  }
0x5c: {  	_ =	shalt  }
0x5d: {  	_ =	shalt  }
0x5e: {  	_ =	shalt  }
0x5f: {  	_ =	shalt  }
0x60: {  	_ =	shalt  }
0x61: {  	_ =	shalt  }
0x62: {  	_ =	shalt  }
0x63: {  	_ =	shalt  }
0x64: {  	_ =	shalt  }
0x65: {  	_ =	shalt  }
0x66: {  	_ =	shalt  }
0x67: {  	_ =	shalt  }
0x68: {  	_ =	shalt  }
0x69: {  	_ =	shalt  }
0x6a: {  	_ =	shalt  }
0x6b: {  	_ =	shalt  }
0x6c: {  	_ =	shalt  }
0x6d: {  	_ =	shalt  }
0x6e: {  	_ =	shalt  }
0x6f: {  	_ =	shalt  }
0x70: {  	_ =	shalt  }
0x71: {  	_ =	shalt  }
0x72: {  	_ =	shalt  }
0x73: {  	_ =	shalt  }
0x74: {  	_ =	shalt  }
0x75: {  	_ =	shalt  }
0x76: {  	_ =	shalt  }
0x77: {  	_ =	shalt  }
0x78: {  	_ =	shalt  }
0x79: {  	_ =	shalt  }
0x7a: {  	_ =	shalt  }
0x7b: {  	_ =	shalt  }
0x7c: {  	_ =	shalt  }
0x7d: {  	_ =	shalt  }
0x7e: {  	_ =	shalt  }
0x7f: {  	_ =	shalt  }
0x80: {  	_ =	shalt  }
0x81: {  	_ =	shalt  }
0x82: {  	_ =	shalt  }
0x83: {  	_ =	shalt  }
0x84: {  	_ =	shalt  }
0x85: {  	_ =	shalt  }
0x86: {  	_ =	shalt  }
0x87: {  	_ =	shalt  }
.Lfunc_end0:
.L_simem_size_0:
called_computation.2_lowered:
.L_overlay_start_0:
0x88: {  	s2 =	sld [smem:$0x3FD9]  }
0x89: {  	s3 =	sld [smem:$0x3FFE];
	_ =	sdelay $0x1  }
0x8a: {  	s1 =	srdreg.scid  }
0x8b: {  	s0 =	sand.u32 $0x1, s1  }
0x8c: {  	s17 =	sshll.u32 s0, $0xA;
	s2 =	sadd.s32 s3, s2  }
0x8d: {  	s2 =	sadd.s32 s2, s17  }
0x8e: {  	[smem:$0x3FC1] =	sst s2  }
0x8f: {  	_ = 	snop  }
0x90: {  	s2 =	sld [smem:$0x3FD0];
	(tm) =	ssettm $0x1  }
0x91: {  	s18 =	sld [smem:$0x3FFB];
	_ =	sdelay $0x3  }
0x92: {  	_ =	strace s18  }
0x93: {  	s3 =	sld [smem:$0x3FFC];
	_ =	sdelay $0x3  }
0x94: {  	_ =	strace s3  }
0x95: {  	s3 =	sld [smem:$0x3FFD];
	_ =	sdelay $0x3  }
0x96: {  	_ =	strace s3  }
0x97: {  	_ =	strace $0x8FFFFFFF  }
0x98: {  	s19 =	sld [smem:$0x3FDB];
	_ =	sdelay $0x1  }
0x99: {  	s4 =	simm.s32 $_scs_section_size  }
0x9a: {  	s5 =	simm.s32 $_size__tile_overlayer_lowered;
	s6 =	simm.s32 $_tile_overlayer_lowered  }
0x9b: {  	s22 =	simm.s32 $0x1BFF;
	s21 =	sshll.u32 s6, $0x1;
	s3 =	sadd.s32 s4, s19  }
0x9c: {  	s7 =	simm.s32 $0x0;
	s20 =	sshll.u32 s5, $0x1;
	s5 =	sadd.s32 s21, s3  }
0x9d: {  	[timem:s7], [sflag:s22] =	dma.local [hbm:s5], s20  }
0x9e: {  	_ =	swait.ge [sflag:s22], s20  }
0x9f: {  	s4 =	ssub.s32 $0x0, s20;
	[sflag:s22] =	ssyncset.done $0x0  }
0xa0: {  	[sflag:s22] =	ssyncadd.s32 s4;
	_ =	sdelay $0x1  }
0xa1: {  	s23 =	simm.s32 $0x1B8B  }
0xa2: {  	_ =	swait.ge [sflag:s23], $0x1  }
0xa3: {  	[sflag:s23] =	ssyncset.done $0x0  }
0xa4: {  	s25 =	simm.s32 $0x1B8E;
	s24 =	sld [smem:$0x3FFE];
	[sflag:s23] =	ssyncadd.s32 $0xFFFFFFFF  }
0xa5: {  	s26 =	simm.s32 $execute0_lowered;
	[smem:$0x3FD2] =	sst s25  }
0xa6: {  	s5 =	sshll.u32 s26, $0x1;
	_ =	strace $0x8000004C;
	[dreg:$0x1] =	wrdreg $0xFFFFFFFF  }
0xa7: {  	s28 =	simm.s32 $_size_execute0_lowered;
	s3 =	sadd.s32 s3, s5;
	[dreg:$0x0] =	wrdreg $0x0  }
0xa8: {  	s5 =	sshll.u32 s28, $0x1;
	[dreg:$0x2] =	wrdreg s3  }
0xa9: {  	[dreg:$0x3] =	wrdreg s5  }
0xaa: {  	[dreg:$0x4] =	wrdreg $0xC0  }
0xab: {  	_ =	task [dreg:s7], $0x5FFFF  }
0xac: {  	[dreg:$0x1] =	wrdreg $0xFFFFFFFF  }
0xad: {  	[dreg:$0x0] =	wrdreg $0x60  }
0xae: {  	[dreg:$0x2] =	wrdreg s2  }
0xaf: {  	[dreg:$0x3] =	wrdreg s24  }
0xb0: {  	[dreg:$0x4] =	wrdreg $0x82000  }
0xb1: {  	[dreg:$0x5] =	wrdreg $0x9  }
0xb2: {  	_ =	task.clear_ibuf [dreg:s7], $0x6FFFF;
	_ =	strace $0x9000004C  }
0xb3: {  	s29 =	simm.s32 $0x9;
	_ =	strace $0x8000004E  }
0xb4: {  	_ =	swait.ge [sflag:s29], $0x1  }
0xb5: {  	[sflag:s29] =	ssyncadd.s32 $0xFFFFFFFF  }
0xb6: {  	_ =	strace $0x9000004E  }
0xb7: {  	_ =	sfence  }
0xb8: {  	s30 =	sld [smem:$0x0];
	_ =	sdelay $0x2  }
0xb9: {  	s31 =	sshll.u32 s1, $0xD;
	s1 =	sshrl.u32 s1, $0x2  }
0xba: {  	s3 =	sand.u32 $0x4000, s31;
	s1 =	sadd.s32 s1, s30  }
0xbb: {  	s0 =	sor.u32 s3, s0;
	s1 =	sshll.u32 s1, $0x11  }
0xbc: {  	s0 =	sor.u32 s1, s0  }
0xbd: {  	s0 =	sadd.s32 $0x8F2B, s0  }
0xbe: {  	[sflag:s0] =	ssyncadd.remote.s32 $0x1  }
0xbf: {  	_ =	sfence.sel $0xFFFF  }
0xc0: {  	[dreg:$0x0] =	wrdreg $0xFFFFFFFF;
	(pc) =	sbr.abs _section_cstart, $3  }
0xc1: {  	[dreg:$0x1] =	wrdreg $0xFFFFFFFF  }
0xc2: {  	_ =	task.clear_ibuf [dreg:s7], $0x2FFFF;
	_ =	strace $0x9FFFFFFF  }
0xc3: {  	(tm) =	ssettm $0x7FFFFFFF  }
tec
execute0_lowered:
.L_overlay_start_1:
0x0: {  	(tag) =	ssettag $0x1  }
0x1: {  	s1 =	rddreg [dreg:$0x0]  }
0x2: {  	s8 =	rddreg [dreg:$0x1]  }
0x3: {  	s2 =	rddreg [dreg:$0x2];
	s3 =	srdreg.scid  }
0x4: {  	s0 =	rddreg [dreg:$0x3];
	s4 =	simm.s32 $0x0;
	s16 =	simm.s32 $0x200  }
0x5: {  	s17 =	simm.s32 $0x1;
	s18 =	simm.s32 $0x80;
	s19 =	simm.s32 $0x100  }
0x6: {  	s9 =	sand.u32 $0x1, s3;
	s3 =	stileid.u32;
	[smem:$0x7FF] =	sst s4  }
0x7: {  	s5 =	sadd.s32 $0x65A00, s8;
	s6 =	sadd.s32 $0xBC00, s8;
	s10 =	smul.u32 $0x140000, s9  }
0x8: {  	s7 =	sadd.s32 $0x1E00, s8;
	s11 =	smul.u32 $0x14000, s3;
	_ =	strace $0x8000004D  }
0x9: {  	s29 =	ssub.s32 $0x2, s9;
	s12 =	smul.u32 $0x50000, s3;
	s13 =	sshll.u32 s3, $0x1  }
0xa: {  	s20 =	sshll.u32 s3, $0x6;
	s30 =	sshrl.u32 s29, $0x1;
	s9 =	sor.u32 s9, s13  }
0xb: {  	s20 =	sor.u32 $0x1C01, s20;
	s10 =	sadd.s32 s11, s10;
	s11 =	ssub.s32 s29, s30  }
0xc: {  	s31 =	sshrl.u32 s12, $0x2;
	s9 =	smul.u32 $0x4F, s9;
	s10 =	sshrl.u32 s10, $0x3  }
0xd: {  	s11 =	smax.u32 s11, $0x1;
	s10 =	sadd.s32 s10, s8;
	s8 =	sadd.s32 s31, s2  }
0xe: {  	s10 =	sadd.s32 $0x6F800, s10;
	s12 =	sadd.s32 $0x4000, s8;
	s13 =	sadd.s32 $0x8000, s8  }
0xf: {  	v0 =	vimm.f32 $0.0e+00;
	s14 =	sadd.s32 $0xC000, s8;
	s15 =	sadd.s32 $0x10000, s8;
	s21 =	sshrl.u32 s8, $0x3  }
.LBB2_1:
0x10: {  	s22 =	simm.s32 $0x0;
	s23 =	simm.s32 $0x200  }
.LBB2_2:
0x11: {  	p0 =	sne.s32 s23, $0xFE00;
	[tilespmem:s22+$0x270] =	vst v0  }
0x12: {  	[tilespmem:s22+$0x200] =	vst v0  }
0x13: {  	[tilespmem:s22+$0x210] =	vst v0  }
.Ltmp0:
0x14: {  	[tilespmem:s22+$0x220] =	vst v0;
	(pc) =	sbr.rel @p0 .LBB2_2-.Ltmp0, $4  }
0x15: {  	[tilespmem:s22+$0x230] =	vst v0  }
0x16: {  	[tilespmem:s22+$0x240] =	vst v0  }
0x17: {  	[tilespmem:s22+$0x250] =	vst v0  }
0x18: {  	[tilespmem:s22+$0x260] =	vst v0;
	s22 =	sshra.s32 s23, $0x2;
	s23 =	sadd.s32 $0x200, s23  }
0x19: {  	[tilespmem:s22+$0x270] =	vst v0  }
0x1a: {  	[tilespmem:s22+$0x200] =	vst v0  }
0x1b: {  	[tilespmem:s22+$0x210] =	vst v0  }
0x1c: {  	[tilespmem:s22+$0x220] =	vst v0  }
0x1d: {  	[tilespmem:s22+$0x230] =	vst v0  }
0x1e: {  	[tilespmem:s22+$0x240] =	vst v0  }
0x1f: {  	[tilespmem:s22+$0x250] =	vst v0  }
0x20: {  	[tilespmem:s22+$0x260] =	vst v0  }
0x21: {  	[spmem:s8] =	stream.linear.scatter [tilespmem:s16], [sflag:$0x1], $0x4000, $0x38;
	[tilespmem:$0x1C200] =	vst v63  }
0x22: {  	_ =	swait.ge [sflag:s17], $0x4000  }
0x23: {  	[sflag:s17] =	ssyncset.done $0x0  }
0x24: {  	[sflag:s17] =	ssyncadd.s32 $0xFFFFC000  }
0x25: {  	[spmem:s12] =	stream.linear.scatter [tilespmem:s16], [sflag:$0x1], $0x4000, $0x38;
	[tilespmem:$0x1C200] =	vst v63  }
0x26: {  	_ =	swait.ge [sflag:s17], $0x4000  }
0x27: {  	[sflag:s17] =	ssyncset.done $0x0  }
0x28: {  	[sflag:s17] =	ssyncadd.s32 $0xFFFFC000  }
0x29: {  	[spmem:s13] =	stream.linear.scatter [tilespmem:s16], [sflag:$0x1], $0x4000, $0x38;
	[tilespmem:$0x1C200] =	vst v63  }
0x2a: {  	_ =	swait.ge [sflag:s17], $0x4000  }
0x2b: {  	[sflag:s17] =	ssyncset.done $0x0  }
0x2c: {  	[sflag:s17] =	ssyncadd.s32 $0xFFFFC000  }
0x2d: {  	[spmem:s14] =	stream.linear.scatter [tilespmem:s16], [sflag:$0x1], $0x4000, $0x38;
	[tilespmem:$0x1C200] =	vst v63  }
0x2e: {  	_ =	swait.ge [sflag:s17], $0x4000  }
0x2f: {  	[sflag:s17] =	ssyncset.done $0x0  }
0x30: {  	[sflag:s17] =	ssyncadd.s32 $0xFFFFC000  }
0x31: {  	[spmem:s15] =	stream.linear.scatter [tilespmem:s16], [sflag:$0x1], $0x4000, $0x38;
	[tilespmem:$0x1C200] =	vst v63  }
0x32: {  	_ =	swait.ge [sflag:s17], $0x4000  }
0x33: {  	[sflag:s17] =	ssyncset.done $0x0  }
0x34: {  	[sflag:s17] =	ssyncadd.s32 $0xFFFFC000  }
0x35: {  	s22 =	simm.s32 $0x0;
	s23 =	simm.s32 $0x0;
	[bflag:$0x0] =	sbarrier.arrive $0xFFFF  }
.LBB2_4:
0x36: {  	s24 =	sadd.s32 s9, s23  }
0x37: {  	s24 =	sshll.u32 s24, $0x4  }
0x38: {  	s25 =	sadd.s32 s5, s24  }
0x39: {  	[tilespmem:s22], [sflag:$0x1] =	stream.linear.gather [hbm4b:s25+s22], $0x80, $0x38;
	[tilespmem:$0x1C200] =	vst v63  }
0x3a: {  	_ =	swait.ge [sflag:s17], $0x80  }
0x3b: {  	[sflag:s17] =	ssyncset.done $0x0  }
0x3c: {  	s29 =	sadd.s32 s6, s24;
	[sflag:s17] =	ssyncadd.s32 $0xFFFFFF80  }
0x3d: {  	[tilespmem:s18], [sflag:$0x1] =	stream.linear.gather [hbm4b:s29+s22], $0x80, $0x38;
	[tilespmem:$0x1C200] =	vst v63  }
0x3e: {  	_ =	swait.ge [sflag:s17], $0x80  }
0x3f: {  	[sflag:s17] =	ssyncset.done $0x0  }
0x40: {  	s24 =	sadd.s32 s7, s24;
	[sflag:s17] =	ssyncadd.s32 $0xFFFFFF80  }
0x41: {  	[tilespmem:s19], [sflag:$0x1] =	stream.linear.gather [hbm4b:s24+s22], $0x80, $0x38;
	[tilespmem:$0x1C200] =	vst v63  }
0x42: {  	v1 =	vmov s22;
	_ =	swait.ge [sflag:s17], $0x80  }
0x43: {  	v1 =	vand.u32 $0xFFFFFFFC, v1;
	[sflag:s17] =	ssyncset.done $0x0  }
0x44: {  	v1 =	vbroadcast v1, $0x0;
	[sflag:s17] =	ssyncadd.s32 $0xFFFFFF80  }
0x45: {  	[tilespmem:s16], [sflag:$0x1] =	stream.indirect.gather [hbm4b:s1+s18], $0x80, s22, s18, $0xb8;
	[tilespmem:$0x1C200] =	vst v63  }
0x46: {  	_ =	swait.ge [sflag:s17], $0x4000  }
0x47: {  	[sflag:s17] =	ssyncset.done $0x0  }
0x48: {  	s24 =	simm.s32 $0x300;
	[sflag:s17] =	ssyncadd.s32 $0xFFFFC000  }
0x49: {  	v2 =	vld [tilespmem:s24+$0xFFFFFF70]  }
0x4a: {  	v1 =	vld.idx.msk [tilespmem:v1+s19+$0x0], $0xffff  }
0x4b: {  	v3 =	vld [tilespmem:s24+$0xFFFFFF00]  }
0x4c: {  	v4 =	vld [tilespmem:s24+$0xFFFFFF20]  }
0x4d: {  	v5 =	vld [tilespmem:s24+$0xFFFFFF50]  }
0x4e: {  	v6 =	vld [tilespmem:s24+$0xFFFFFF40]  }
0x4f: {  	v7 =	vld [tilespmem:s24+$0xFFFFFF60];
	v2 =	vmul.f32 v2, v1  }
0x50: {  	s30 =	simm.s32 $0x1;
	v8 =	vld [tilespmem:s24+$0xFFFFFF30];
	v3 =	vmul.f32 v3, v1  }
0x51: {  	v9 =	vld [tilespmem:s24+$0xFFFFFF10];
	v4 =	vmul.f32 v4, v1;
	[tilespmem:s24+$0xFFFFFF70] =	vst v2;
	v2 =	vmov s30  }
0x52: {  	v5 =	vmul.f32 v5, v1;
	[tilespmem:s24+$0xFFFFFF00] =	vst v3;
	v2 =	vand.u32 $0xFFFFFFFD, v2  }
0x53: {  	v3 =	vmul.f32 v6, v1;
	[tilespmem:s24+$0xFFFFFF20] =	vst v4;
	v2 =	vbroadcast v2, $0x0  }
0x54: {  	v4 =	vmul.f32 v7, v1;
	[tilespmem:s24+$0xFFFFFF50] =	vst v5  }
0x55: {  	v5 =	vmul.f32 v8, v1;
	[tilespmem:s24+$0xFFFFFF40] =	vst v3  }
0x56: {  	v1 =	vmul.f32 v9, v1;
	[tilespmem:s24+$0xFFFFFF60] =	vst v4  }
0x57: {  	[tilespmem:s24+$0xFFFFFF30] =	vst v5  }
0x58: {  	[tilespmem:s24+$0xFFFFFF10] =	vst v1;
	v1 =	vld [tilespmem:s24+$0xFFFFFF90]  }
0x59: {  	v3 =	vld.idx.msk [tilespmem:v2+s19+$0x0], $0xffff  }
0x5a: {  	v2 =	vld [tilespmem:s24+$0xFFFFFFA0]  }
0x5b: {  	v4 =	vld [tilespmem:s24+$0xFFFFFF80]  }
0x5c: {  	v5 =	vld [tilespmem:s24+$0xFFFFFFB0]  }
0x5d: {  	v6 =	vld [tilespmem:s24+$0xFFFFFFC0]  }
0x5e: {  	v7 =	vld [tilespmem:s24+$0xFFFFFFD0];
	v1 =	vmul.f32 v1, v3  }
0x5f: {  	s31 =	simm.s32 $0x2;
	v8 =	vld [tilespmem:s24+$0xFFFFFFF0];
	v2 =	vmul.f32 v2, v3  }
0x60: {  	v63 =	vld [tilespmem:s24+$0xFFFFFFE0];
	v4 =	vmul.f32 v4, v3;
	[tilespmem:s24+$0xFFFFFF90] =	vst v1;
	v1 =	vmov s31  }
0x61: {  	v5 =	vmul.f32 v5, v3;
	[tilespmem:s24+$0xFFFFFFA0] =	vst v2;
	v1 =	vand.u32 $0xFFFFFFFE, v1  }
0x62: {  	v2 =	vmul.f32 v6, v3;
	[tilespmem:s24+$0xFFFFFF80] =	vst v4;
	v6 =	vld [tilespmem:s24+$0x60];
	v10 =	vbroadcast v1, $0x0  }
0x63: {  	v4 =	vmul.f32 v7, v3;
	[tilespmem:s24+$0xFFFFFFB0] =	vst v5;
	v7 =	vld [tilespmem:s24+$0x0]  }
0x64: {  	v5 =	vmul.f32 v8, v3;
	v1 =	vld [tilespmem:s24+$0x20];
	[tilespmem:s24+$0xFFFFFFC0] =	vst v2  }
0x65: {  	v3 =	vmul.f32 v63, v3;
	v2 =	vld [tilespmem:s24+$0x30];
	[tilespmem:s24+$0xFFFFFFD0] =	vst v4  }
0x66: {  	[tilespmem:s24+$0xFFFFFFF0] =	vst v5;
	v4 =	vld [tilespmem:s24+$0x40]  }
0x67: {  	[tilespmem:s24+$0xFFFFFFE0] =	vst v3;
	v5 =	vld [tilespmem:s24+$0x10]  }
0x68: {  	s26 =	simm.s32 $0x4;
	s28 =	simm.s32 $0x300;
	s25 =	simm.s32 $0x0;
	v3 =	vld.idx.msk [tilespmem:v10+s19+$0x0], $0xffff  }
.LBB2_5:
0x69: {  	p0 =	sne.s32 s26, $0x7C  }
0x6a: {  	v8 =	vld [tilespmem:s24+$0x50];
	s28 =	sadd.s32 $0x200, s28;
	s29 =	smov.u32 s26;
	s26 =	sadd.s32 $0x4, s26  }
0x6b: {  	v9 =	vld [tilespmem:s24+$0x70];
	_ =	sdelay $0x1  }
0x6c: {  	v6 =	vmul.f32 v6, v3;
	v7 =	vmul.f32 v7, v3  }
0x6d: {  	v4 =	vmul.f32 v4, v3;
	v5 =	vmul.f32 v5, v3  }
0x6e: {  	v1 =	vmul.f32 v1, v3;
	v2 =	vmul.f32 v2, v3;
	[tilespmem:s24+$0x60] =	vst v6  }
0x6f: {  	[tilespmem:s24+$0x40] =	vst v4;
	v4 =	vmul.f32 v8, v3;
	v3 =	vmul.f32 v9, v3  }
0x70: {  	s30 =	sadd.s32 $0x3, s25;
	s25 =	smov.u32 s29;
	[tilespmem:s24+$0x20] =	vst v1;
	v6 =	vld [tilespmem:s24+$0x80]  }
0x71: {  	v1 =	vld [tilespmem:s28+$0x20];
	[tilespmem:s24+$0x0] =	vst v7;
	v7 =	vmov s30  }
0x72: {  	[tilespmem:s24+$0x50] =	vst v4;
	v4 =	vld [tilespmem:s24+$0xE0]  }
0x73: {  	[tilespmem:s24+$0x30] =	vst v2;
	v8 =	vld [tilespmem:s24+$0xC0]  }
0x74: {  	v2 =	vld [tilespmem:s28+$0x30];
	[tilespmem:s24+$0x10] =	vst v5  }
0x75: {  	[tilespmem:s24+$0x70] =	vst v3;
	v3 =	vld [tilespmem:s24+$0xA0]  }
0x76: {  	v5 =	vld.idx.msk [tilespmem:v7+s19+$0x0], $0xffff  }
0x77: {  	v7 =	vld [tilespmem:s24+$0x90]  }
0x78: {  	v9 =	vld [tilespmem:s24+$0xB0]  }
0x79: {  	v10 =	vld [tilespmem:s24+$0xD0]  }
0x7a: {  	v11 =	vld [tilespmem:s24+$0xF0];
	_ =	sdelay $0x1  }
0x7b: {  	v6 =	vmul.f32 v6, v5;
	v7 =	vmul.f32 v7, v5  }
0x7c: {  	v3 =	vmul.f32 v3, v5;
	v9 =	vmul.f32 v9, v5  }
0x7d: {  	v12 =	vmov s25;
	[tilespmem:s24+$0x80] =	vst v6;
	v6 =	vmul.f32 v8, v5;
	v8 =	vmul.f32 v10, v5  }
0x7e: {  	v10 =	vand.u32 $0xFFFFFFFC, v12;
	[tilespmem:s24+$0xA0] =	vst v3;
	v3 =	vmul.f32 v4, v5;
	v4 =	vmul.f32 v11, v5  }
0x7f: {  	v5 =	vbroadcast v10, $0x0;
	[tilespmem:s24+$0xC0] =	vst v6  }
0x80: {  	[tilespmem:s24+$0xF0] =	vst v4  }
0x81: {  	v4 =	vld [tilespmem:s28+$0xFFFFFF40];
	[tilespmem:s24+$0xE0] =	vst v3  }
0x82: {  	v3 =	vld [tilespmem:s28+$0xFFFFFF50];
	[tilespmem:s24+$0x90] =	vst v7  }
0x83: {  	v6 =	vld [tilespmem:s28+$0xFFFFFF60];
	[tilespmem:s24+$0xB0] =	vst v9  }
0x84: {  	v7 =	vld [tilespmem:s28+$0xFFFFFF70];
	[tilespmem:s24+$0xD0] =	vst v8;
	s24 =	smov.u32 s28  }
0x85: {  	v5 =	vld.idx.msk [tilespmem:v5+s19+$0x0], $0xffff  }
0x86: {  	v8 =	vld [tilespmem:s28+$0xFFFFFF00]  }
0x87: {  	v9 =	vld [tilespmem:s28+$0xFFFFFF20]  }
0x88: {  	v10 =	vld [tilespmem:s28+$0xFFFFFF10]  }
0x89: {  	v11 =	vld [tilespmem:s28+$0xFFFFFF30];
	_ =	sdelay $0x1  }
0x8a: {  	v7 =	vmul.f32 v7, v5;
	v8 =	vmul.f32 v8, v5  }
0x8b: {  	s29 =	sadd.s32 $0x1, s25;
	v6 =	vmul.f32 v6, v5;
	v9 =	vmul.f32 v9, v5  }
0x8c: {  	v3 =	vmul.f32 v3, v5;
	v10 =	vmul.f32 v10, v5;
	[tilespmem:s28+$0xFFFFFF70] =	vst v7;
	v7 =	vmov s29  }
0x8d: {  	v4 =	vmul.f32 v4, v5;
	[tilespmem:s28+$0xFFFFFF00] =	vst v8;
	v8 =	vmul.f32 v11, v5;
	v5 =	vand.u32 $0xFFFFFFFD, v7  }
0x8e: {  	[tilespmem:s28+$0xFFFFFF20] =	vst v9;
	v5 =	vbroadcast v5, $0x0  }
0x8f: {  	[tilespmem:s28+$0xFFFFFF50] =	vst v3  }
0x90: {  	[tilespmem:s28+$0xFFFFFF40] =	vst v4;
	v3 =	vld [tilespmem:s28+$0xFFFFFFF0]  }
0x91: {  	[tilespmem:s28+$0xFFFFFF60] =	vst v6;
	v4 =	vld [tilespmem:s28+$0xFFFFFFC0]  }
0x92: {  	[tilespmem:s28+$0xFFFFFF30] =	vst v8;
	v6 =	vld [tilespmem:s28+$0xFFFFFFD0]  }
0x93: {  	[tilespmem:s28+$0xFFFFFF10] =	vst v10;
	v7 =	vld [tilespmem:s28+$0xFFFFFF90]  }
0x94: {  	v5 =	vld.idx.msk [tilespmem:v5+s19+$0x0], $0xffff  }
0x95: {  	v8 =	vld [tilespmem:s28+$0xFFFFFF80]  }
0x96: {  	v9 =	vld [tilespmem:s28+$0xFFFFFFA0]  }
0x97: {  	v10 =	vld [tilespmem:s28+$0xFFFFFFB0]  }
0x98: {  	v11 =	vld [tilespmem:s28+$0xFFFFFFE0];
	_ =	sdelay $0x1  }
0x99: {  	v7 =	vmul.f32 v7, v5;
	v8 =	vmul.f32 v8, v5  }
0x9a: {  	s29 =	sadd.s32 $0x2, s25;
	v6 =	vmul.f32 v6, v5;
	v9 =	vmul.f32 v9, v5  }
0x9b: {  	v4 =	vmul.f32 v4, v5;
	[tilespmem:s28+$0xFFFFFF90] =	vst v7;
	v7 =	vmul.f32 v10, v5;
	v10 =	vmov s29  }
0x9c: {  	v3 =	vmul.f32 v3, v5;
	[tilespmem:s28+$0xFFFFFFA0] =	vst v9;
	v9 =	vmul.f32 v11, v5;
	v5 =	vand.u32 $0xFFFFFFFE, v10  }
0x9d: {  	[tilespmem:s28+$0xFFFFFF80] =	vst v8;
	v5 =	vbroadcast v5, $0x0  }
0x9e: {  	[tilespmem:s28+$0xFFFFFFB0] =	vst v7  }
0x9f: {  	[tilespmem:s28+$0xFFFFFFC0] =	vst v4  }
0xa0: {  	[tilespmem:s28+$0xFFFFFFD0] =	vst v6  }
.Ltmp1:
0xa1: {  	[tilespmem:s28+$0xFFFFFFF0] =	vst v3;
	v4 =	vld [tilespmem:s28+$0x40];
	(pc) =	sbr.rel @p0 .LBB2_5-.Ltmp1, $4  }
0xa2: {  	[tilespmem:s28+$0xFFFFFFE0] =	vst v9;
	v6 =	vld [tilespmem:s28+$0x60]  }
0xa3: {  	v3 =	vld.idx.msk [tilespmem:v5+s19+$0x0], $0xffff  }
0xa4: {  	v7 =	vld [tilespmem:s28+$0x0]  }
0xa5: {  	v5 =	vld [tilespmem:s28+$0x10]  }
0xa6: {  	_ =	sdelay $0x1  }
0xa7: {  	v6 =	vmul.f32 v6, v3  }
0xa8: {  	v8 =	vld [tilespmem:s24+$0x50];
	v4 =	vmul.f32 v4, v3  }
0xa9: {  	v9 =	vld [tilespmem:s24+$0x70];
	v1 =	vmul.f32 v1, v3;
	[tilespmem:s24+$0x60] =	vst v6  }
0xaa: {  	v54 =	vmul.f32 v7, v3;
	[tilespmem:s24+$0x40] =	vst v4  }
0xab: {  	s25 =	sadd.s32 $0x3, s25;
	[tilespmem:s24+$0x20] =	vst v1;
	v1 =	vmul.f32 v2, v3  }
0xac: {  	v56 =	vmov s25;
	v5 =	vmul.f32 v5, v3;
	[tilespmem:s24+$0x0] =	vst v54  }
0xad: {  	v55 =	vmul.f32 v8, v3;
	[tilespmem:s24+$0x30] =	vst v1  }
0xae: {  	v3 =	vmul.f32 v9, v3;
	[tilespmem:s24+$0x10] =	vst v5  }
0xaf: {  	[tilespmem:s24+$0x50] =	vst v55  }
0xb0: {  	v2 =	vld [tilespmem:s24+$0x80];
	[tilespmem:s24+$0x70] =	vst v3  }
0xb1: {  	v1 =	vld.idx.msk [tilespmem:v56+s19+$0x0], $0xffff  }
0xb2: {  	v3 =	vld [tilespmem:s24+$0xA0]  }
0xb3: {  	v59 =	vld [tilespmem:s24+$0xE0]  }
0xb4: {  	v57 =	vld [tilespmem:s24+$0xC0]  }
0xb5: {  	v58 =	vld [tilespmem:s24+$0xF0]  }
0xb6: {  	v60 =	vld [tilespmem:s24+$0x90];
	v2 =	vmul.f32 v2, v1  }
0xb7: {  	v61 =	vld [tilespmem:s24+$0xB0];
	v3 =	vmul.f32 v3, v1  }
0xb8: {  	v62 =	vld [tilespmem:s24+$0xD0];
	v63 =	vmul.f32 v59, v1;
	[tilespmem:s24+$0x80] =	vst v2  }
0xb9: {  	v2 =	vmul.f32 v57, v1;
	[tilespmem:s24+$0xA0] =	vst v3  }
0xba: {  	v3 =	vmul.f32 v58, v1;
	[tilespmem:s24+$0xE0] =	vst v63  }
0xbb: {  	[tilespmem:s24+$0xC0] =	vst v2;
	v2 =	vmul.f32 v60, v1  }
0xbc: {  	[tilespmem:s24+$0xF0] =	vst v3;
	v3 =	vmul.f32 v61, v1  }
0xbd: {  	s23 =	sadd.s32 $0x1, s23;
	v1 =	vmul.f32 v62, v1;
	[tilespmem:s24+$0x90] =	vst v2  }
0xbe: {  	p0 =	sne.s32 s23, $0x4F;
	[tilespmem:s24+$0xB0] =	vst v3  }
.Ltmp2:
0xbf: {  	[tilespmem:s24+$0xD0] =	vst v1;
	(pc) =	sbr.rel @p0 .LBB2_4-.Ltmp2, $4  }
0xc0: {  	[spmem:s2] =	stream.indirect.scatter.add.f32 [tilespmem:s16], [sflag:$0x1], $0x80, s18, s18, $0xb8;
	[tilespmem:$0x1C200] =	vst v63  }
0xc1: {  	_ =	swait.ge [sflag:s17], $0x4000  }
0xc2: {  	[sflag:s17] =	ssyncset.done $0x0  }
0xc3: {  	[sflag:s17] =	ssyncadd.s32 $0xFFFFC000  }
0xc4: {  	s4 =	sadd.s32 $0x1, s4  }
0xc5: {  	p0 =	sne.s32 s4, s11  }
.Ltmp3:
0xc6: {  	[bflag:$0x0] =	sbarrier.arrive $0xFFFF;
	(pc) =	sbr.rel @p0 .LBB2_1-.Ltmp3, $4  }
0xc7: {  	[hbm:s10], [sflag:s20] =	dma.local [spmem:s21], $0x2800  }
0xc8: {  	_ =	swait.ge [sflag:s17], $0x2800  }
0xc9: {  	[sflag:s17] =	ssyncset.done $0x0  }
0xca: {  	[sflag:s17] =	ssyncadd.s32 $0xFFFFD800  }
0xcb: {  	_ =	sfence.sel $0x180000  }
0xcc: {  	[bflag:$0x0] =	sbarrier.arrive $0xFFFF  }
0xcd: {  	p0 =	sne.s32 s3, $0x0;
	_ =	strace $0x9000004D  }
0xce: {  	s0 =	sadd.s32 @!p0 $0x100000, s0;
	[bflag:$0x2] =	sbarrier.arrive $0xFFFF  }
0xcf: {  	[sflag:s0] =	ssyncadd.tile.s32 @!p0 $0x1;
	_ =	shalt  }
.Lfunc_end2:
_tile_overlayer_lowered:
.L_overlay_start_2:
0xd0: {  	(tag) =	ssettag $0x2  }
0xd1: {  	s0 =	rddreg [dreg:$0x0];
	s2 =	stileid.u32  }
0xd2: {  	s1 =	rddreg [dreg:$0x1];
	p0 =	sne.s32 s2, $0x0  }
0xd3: {  	s3 =	rddreg [dreg:$0x2];
	[bflag:$0x3] =	sbarrier.arrive $0xFFFF;
	s2 =	simm.s32 @!p0 $0x1C01  }
0xd4: {  	[timem:s3], [sflag:s2] =	dma.local @!p0 [hbm:s0], s1  }
0xd5: {  	s0 =	simm.s32 @!p0 $0x1  }
0xd6: {  	_ =	swait.ge @!p0 [sflag:s0], s1  }
0xd7: {  	s1 =	ssub.s32 @!p0 $0x0, s1;
	[sflag:s0] =	ssyncset.done @!p0 $0x0  }
0xd8: {  	[sflag:s0] =	ssyncadd.s32 @!p0 s1  }
0xd9: {  	[bflag:$0x3] =	sbarrier.arrive $0xFFFF  }
0xda: {  	_ =	shalt  }

// kernel: kernel.8.cloned.1.call-start
scs
__scs_entry_jumppad:
0x0: {  	(pc) =	sbr.rel $0x88, $3  }
0x1: {  	(tag) =	ssettag $0x0;
	lr =	simm.s32 $0x1  }
0x2: {  	[smem:$0x3F9A] =	sst lr;
	_ =	strace $0xD0000000  }
0x3: {  	_ = 	snop  }
0x4: {  	_ = 	snop  }
0x5: {  	_ = 	snop  }
0x6: {  	_ = 	snop  }
0x7: {  	_ = 	snop  }
__scs_overlays_trampoline_lowered:
0x8: {  	[smem:$0x3FA9] =	sst s0  }
0x9: {  	[smem:$0x3FAA] =	sst s1  }
0xa: {  	[smem:$0x3FAB] =	sst s2  }
0xb: {  	[smem:$0x3FAC] =	sst s3  }
0xc: {  	[smem:$0x3FAD] =	sst s4  }
0xd: {  	[smem:$0x3FAE] =	sst s5  }
0xe: {  	[smem:$0x3FAF] =	sst s6  }
0xf: {  	[smem:$0x3FB0] =	sst s7  }
0x10: {  	[smem:$0x3FB1] =	sst s8  }
0x11: {  	[smem:$0x3FB2] =	sst s9;
	s0 =	simm.s32 @!p0 $0x0  }
0x12: {  	s1 =	sld [smem:$0x3F98];
	s0 =	simm.s32 @p0 $0x1  }
0x13: {  	[smem:$0x3FB3] =	sst s0;
	s0 =	simm.s32 @!p1 $0x0  }
0x14: {  	s2 =	sld [smem:$0x3F97];
	s0 =	simm.s32 @p1 $0x1  }
0x15: {  	[smem:$0x3FB4] =	sst s0;
	s0 =	simm.s32 @!p2 $0x0  }
0x16: {  	s3 =	sld [smem:$0x3FDB];
	s0 =	simm.s32 @p2 $0x1  }
0x17: {  	s4 =	simm.s32 $0x1BF5;
	[smem:$0x3FB6] =	sst s0  }
0x18: {  	s0 =	sld [smem:$0x3F99];
	_ =	swait.ge [sflag:s4], $0x0  }
0x19: {  	s7 =	sld [smem:$0x3F9A]  }
0x1a: {  	s8 =	sadd.s32 $0xFFFFE003, lr  }
0x1b: {  	s9 =	sadd.s32 $0xFFFFFEF7, lr;
	s5 =	simm.s32 $0xFFFFFFFF;
	p2 =	slt.u32 s8, $0xFFFFF086  }
0x1c: {  	p1 =	slt.u32 s9, $0xF7A;
	s5 =	simm.s32 @!p2 $0x0  }
0x1d: {  	s5 =	simm.s32 @p1 $0x1;
	p0 =	seq.s32 s7, s2  }
0x1e: {  	s7 =	smul.u32 @!p0 $0xF7A, s2;
	p2 =	seq.s32 @!p0 s5, $0x0  }
0x1f: {  	s9 =	smul.u32 $0xF7A, s1;
	s8 =	simm.s32 @!p0 $0x1BF5;
	p2 =	por !p2, p0  }
0x20: {  	[sflag:s8] =	ssyncset.s32 @!p0 $0xFFFFF086;
	s6 =	sadd.s32 @!p0 s3, s7;
	s7 =	simm.s32 @!p0 $0x108  }
0x21: {  	s3 =	sadd.s32 s3, s9;
	s6 =	sadd.s32 @!p0 $0x88, s6;
	s7 =	simm.s32 @p2 $0x1082  }
0x22: {  	[simem:s7], [sflag:s8] =	dma.local @!p0 [hbm:s6], $0xF7A  }
0x23: {  	s9 =	sor.u32 $0xD0000000, s2;
	s6 =	simm.s32 $0x108;
	_ =	swait.ge @!p0 [sflag:s8], $0x0  }
0x24: {  	s3 =	sadd.s32 $0x88, s3;
	s6 =	simm.s32 @!p1 $0x1082;
	[sflag:s4] =	ssyncset.s32 $0xFFFFF086  }
0x25: {  	[simem:s6], [sflag:s4] =	dma.local [hbm:s3], $0xF7A  }
0x26: {  	[smem:$0x3F9A] =	sst s1;
	(tag) =	ssettag s2;
	_ =	strace s9  }
0x27: {  	s1 =	sld [smem:$0x3FAA]  }
0x28: {  	s2 =	sld [smem:$0x3FAB]  }
0x29: {  	s4 =	sld [smem:$0x3FAD]  }
0x2a: {  	p0 =	seq.s32 s5, $0x0;
	s5 =	sld [smem:$0x3FAE]  }
0x2b: {  	s6 =	sld [smem:$0x3FAF]  }
0x2c: {  	s7 =	sld [smem:$0x3FB0]  }
0x2d: {  	s3 =	simm.s32 $0x108;
	s8 =	sld [smem:$0x3FB1]  }
0x2e: {  	s3 =	simm.s32 @!p0 $0x1082;
	s9 =	sld [smem:$0x3FB2]  }
0x2f: {  	lr =	sadd.s32 s0, s3;
	s0 =	sld [smem:$0x3FA9]  }
0x30: {  	s3 =	sld [smem:$0x3FAC]  }
0x31: {  	[smem:$0x3FB5] =	sst s10  }
0x32: {  	s10 =	sld [smem:$0x3FB3];
	_ =	sdelay $0x3  }
0x33: {  	p0 =	seq.s32 s10, $0x1;
	s10 =	sld [smem:$0x3FB5];
	_ =	sdelay $0x3  }
0x34: {  	[smem:$0x3FB5] =	sst s10  }
0x35: {  	s10 =	sld [smem:$0x3FB4];
	_ =	sdelay $0x3  }
0x36: {  	p1 =	seq.s32 s10, $0x1;
	s10 =	sld [smem:$0x3FB5];
	_ =	sdelay $0x3  }
0x37: {  	[smem:$0x3FB5] =	sst s10  }
0x38: {  	s10 =	sld [smem:$0x3FB6]  }
0x39: {  	_ = 	snop;
	(pc) =	sbr.ind lr, $3  }
0x3a: {  	_ = 	snop  }
0x3b: {  	_ = 	snop  }
0x3c: {  	p2 =	seq.s32 s10, $0x1;
	s10 =	sld [smem:$0x3FB5]  }
0x3d: {  	_ =	shalt  }
0x3e: {  	_ =	shalt  }
0x3f: {  	_ =	shalt  }
0x40: {  	_ =	shalt  }
0x41: {  	_ =	shalt  }
0x42: {  	_ =	shalt  }
0x43: {  	_ =	shalt  }
0x44: {  	_ =	shalt  }
0x45: {  	_ =	shalt  }
0x46: {  	_ =	shalt  }
0x47: {  	_ =	shalt  }
0x48: {  	_ =	shalt  }
0x49: {  	_ =	shalt  }
0x4a: {  	_ =	shalt  }
0x4b: {  	_ =	shalt  }
0x4c: {  	_ =	shalt  }
0x4d: {  	_ =	shalt  }
0x4e: {  	_ =	shalt  }
0x4f: {  	_ =	shalt  }
0x50: {  	_ =	shalt  }
0x51: {  	_ =	shalt  }
0x52: {  	_ =	shalt  }
0x53: {  	_ =	shalt  }
0x54: {  	_ =	shalt  }
0x55: {  	_ =	shalt  }
0x56: {  	_ =	shalt  }
0x57: {  	_ =	shalt  }
0x58: {  	_ =	shalt  }
0x59: {  	_ =	shalt  }
0x5a: {  	_ =	shalt  }
0x5b: {  	_ =	shalt  }
0x5c: {  	_ =	shalt  }
0x5d: {  	_ =	shalt  }
0x5e: {  	_ =	shalt  }
0x5f: {  	_ =	shalt  }
0x60: {  	_ =	shalt  }
0x61: {  	_ =	shalt  }
0x62: {  	_ =	shalt  }
0x63: {  	_ =	shalt  }
0x64: {  	_ =	shalt  }
0x65: {  	_ =	shalt  }
0x66: {  	_ =	shalt  }
0x67: {  	_ =	shalt  }
0x68: {  	_ =	shalt  }
0x69: {  	_ =	shalt  }
0x6a: {  	_ =	shalt  }
0x6b: {  	_ =	shalt  }
0x6c: {  	_ =	shalt  }
0x6d: {  	_ =	shalt  }
0x6e: {  	_ =	shalt  }
0x6f: {  	_ =	shalt  }
0x70: {  	_ =	shalt  }
0x71: {  	_ =	shalt  }
0x72: {  	_ =	shalt  }
0x73: {  	_ =	shalt  }
0x74: {  	_ =	shalt  }
0x75: {  	_ =	shalt  }
0x76: {  	_ =	shalt  }
0x77: {  	_ =	shalt  }
0x78: {  	_ =	shalt  }
0x79: {  	_ =	shalt  }
0x7a: {  	_ =	shalt  }
0x7b: {  	_ =	shalt  }
0x7c: {  	_ =	shalt  }
0x7d: {  	_ =	shalt  }
0x7e: {  	_ =	shalt  }
0x7f: {  	_ =	shalt  }
0x80: {  	_ =	shalt  }
0x81: {  	_ =	shalt  }
0x82: {  	_ =	shalt  }
0x83: {  	_ =	shalt  }
0x84: {  	_ =	shalt  }
0x85: {  	_ =	shalt  }
0x86: {  	_ =	shalt  }
0x87: {  	_ =	shalt  }
.Lfunc_end0:
.L_simem_size_0:
called_computation_lowered:
.L_overlay_start_0:
0x88: {  	s2 =	sld [smem:$0x3FD9]  }
0x89: {  	s3 =	sld [smem:$0x3FFE];
	_ =	sdelay $0x1  }
0x8a: {  	s1 =	srdreg.scid  }
0x8b: {  	s0 =	sand.u32 $0x1, s1  }
0x8c: {  	s16 =	sshll.u32 s0, $0xA;
	s2 =	sadd.s32 s3, s2  }
0x8d: {  	s2 =	sadd.s32 s2, s16  }
0x8e: {  	[smem:$0x3FC1] =	sst s2  }
0x8f: {  	_ = 	snop  }
0x90: {  	(tm) =	ssettm $0x1  }
0x91: {  	s17 =	sld [smem:$0x3FFB];
	_ =	sdelay $0x3  }
0x92: {  	_ =	strace s17  }
0x93: {  	s2 =	sld [smem:$0x3FFC];
	_ =	sdelay $0x3  }
0x94: {  	_ =	strace s2  }
0x95: {  	s2 =	sld [smem:$0x3FFD];
	_ =	sdelay $0x3  }
0x96: {  	_ =	strace s2  }
0x97: {  	_ =	strace $0x8FFFFFFF  }
0x98: {  	s18 =	sld [smem:$0x3FDB];
	_ =	sdelay $0x1  }
0x99: {  	s19 =	simm.s32 $_scs_section_size  }
0x9a: {  	s4 =	simm.s32 $_size__tile_overlayer_lowered;
	s5 =	simm.s32 $_tile_overlayer_lowered  }
0x9b: {  	s22 =	simm.s32 $0x1BFF;
	s21 =	sshll.u32 s5, $0x1;
	s2 =	sadd.s32 s19, s18  }
0x9c: {  	s6 =	simm.s32 $0x0;
	s20 =	sshll.u32 s4, $0x1;
	s4 =	sadd.s32 s21, s2  }
0x9d: {  	[timem:s6], [sflag:s22] =	dma.local [hbm:s4], s20  }
0x9e: {  	_ =	swait.ge [sflag:s22], s20  }
0x9f: {  	s3 =	ssub.s32 $0x0, s20;
	[sflag:s22] =	ssyncset.done $0x0  }
0xa0: {  	[sflag:s22] =	ssyncadd.s32 s3;
	_ =	sdelay $0x1  }
0xa1: {  	s23 =	simm.s32 $0x1B8B  }
0xa2: {  	_ =	swait.ge [sflag:s23], $0x1  }
0xa3: {  	[sflag:s23] =	ssyncset.done $0x0  }
0xa4: {  	s25 =	simm.s32 $0x1B8E;
	s24 =	sld [smem:$0x3FFE];
	[sflag:s23] =	ssyncadd.s32 $0xFFFFFFFF  }
0xa5: {  	s26 =	simm.s32 $execute0_lowered;
	[smem:$0x3FD2] =	sst s25  }
0xa6: {  	s4 =	sshll.u32 s26, $0x1;
	_ =	strace $0x80000046;
	[dreg:$0x1] =	wrdreg $0xFFFFFFFF  }
0xa7: {  	s28 =	simm.s32 $_size_execute0_lowered;
	s2 =	sadd.s32 s2, s4;
	[dreg:$0x0] =	wrdreg $0x0  }
0xa8: {  	s4 =	sshll.u32 s28, $0x1;
	[dreg:$0x2] =	wrdreg s2  }
0xa9: {  	[dreg:$0x3] =	wrdreg s4  }
0xaa: {  	[dreg:$0x4] =	wrdreg $0xC0  }
0xab: {  	_ =	task [dreg:s6], $0x5FFFF  }
0xac: {  	[dreg:$0x1] =	wrdreg $0xFFFFFFFF  }
0xad: {  	[dreg:$0x0] =	wrdreg $0x60  }
0xae: {  	[dreg:$0x2] =	wrdreg s24  }
0xaf: {  	[dreg:$0x3] =	wrdreg $0x41000  }
0xb0: {  	[dreg:$0x4] =	wrdreg $0x9  }
0xb1: {  	_ =	task.clear_ibuf [dreg:s6], $0x5FFFF;
	_ =	strace $0x90000046  }
0xb2: {  	s29 =	simm.s32 $0x9;
	_ =	strace $0x80000048  }
0xb3: {  	_ =	swait.ge [sflag:s29], $0x1  }
0xb4: {  	[sflag:s29] =	ssyncadd.s32 $0xFFFFFFFF  }
0xb5: {  	_ =	strace $0x90000048  }
0xb6: {  	_ =	sfence  }
0xb7: {  	s30 =	sld [smem:$0x0];
	_ =	sdelay $0x2  }
0xb8: {  	s31 =	sshll.u32 s1, $0xD;
	s1 =	sshrl.u32 s1, $0x2  }
0xb9: {  	s3 =	sand.u32 $0x4000, s31;
	s1 =	sadd.s32 s1, s30  }
0xba: {  	s0 =	sor.u32 s3, s0;
	s1 =	sshll.u32 s1, $0x11  }
0xbb: {  	s0 =	sor.u32 s1, s0  }
0xbc: {  	s0 =	sadd.s32 $0x8F2B, s0  }
0xbd: {  	[sflag:s0] =	ssyncadd.remote.s32 $0x1  }
0xbe: {  	_ =	sfence.sel $0xFFFF  }
0xbf: {  	[dreg:$0x0] =	wrdreg $0xFFFFFFFF;
	(pc) =	sbr.abs _section_cstart, $3  }
0xc0: {  	[dreg:$0x1] =	wrdreg $0xFFFFFFFF  }
0xc1: {  	_ =	task.clear_ibuf [dreg:s6], $0x2FFFF;
	_ =	strace $0x9FFFFFFF  }
0xc2: {  	(tm) =	ssettm $0x7FFFFFFF  }
0xc3: {  	_ =	shalt  }
tec
execute0_lowered:
.L_overlay_start_1:
0x0: {  	(tag) =	ssettag $0x1  }
0x1: {  	s6 =	rddreg [dreg:$0x0]  }
0x2: {  	s1 =	rddreg [dreg:$0x1]  }
0x3: {  	s2 =	srdreg.scid;
	s0 =	rddreg [dreg:$0x2];
	s3 =	simm.s32 $0x0  }
0x4: {  	s14 =	simm.s32 $0x100;
	s15 =	simm.s32 $0x1;
	s16 =	simm.s32 $0x80  }
0x5: {  	s19 =	simm.s32 $0x0;
	s7 =	sand.u32 $0x1, s2;
	s2 =	stileid.u32  }
0x6: {  	[smem:$0x7FF] =	sst s3;
	s4 =	sadd.s32 $0xBC00, s6;
	s8 =	smul.u32 $0x140000, s7  }
0x7: {  	s5 =	sadd.s32 $0x1E00, s6;
	s9 =	smul.u32 $0x14000, s2;
	_ =	strace $0x80000047  }
0x8: {  	s29 =	ssub.s32 $0x2, s7;
	s10 =	smul.u32 $0x50000, s2;
	s11 =	sshll.u32 s2, $0x1  }
0x9: {  	s17 =	sshll.u32 s2, $0x6;
	s30 =	sshrl.u32 s29, $0x1;
	s7 =	sor.u32 s7, s11  }
0xa: {  	s17 =	sor.u32 $0x1C01, s17;
	s8 =	sadd.s32 s9, s8;
	s9 =	ssub.s32 s29, s30  }
0xb: {  	s31 =	sshrl.u32 s10, $0x2;
	s7 =	smul.u32 $0x4F, s7;
	s8 =	sshrl.u32 s8, $0x3  }
0xc: {  	s9 =	smax.u32 s9, $0x1;
	s8 =	sadd.s32 s8, s6;
	s6 =	sadd.s32 s31, s1  }
0xd: {  	s8 =	sadd.s32 $0x15A00, s8;
	s10 =	sadd.s32 $0x4000, s6;
	s11 =	sadd.s32 $0x8000, s6  }
0xe: {  	v0 =	vimm.f32 $0.0e+00;
	s12 =	sadd.s32 $0xC000, s6;
	s13 =	sadd.s32 $0x10000, s6;
	s18 =	sshrl.u32 s6, $0x3  }
.LBB2_1:
0xf: {  	s20 =	simm.s32 $0x0;
	s21 =	simm.s32 $0x200  }
.LBB2_2:
0x10: {  	p0 =	sne.s32 s21, $0xFE00;
	[tilespmem:s20+$0x170] =	vst v0  }
0x11: {  	[tilespmem:s20+$0x100] =	vst v0  }
0x12: {  	[tilespmem:s20+$0x110] =	vst v0  }
.Ltmp0:
0x13: {  	[tilespmem:s20+$0x120] =	vst v0;
	(pc) =	sbr.rel @p0 .LBB2_2-.Ltmp0, $4  }
0x14: {  	[tilespmem:s20+$0x130] =	vst v0  }
0x15: {  	[tilespmem:s20+$0x140] =	vst v0  }
0x16: {  	[tilespmem:s20+$0x150] =	vst v0  }
0x17: {  	[tilespmem:s20+$0x160] =	vst v0;
	s20 =	sshra.s32 s21, $0x2;
	s21 =	sadd.s32 $0x200, s21  }
0x18: {  	[tilespmem:s20+$0x170] =	vst v0  }
0x19: {  	[tilespmem:s20+$0x100] =	vst v0  }
0x1a: {  	[tilespmem:s20+$0x110] =	vst v0  }
0x1b: {  	[tilespmem:s20+$0x120] =	vst v0  }
0x1c: {  	[tilespmem:s20+$0x130] =	vst v0  }
0x1d: {  	[tilespmem:s20+$0x140] =	vst v0  }
0x1e: {  	[tilespmem:s20+$0x150] =	vst v0  }
0x1f: {  	[tilespmem:s20+$0x160] =	vst v0  }
0x20: {  	[spmem:s6] =	stream.linear.scatter [tilespmem:s14], [sflag:$0x1], $0x4000, $0x38;
	[tilespmem:$0x18100] =	vst v63  }
0x21: {  	_ =	swait.ge [sflag:s15], $0x4000  }
0x22: {  	[sflag:s15] =	ssyncset.done $0x0  }
0x23: {  	[sflag:s15] =	ssyncadd.s32 $0xFFFFC000  }
0x24: {  	[spmem:s10] =	stream.linear.scatter [tilespmem:s14], [sflag:$0x1], $0x4000, $0x38;
	[tilespmem:$0x18100] =	vst v63  }
0x25: {  	_ =	swait.ge [sflag:s15], $0x4000  }
0x26: {  	[sflag:s15] =	ssyncset.done $0x0  }
0x27: {  	[sflag:s15] =	ssyncadd.s32 $0xFFFFC000  }
0x28: {  	[spmem:s11] =	stream.linear.scatter [tilespmem:s14], [sflag:$0x1], $0x4000, $0x38;
	[tilespmem:$0x18100] =	vst v63  }
0x29: {  	_ =	swait.ge [sflag:s15], $0x4000  }
0x2a: {  	[sflag:s15] =	ssyncset.done $0x0  }
0x2b: {  	[sflag:s15] =	ssyncadd.s32 $0xFFFFC000  }
0x2c: {  	[spmem:s12] =	stream.linear.scatter [tilespmem:s14], [sflag:$0x1], $0x4000, $0x38;
	[tilespmem:$0x18100] =	vst v63  }
0x2d: {  	_ =	swait.ge [sflag:s15], $0x4000  }
0x2e: {  	[sflag:s15] =	ssyncset.done $0x0  }
0x2f: {  	[sflag:s15] =	ssyncadd.s32 $0xFFFFC000  }
0x30: {  	[spmem:s13] =	stream.linear.scatter [tilespmem:s14], [sflag:$0x1], $0x4000, $0x38;
	[tilespmem:$0x18100] =	vst v63  }
0x31: {  	_ =	swait.ge [sflag:s15], $0x4000  }
0x32: {  	[sflag:s15] =	ssyncset.done $0x0  }
0x33: {  	[sflag:s15] =	ssyncadd.s32 $0xFFFFC000  }
0x34: {  	s20 =	simm.s32 $0x0;
	s21 =	simm.s32 $0x0;
	[bflag:$0x0] =	sbarrier.arrive $0xFFFF  }
.LBB2_4:
0x35: {  	s22 =	sadd.s32 s7, s21  }
0x36: {  	s22 =	sshll.u32 s22, $0x4  }
0x37: {  	s23 =	sadd.s32 s4, s22  }
0x38: {  	v1 =	vmov s20;
	[tilespmem:s20], [sflag:$0x1] =	stream.linear.gather [hbm4b:s23+s20], $0x80, $0x38;
	[tilespmem:$0x18100] =	vst v63  }
0x39: {  	v1 =	vand.u32 $0xFFFFFFFC, v1;
	_ =	swait.ge [sflag:s15], $0x80  }
0x3a: {  	v1 =	vbroadcast v1, $0x0;
	[sflag:s15] =	ssyncset.done $0x0  }
0x3b: {  	s22 =	sadd.s32 s5, s22;
	[sflag:s15] =	ssyncadd.s32 $0xFFFFFF80  }
0x3c: {  	[tilespmem:s16], [sflag:$0x1] =	stream.linear.gather [hbm4b:s22+s20], $0x80, $0x38;
	[tilespmem:$0x18100] =	vst v63  }
0x3d: {  	_ =	swait.ge [sflag:s15], $0x80  }
0x3e: {  	[sflag:s15] =	ssyncset.done $0x0  }
0x3f: {  	[sflag:s15] =	ssyncadd.s32 $0xFFFFFF80  }
0x40: {  	v1 =	vld.idx.msk [tilespmem:v1+s16+$0x0], $0xffff;
	_ =	sdelay $0x3  }
0x41: {  	s24 =	simm.s32 $0x200;
	s29 =	simm.s32 $0x1  }
0x42: {  	v2 =	vmov s29;
	[tilespmem:s24+$0xFFFFFF60] =	vst v1  }
0x43: {  	v2 =	vand.u32 $0xFFFFFFFD, v2;
	[tilespmem:s24+$0xFFFFFF70] =	vst v1  }
0x44: {  	v2 =	vbroadcast v2, $0x0;
	[tilespmem:s24+$0xFFFFFF50] =	vst v1  }
0x45: {  	[tilespmem:s24+$0xFFFFFF40] =	vst v1  }
0x46: {  	[tilespmem:s24+$0xFFFFFF30] =	vst v1  }
0x47: {  	[tilespmem:s24+$0xFFFFFF20] =	vst v1  }
0x48: {  	[tilespmem:s24+$0xFFFFFF00] =	vst v1  }
0x49: {  	[tilespmem:s24+$0xFFFFFF10] =	vst v1  }
0x4a: {  	v1 =	vld.idx.msk [tilespmem:v2+s16+$0x0], $0xffff;
	_ =	sdelay $0x3  }
0x4b: {  	s30 =	simm.s32 $0x2  }
0x4c: {  	v2 =	vmov s30;
	[tilespmem:s24+$0xFFFFFFF0] =	vst v1  }
0x4d: {  	v2 =	vand.u32 $0xFFFFFFFE, v2;
	[tilespmem:s24+$0xFFFFFFB0] =	vst v1  }
0x4e: {  	v2 =	vbroadcast v2, $0x0;
	[tilespmem:s24+$0xFFFFFFE0] =	vst v1  }
0x4f: {  	[tilespmem:s24+$0xFFFFFFD0] =	vst v1  }
0x50: {  	[tilespmem:s24+$0xFFFFFFC0] =	vst v1  }
0x51: {  	[tilespmem:s24+$0xFFFFFFA0] =	vst v1  }
0x52: {  	[tilespmem:s24+$0xFFFFFF80] =	vst v1  }
0x53: {  	[tilespmem:s24+$0xFFFFFF90] =	vst v1  }
0x54: {  	v2 =	vld.idx.msk [tilespmem:v2+s16+$0x0], $0xffff;
	_ =	sdelay $0x4  }
0x55: {  	[tilespmem:s24+$0x70] =	vst v2  }
0x56: {  	[tilespmem:s24+$0x20] =	vst v2  }
0x57: {  	s23 =	simm.s32 $0x4;
	[tilespmem:s24+$0x60] =	vst v2  }
0x58: {  	s31 =	simm.s32 $0x3;
	v1 =	vmov s23;
	[tilespmem:s24+$0x50] =	vst v2  }
0x59: {  	v3 =	vmov s31;
	v1 =	vand.u32 $0xFFFFFFFC, v1;
	[tilespmem:s24+$0x40] =	vst v2  }
0x5a: {  	s25 =	simm.s32 $0x8;
	s26 =	simm.s32 $0x400;
	s22 =	simm.s32 $0x400;
	v1 =	vbroadcast v1, $0x0;
	[tilespmem:s24+$0x0] =	vst v2  }
.LBB2_5:
0x5b: {  	p0 =	sne.s32 s25, $0x7C  }
0x5c: {  	s26 =	sadd.s32 $0x200, s26;
	[tilespmem:s24+$0x10] =	vst v2;
	s28 =	smov.u32 s25;
	s25 =	sadd.s32 $0x4, s25  }
0x5d: {  	[tilespmem:s24+$0x30] =	vst v2  }
0x5e: {  	v2 =	vld.idx.msk [tilespmem:v3+s16+$0x0], $0xffff;
	_ =	sdelay $0x5  }
0x5f: {  	[tilespmem:s24+$0x80] =	vst v2  }
0x60: {  	[tilespmem:s24+$0x90] =	vst v2  }
0x61: {  	[tilespmem:s24+$0xA0] =	vst v2  }
0x62: {  	[tilespmem:s24+$0xB0] =	vst v2  }
0x63: {  	[tilespmem:s24+$0xC0] =	vst v2  }
0x64: {  	[tilespmem:s24+$0xD0] =	vst v2  }
0x65: {  	[tilespmem:s24+$0xE0] =	vst v2  }
0x66: {  	[tilespmem:s24+$0xF0] =	vst v2;
	s24 =	smov.u32 s22;
	s22 =	smov.u32 s26;
	_ =	sdelay $0x2  }
0x67: {  	v2 =	vld.idx.msk [tilespmem:v1+s16+$0x0], $0xffff;
	_ =	sdelay $0x4  }
0x68: {  	s29 =	sadd.s32 $0x1, s23;
	v1 =	vmov s28  }
0x69: {  	v3 =	vmov s29;
	v1 =	vand.u32 $0xFFFFFFFC, v1;
	[tilespmem:s24+$0xFFFFFF60] =	vst v2  }
0x6a: {  	v3 =	vand.u32 $0xFFFFFFFD, v3;
	v1 =	vbroadcast v1, $0x0;
	[tilespmem:s24+$0xFFFFFF70] =	vst v2  }
0x6b: {  	v3 =	vbroadcast v3, $0x0;
	[tilespmem:s24+$0xFFFFFF50] =	vst v2  }
0x6c: {  	[tilespmem:s24+$0xFFFFFF40] =	vst v2  }
0x6d: {  	[tilespmem:s24+$0xFFFFFF30] =	vst v2  }
0x6e: {  	[tilespmem:s24+$0xFFFFFF20] =	vst v2  }
0x6f: {  	[tilespmem:s24+$0xFFFFFF00] =	vst v2  }
0x70: {  	[tilespmem:s24+$0xFFFFFF10] =	vst v2  }
0x71: {  	v2 =	vld.idx.msk [tilespmem:v3+s16+$0x0], $0xffff;
	_ =	sdelay $0x4  }
0x72: {  	s29 =	sadd.s32 $0x2, s23  }
0x73: {  	v3 =	vmov s29;
	[tilespmem:s24+$0xFFFFFFF0] =	vst v2  }
0x74: {  	v3 =	vand.u32 $0xFFFFFFFE, v3;
	[tilespmem:s24+$0xFFFFFFB0] =	vst v2  }
0x75: {  	v3 =	vbroadcast v3, $0x0;
	[tilespmem:s24+$0xFFFFFFE0] =	vst v2  }
0x76: {  	[tilespmem:s24+$0xFFFFFFD0] =	vst v2  }
0x77: {  	[tilespmem:s24+$0xFFFFFFC0] =	vst v2  }
0x78: {  	[tilespmem:s24+$0xFFFFFFA0] =	vst v2  }
0x79: {  	[tilespmem:s24+$0xFFFFFF80] =	vst v2  }
0x7a: {  	[tilespmem:s24+$0xFFFFFF90] =	vst v2  }
0x7b: {  	v2 =	vld.idx.msk [tilespmem:v3+s16+$0x0], $0xffff;
	_ =	sdelay $0x5  }
0x7c: {  	[tilespmem:s24+$0x70] =	vst v2  }
.Ltmp1:
0x7d: {  	[tilespmem:s24+$0x20] =	vst v2;
	(pc) =	sbr.rel @p0 .LBB2_5-.Ltmp1, $4  }
0x7e: {  	s29 =	sadd.s32 $0x3, s23;
	s23 =	smov.u32 s28;
	[tilespmem:s24+$0x60] =	vst v2  }
0x7f: {  	v3 =	vmov s29;
	[tilespmem:s24+$0x50] =	vst v2  }
0x80: {  	[tilespmem:s24+$0x40] =	vst v2  }
0x81: {  	[tilespmem:s24+$0x0] =	vst v2  }
0x82: {  	_ =	sdelay $0x1  }
0x83: {  	[tilespmem:s24+$0x10] =	vst v2  }
0x84: {  	[tilespmem:s24+$0x30] =	vst v2  }
0x85: {  	v2 =	vld.idx.msk [tilespmem:v3+s16+$0x0], $0xffff;
	_ =	sdelay $0x4  }
0x86: {  	[tilespmem:s24+$0x80] =	vst v2  }
0x87: {  	[tilespmem:s24+$0x90] =	vst v2  }
0x88: {  	[tilespmem:s24+$0xA0] =	vst v2  }
0x89: {  	[tilespmem:s24+$0xB0] =	vst v2  }
0x8a: {  	[tilespmem:s24+$0xC0] =	vst v2  }
0x8b: {  	[tilespmem:s24+$0xD0] =	vst v2  }
0x8c: {  	[tilespmem:s24+$0xE0] =	vst v2  }
0x8d: {  	[tilespmem:s24+$0xF0] =	vst v2  }
0x8e: {  	v1 =	vld.idx.msk [tilespmem:v1+s16+$0x0], $0xffff;
	_ =	sdelay $0x3  }
0x8f: {  	s29 =	sadd.s32 $0x1, s23  }
0x90: {  	v2 =	vmov s29;
	[tilespmem:s22+$0xFFFFFF60] =	vst v1  }
0x91: {  	v2 =	vand.u32 $0xFFFFFFFD, v2;
	[tilespmem:s22+$0xFFFFFF70] =	vst v1  }
0x92: {  	v2 =	vbroadcast v2, $0x0;
	[tilespmem:s22+$0xFFFFFF50] =	vst v1  }
0x93: {  	[tilespmem:s22+$0xFFFFFF40] =	vst v1  }
0x94: {  	[tilespmem:s22+$0xFFFFFF30] =	vst v1  }
0x95: {  	[tilespmem:s22+$0xFFFFFF20] =	vst v1  }
0x96: {  	[tilespmem:s22+$0xFFFFFF00] =	vst v1  }
0x97: {  	[tilespmem:s22+$0xFFFFFF10] =	vst v1  }
0x98: {  	v1 =	vld.idx.msk [tilespmem:v2+s16+$0x0], $0xffff;
	_ =	sdelay $0x3  }
0x99: {  	s30 =	sadd.s32 $0x2, s23  }
0x9a: {  	v2 =	vmov s30;
	[tilespmem:s22+$0xFFFFFFF0] =	vst v1  }
0x9b: {  	v2 =	vand.u32 $0xFFFFFFFE, v2;
	[tilespmem:s22+$0xFFFFFFB0] =	vst v1  }
0x9c: {  	v2 =	vbroadcast v2, $0x0;
	[tilespmem:s22+$0xFFFFFFE0] =	vst v1  }
0x9d: {  	[tilespmem:s22+$0xFFFFFFD0] =	vst v1  }
0x9e: {  	[tilespmem:s22+$0xFFFFFFC0] =	vst v1  }
0x9f: {  	[tilespmem:s22+$0xFFFFFFA0] =	vst v1  }
0xa0: {  	[tilespmem:s22+$0xFFFFFF80] =	vst v1  }
0xa1: {  	[tilespmem:s22+$0xFFFFFF90] =	vst v1  }
0xa2: {  	v1 =	vld.idx.msk [tilespmem:v2+s16+$0x0], $0xffff;
	_ =	sdelay $0x4  }
0xa3: {  	[tilespmem:s22+$0x70] =	vst v1  }
0xa4: {  	[tilespmem:s22+$0x20] =	vst v1  }
0xa5: {  	s31 =	sadd.s32 $0x3, s23;
	[tilespmem:s22+$0x60] =	vst v1  }
0xa6: {  	v2 =	vmov s31;
	[tilespmem:s22+$0x50] =	vst v1  }
0xa7: {  	[tilespmem:s22+$0x40] =	vst v1  }
0xa8: {  	[tilespmem:s22+$0x0] =	vst v1  }
0xa9: {  	[tilespmem:s22+$0x10] =	vst v1  }
0xaa: {  	[tilespmem:s22+$0x30] =	vst v1  }
0xab: {  	v1 =	vld.idx.msk [tilespmem:v2+s16+$0x0], $0xffff;
	_ =	sdelay $0x4  }
0xac: {  	[tilespmem:s22+$0x80] =	vst v1  }
0xad: {  	[tilespmem:s22+$0x90] =	vst v1  }
0xae: {  	[tilespmem:s22+$0xA0] =	vst v1  }
0xaf: {  	[tilespmem:s22+$0xB0] =	vst v1  }
0xb0: {  	[tilespmem:s22+$0xC0] =	vst v1  }
0xb1: {  	s21 =	sadd.s32 $0x1, s21;
	[tilespmem:s22+$0xD0] =	vst v1  }
0xb2: {  	p0 =	sne.s32 s21, $0x4F;
	[tilespmem:s22+$0xE0] =	vst v1  }
.Ltmp2:
0xb3: {  	[tilespmem:s22+$0xF0] =	vst v1;
	(pc) =	sbr.rel @p0 .LBB2_4-.Ltmp2, $4  }
0xb4: {  	[spmem:s1] =	stream.indirect.scatter.add.f32 [tilespmem:s14], [sflag:$0x1], $0x80, s3, s16, $0xb8;
	[tilespmem:$0x18100] =	vst v63  }
0xb5: {  	_ =	swait.ge [sflag:s15], $0x4000  }
0xb6: {  	[sflag:s15] =	ssyncset.done $0x0  }
0xb7: {  	[sflag:s15] =	ssyncadd.s32 $0xFFFFC000  }
0xb8: {  	s19 =	sadd.s32 $0x1, s19  }
0xb9: {  	p0 =	sne.s32 s19, s9  }
.Ltmp3:
0xba: {  	[bflag:$0x0] =	sbarrier.arrive $0xFFFF;
	(pc) =	sbr.rel @p0 .LBB2_1-.Ltmp3, $4  }
0xbb: {  	[hbm:s8], [sflag:s17] =	dma.local [spmem:s18], $0x2800  }
0xbc: {  	_ =	swait.ge [sflag:s15], $0x2800  }
0xbd: {  	[sflag:s15] =	ssyncset.done $0x0  }
0xbe: {  	[sflag:s15] =	ssyncadd.s32 $0xFFFFD800  }
0xbf: {  	_ =	sfence.sel $0x180000  }
0xc0: {  	[bflag:$0x0] =	sbarrier.arrive $0xFFFF  }
0xc1: {  	p0 =	sne.s32 s2, $0x0;
	_ =	strace $0x90000047  }
0xc2: {  	s0 =	sadd.s32 @!p0 $0x100000, s0;
	[bflag:$0x2] =	sbarrier.arrive $0xFFFF  }
0xc3: {  	[sflag:s0] =	ssyncadd.tile.s32 @!p0 $0x1;
	_ =	shalt  }
.Lfunc_end2:
_tile_overlayer_lowered:
.L_overlay_start_2:
0xc4: {  	(tag) =	ssettag $0x2  }
0xc5: {  	s0 =	rddreg [dreg:$0x0];
	s2 =	stileid.u32  }
0xc6: {  	s1 =	rddreg [dreg:$0x1];
	p0 =	sne.s32 s2, $0x0  }
0xc7: {  	s3 =	rddreg [dreg:$0x2];
	[bflag:$0x3] =	sbarrier.arrive $0xFFFF;
	s2 =	simm.s32 @!p0 $0x1C01  }
0xc8: {  	[timem:s3], [sflag:s2] =	dma.local @!p0 [hbm:s0], s1  }
0xc9: {  	s0 =	simm.s32 @!p0 $0x1  }
0xca: {  	_ =	swait.ge @!p0 [sflag:s0], s1  }
0xcb: {  	s1 =	ssub.s32 @!p0 $0x0, s1;
	[sflag:s0] =	ssyncset.done @!p0 $0x0  }
0xcc: {  	[sflag:s0] =	ssyncadd.s32 @!p0 s1  }
0xcd: {  	[bflag:$0x3] =	sbarrier.arrive $0xFFFF  }
0xce: {  	_ =	shalt  }

</sc_bundles>
